<compile_context>
chip_gen: v7x
topology: tpu7x:2x2x1
jax: 0.10.2.dev20260603
libtpu: 0.0.44.dev20260713+nightly
codegen_flags: <defaults>
</compile_context>

<pallas_src>
import functools

import jax
import jax.numpy as jnp
from jax import lax
from jax.experimental import pallas as pl
from jax.experimental.pallas import tpu as pltpu
from jax.experimental.pallas import tpu_sc as plsc

N = 10000
NP = 10240
E = 320000
D = 128

NC = 2
NS = 16
NW = NC * NS
PER_W = E // NW
CH = 128
NCHT = (PER_W + CH - 1) // CH
PAD = NCHT * CH - PER_W
CHE = 80
NCHE = PER_W // CHE
RPT = NP // NS

DEG_GROUPS = ((0, 26), (26, 52), (52, NCHT))


def _mesh():
    return plsc.VectorSubcoreMesh(core_axis_name="c", subcore_axis_name="s")


@functools.partial(
    pl.kernel,
    out_type=jax.ShapeDtypeStruct((NC, NP), jnp.float32),
    mesh=_mesh(),
    scratch_types=[
        pltpu.VMEM((NCHT, CH), jnp.int32),
        pltpu.VMEM((CH,), jnp.float32),
        pltpu.VMEM_SHARED((NP,), jnp.float32),
        pltpu.SemaphoreType.DMA,
    ],
)
def _sc_degree(dstp_hbm, zeros_hbm, ones_hbm, cnt_hbm, dst_i, ones_v, cnt_sh,
               sem):
    c = lax.axis_index("c")
    s = lax.axis_index("s")
    wid = s * NC + c
    pltpu.sync_copy(zeros_hbm.at[pl.ds(s * RPT, RPT)],
                    cnt_sh.at[pl.ds(s * RPT, RPT)])
    pltpu.sync_copy(dstp_hbm.at[wid], dst_i)
    pltpu.sync_copy(ones_hbm, ones_v)
    plsc.subcore_barrier()

    for lo, hi in DEG_GROUPS:
        def fire(i, carry):
            pltpu.async_copy(ones_v, cnt_sh.at[dst_i.at[i]], sem, add=True)
            return carry

        lax.fori_loop(lo, hi, fire, 0)

        def drain(i, carry):
            pltpu.make_async_copy(ones_v, cnt_sh.at[dst_i.at[i]], sem).wait()
            return carry

        lax.fori_loop(lo, hi, drain, 0)

    plsc.subcore_barrier()
    pltpu.sync_copy(cnt_sh.at[pl.ds(s * RPT, RPT)],
                    cnt_hbm.at[c, pl.ds(s * RPT, RPT)])


@functools.partial(
    pl.kernel,
    out_type=jax.ShapeDtypeStruct((NC, NP, D), jnp.float32),
    mesh=_mesh(),
    scratch_types=[
        pltpu.VMEM((PER_W,), jnp.int32),
        pltpu.VMEM((8, CHE), jnp.int32),
        pltpu.VMEM((CHE, D), jnp.float32),
        pltpu.VMEM((CHE, D), jnp.float32),
        pltpu.VMEM((CHE, D), jnp.float32),
        pltpu.VMEM_SHARED((NP, D), jnp.float32),
        pltpu.SemaphoreType.DMA,
        pltpu.SemaphoreType.DMA,
    ],
)
def _sc_edges(g_hbm, sd_hbm, zeros_hbm, p_hbm,
              sd_v, sl, rows_a, rows_b, rows_c, acc_sh, sem_g, sem_s):
    c = lax.axis_index("c")
    s = lax.axis_index("s")
    wid = s * NC + c
    pltpu.sync_copy(zeros_hbm.at[pl.ds(s * RPT, RPT)],
                    acc_sh.at[pl.ds(s * RPT, RPT)])
    pltpu.sync_copy(sd_hbm.at[pl.ds(wid * PER_W, PER_W)], sd_v)
    plsc.subcore_barrier()

    rows_ = (rows_a, rows_b, rows_c)

    def widen(j, k):
        for m in range(CHE // 16):
            v = sd_v[pl.ds(j * CHE + m * 16, 16)]
            sl[k, pl.ds(m * 16, 16)] = v & 0xFFFF
            sl[k + 4, pl.ds(m * 16, 16)] = v >> 16

    def fire_g(k):
        pltpu.async_copy(g_hbm.at[sl.at[k]], rows_[k], sem_g)

    def wait_g(k):
        pltpu.make_async_copy(g_hbm.at[sl.at[k]], rows_[k], sem_g).wait()

    def fire_s(k):
        pltpu.async_copy(rows_[k], acc_sh.at[sl.at[k + 4]], sem_s, add=True)

    def wait_s(k):
        pltpu.make_async_copy(rows_[k], acc_sh.at[sl.at[k + 4]], sem_s).wait()

    widen(0, 0)
    fire_g(0)
    widen(1, 1)
    fire_g(1)
    wait_g(0)
    fire_s(0)
    widen(2, 2)
    fire_g(2)
    wait_g(1)
    fire_s(1)

    def body(j, carry):
        for o in range(3):
            i = 3 * j + 2 + o
            kf = (2 + o) % 3
            kw = o % 3
            wait_s(kw)
            widen(i + 1, kw)
            fire_g(kw)
            wait_g(kf)
            fire_s(kf)
        return carry

    lax.fori_loop(0, (NCHE - 5) // 3, body, 0)

    wait_s(0)
    widen(NCHE - 2, 0)
    fire_g(0)
    wait_g(2)
    fire_s(2)
    wait_s(1)
    widen(NCHE - 1, 1)
    fire_g(1)
    wait_g(0)
    fire_s(0)
    wait_s(2)
    wait_g(1)
    fire_s(1)
    wait_s(0)
    wait_s(1)

    plsc.subcore_barrier()
    pltpu.sync_copy(acc_sh.at[pl.ds(s * RPT, RPT)],
                    p_hbm.at[c, pl.ds(s * RPT, RPT)])


def _tc_prep_body(x_ref, w_ref, cnt_ref, g_ref, dinv_ref):
    h = jnp.dot(x_ref[...], w_ref[...], preferred_element_type=jnp.float32)
    deg = (cnt_ref[0] + cnt_ref[1] + 1.0)[:, None]
    dinv = lax.rsqrt(deg)
    dinv_ref[...] = dinv
    g_ref[pl.ds(0, N)] = h * dinv[:N]


_tc_prep = pl.pallas_call(
    _tc_prep_body,
    out_shape=[
        jax.ShapeDtypeStruct((NP, D), jnp.float32),
        jax.ShapeDtypeStruct((NP, 1), jnp.float32),
    ],
)


def _tc_finish_body(p_ref, g_ref, dinv_ref, b_ref, o_ref):
    tot = p_ref[0, :N] + p_ref[1, :N] + g_ref[:N]
    o_ref[...] = jnp.maximum(tot * dinv_ref[:N] + b_ref[...], 0.0)


_tc_finish = pl.pallas_call(
    _tc_finish_body,
    out_shape=jax.ShapeDtypeStruct((N, D), jnp.float32),
)


def kernel(t, x, edge_index, W, b):
    src2 = edge_index[0].reshape(NW, PER_W)
    dst2 = edge_index[1].reshape(NW, PER_W)
    dst_p = jnp.concatenate(
        [dst2, jnp.full((NW, PAD), N + 16, jnp.int32)],
        axis=1).reshape(NW, NCHT, CH)
    sd_p = (src2 | (dst2 << 16)).reshape(E)
    zeros_np = jnp.zeros((NP,), jnp.float32)
    ones_ch = jnp.ones((CH,), jnp.float32)
    zeros_nd = jnp.zeros((NP, D), jnp.float32)
    cnt = _sc_degree(dst_p, zeros_np, ones_ch)
    g, dinv = _tc_prep(x, W, cnt)
    p = _sc_edges(g, sd_p, zeros_nd)
    return _tc_finish(p, g, dinv, b.reshape(1, D))

# --- scband reference (transcript-rebuilt; emitter-appended) ---
"""Pipeline reference for scband-ndcn-odefunc-52913997087306 (READ-ONLY COPY).

The authoritative reference and input builder live on the scoring server;
editing this copy changes nothing except your own understanding.
"""

import jax, jax.numpy as jnp
import numpy as np

N = 10000
E = 320000
D = 128

def setup_inputs(seed: int = 0) -> dict:
    key = jax.random.key(seed)
    k1, k2, k3 = jax.random.split(key, 3)
    x = jax.random.normal(k1, (N, D), dtype=jnp.float32)
    edge_index = jax.random.randint(k2, (2, E), 0, N, dtype=jnp.int32)
    # GCNConv params: weight [D, D] (glorot-ish), bias [D]
    W = jax.random.normal(k3, (D, D), dtype=jnp.float32) / jnp.sqrt(D)
    b = jnp.zeros((D,), dtype=jnp.float32)
    t = jnp.float32(0.0)
    return {"t": t, "x": x, "edge_index": edge_index, "W": W, "b": b}

def reference(t, x, edge_index, W, b):
    # NDCN_odefunc.forward(t, x) = act(GCNConv(x, edge_index))
    # GCNConv: linear transform, add self-loops, symmetric normalization, scatter-add, bias
    n = x.shape[0]
    loop = jnp.arange(n, dtype=edge_index.dtype)
    src = jnp.concatenate([edge_index[0], loop])
    dst = jnp.concatenate([edge_index[1], loop])
    h = x @ W
    # degree computed on destination nodes (with self-loops)
    deg = jnp.zeros((n,), dtype=x.dtype).at[dst].add(1.0)
    dinv = jnp.where(deg > 0, 1.0 / jnp.sqrt(deg), 0.0)
    norm = dinv[src] * dinv[dst]
    msg = h[src] * norm[:, None]
    out = jnp.zeros((n, h.shape[1]), dtype=x.dtype).at[dst].add(msg)
    out = out + b
    return jax.nn.relu(out)

if __name__ == "__main__":
    import jax
    _d = setup_inputs()
    print(jax.jit(kernel)(*tuple(_d.values())))

</pallas_src>

<mosaic_0001>
#map = affine_map<(d0, d1) -> (0, 0)>
#map1 = affine_map<(d0, d1) -> (0)>
#map2 = affine_map<(d0, d1) -> (0, 0, 0)>
module attributes {stable_mosaic.version = 14 : i64} {
  func.func @_sc_edges(%arg0: i32, %arg1: i32, %arg2: memref<10240x128xf32, #tpu.memory_space<hbm>>, %arg3: memref<320000xi32, #tpu.memory_space<hbm>>, %arg4: memref<10240x128xf32, #tpu.memory_space<hbm>>, %arg5: memref<2x10240x128xf32, #tpu.memory_space<hbm>>, %arg6: memref<10000xi32, #tpu.memory_space<vmem>>, %arg7: memref<8x80xi32, #tpu.memory_space<vmem>>, %arg8: memref<80x128xf32, #tpu.memory_space<vmem>>, %arg9: memref<80x128xf32, #tpu.memory_space<vmem>>, %arg10: memref<80x128xf32, #tpu.memory_space<vmem>>, %arg11: memref<10240x128xf32, #tpu.memory_space<vmem_shared>>, %arg12: memref<!tpu.dma_semaphore, #tpu.memory_space<semaphore_mem>>, %arg13: memref<!tpu.dma_semaphore, #tpu.memory_space<semaphore_mem>>) attributes {dimension_semantics = [#tpu.dimension_semantics<core_parallel>, #tpu.dimension_semantics<subcore_parallel>], iteration_bounds = array<i64: 2, 16>, scalar_prefetch = 0 : i64, scratch_operands = 8 : i64, tpu.core_type = #tpu.core_type<sc_vector_subcore>, window_params = [{transform_indices = #map}, {transform_indices = #map1}, {transform_indices = #map}, {transform_indices = #map2}]} {
    %mul3A = arith.constant 2 : i32
    %mul3A_0 = arith.muli %arg1, %mul3A : i32
    %add3A = arith.addi %mul3A_0, %arg0 : i32
    %mul3A_1 = arith.constant 640 : i32
    %mul3A_2 = arith.muli %arg1, %mul3A_1 : i32
    %mul3A_3 = arith.constant 640 : i32
    %mul3A_4 = arith.muli %arg1, %mul3A_3 : i32
    "tpu.region"() ({
      %run_scoped3A = tpu.sem_alloc : memref<!tpu.dma_semaphore, #tpu.memory_space<semaphore_mem>>
      %dma_start3A_676 = arith.constant 0 : i32
      %dma_start3A_677 = tpu.memref_slice %arg11[%mul3A_4, %dma_start3A_676] : memref<10240x128xf32, #tpu.memory_space<vmem_shared>> -> memref<640x128xf32, #tpu.memory_space<vmem_shared>>
      %dma_start3A_678 = arith.constant 0 : i32
      %dma_start3A_679 = tpu.memref_slice %arg4[%mul3A_2, %dma_start3A_678] : memref<10240x128xf32, #tpu.memory_space<hbm>> -> memref<640x128xf32, #tpu.memory_space<hbm>>
      tpu.enqueue_dma source(%dma_start3A_679 : memref<640x128xf32, #tpu.memory_space<hbm>>) target(%dma_start3A_677 : memref<640x128xf32, #tpu.memory_space<vmem_shared>>) target_semaphore(%run_scoped3A : memref<!tpu.dma_semaphore, #tpu.memory_space<semaphore_mem>>)
      %dma_wait3A_680 = arith.constant 0 : i32
      %dma_wait3A_681 = tpu.memref_slice %arg11[%mul3A_4, %dma_wait3A_680] : memref<10240x128xf32, #tpu.memory_space<vmem_shared>> -> memref<640x128xf32, #tpu.memory_space<vmem_shared>>
      %dma_wait3A_682 = arith.constant 0 : i32
      %dma_wait3A_683 = tpu.memref_slice %arg4[%mul3A_2, %dma_wait3A_682] : memref<10240x128xf32, #tpu.memory_space<hbm>> -> memref<640x128xf32, #tpu.memory_space<hbm>>
      tpu.wait_dma2 semaphore(%run_scoped3A : memref<!tpu.dma_semaphore, #tpu.memory_space<semaphore_mem>>) src(%dma_wait3A_683 : memref<640x128xf32, #tpu.memory_space<hbm>>) dst(%dma_wait3A_681 : memref<640x128xf32, #tpu.memory_space<vmem_shared>>)
      tpu.yield
    }) : () -> ()
    %mul3A_5 = arith.constant 10000 : i32
    %mul3A_6 = arith.muli %add3A, %mul3A_5 : i32
    "tpu.region"() ({
      %run_scoped3A = tpu.sem_alloc : memref<!tpu.dma_semaphore, #tpu.memory_space<semaphore_mem>>
      %dma_start3A_676 = tpu.memref_slice %arg3[%mul3A_6] : memref<320000xi32, #tpu.memory_space<hbm>> -> memref<10000xi32, #tpu.memory_space<hbm>>
      %dma_start3A_677 = tpu.memref_slice %arg3[%mul3A_6] : memref<320000xi32, #tpu.memory_space<hbm>> -> memref<10000xi32, #tpu.memory_space<hbm>>
      tpu.enqueue_dma source(%dma_start3A_677 : memref<10000xi32, #tpu.memory_space<hbm>>) target(%arg6 : memref<10000xi32, #tpu.memory_space<vmem>>) target_semaphore(%run_scoped3A : memref<!tpu.dma_semaphore, #tpu.memory_space<semaphore_mem>>)
      %dma_wait3A_678 = tpu.memref_slice %arg3[%mul3A_6] : memref<320000xi32, #tpu.memory_space<hbm>> -> memref<10000xi32, #tpu.memory_space<hbm>>
      %dma_wait3A_679 = tpu.memref_slice %arg3[%mul3A_6] : memref<320000xi32, #tpu.memory_space<hbm>> -> memref<10000xi32, #tpu.memory_space<hbm>>
      tpu.wait_dma2 semaphore(%run_scoped3A : memref<!tpu.dma_semaphore, #tpu.memory_space<semaphore_mem>>) src(%dma_wait3A_679 : memref<10000xi32, #tpu.memory_space<hbm>>) dst(%arg6 : memref<10000xi32, #tpu.memory_space<vmem>>)
      tpu.yield
    }) : () -> ()
    %barrier3A = arith.constant 0 : index
    tpu.barrier barrier_id(%barrier3A)
    %get3A = arith.constant 0 : index
    %get3A_7 = tpu.vector_load %arg6[%get3A] {strides = array<i32>} : memref<10000xi32, #tpu.memory_space<vmem>>, vector<16xi32>,
    %get3A_8 = vector.shape_cast %get3A_7 : vector<16xi32> to vector<16xi32>
    %and3A = arith.constant 65535 : i32
    %and3A_9 = vector.broadcast %and3A : i32 to vector<16xi32>
    %and3A_10 = arith.andi %get3A_8, %and3A_9 : vector<16xi32>
    %swap3A = arith.constant 0 : i32
    %swap3A_11 = arith.index_cast %swap3A : i32 to index
    %swap3A_12 = arith.constant 0 : index
    %swap3A_13 = tpu.vector_load %arg7[%swap3A_11, %swap3A_12] {strides = array<i32>} : memref<8x80xi32, #tpu.memory_space<vmem>>, vector<1x16xi32>,
    %swap3A_14 = vector.shape_cast %swap3A_13 : vector<1x16xi32> to vector<16xi32>
    %swap3A_15 = vector.shape_cast %and3A_10 : vector<16xi32> to vector<1x16xi32>
    tpu.vector_store %arg7[%swap3A_11, %swap3A_12], %swap3A_15 {strides = array<i32>} : memref<8x80xi32, #tpu.memory_space<vmem>>, vector<1x16xi32>,
    %shift_right_arithmetic3A = arith.constant 16 : i32
    %shift_right_arithmetic3A_16 = vector.broadcast %shift_right_arithmetic3A : i32 to vector<16xi32>
    %shift_right_arithmetic3A_17 = arith.shrsi %get3A_8, %shift_right_arithmetic3A_16 : vector<16xi32>
    %swap3A_18 = arith.constant 4 : i32
    %swap3A_19 = arith.index_cast %swap3A_18 : i32 to index
    %swap3A_20 = arith.constant 0 : index
    %swap3A_21 = tpu.vector_load %arg7[%swap3A_19, %swap3A_20] {strides = array<i32>} : memref<8x80xi32, #tpu.memory_space<vmem>>, vector<1x16xi32>,
    %swap3A_22 = vector.shape_cast %swap3A_21 : vector<1x16xi32> to vector<16xi32>
    %swap3A_23 = vector.shape_cast %shift_right_arithmetic3A_17 : vector<16xi32> to vector<1x16xi32>
    tpu.vector_store %arg7[%swap3A_19, %swap3A_20], %swap3A_23 {strides = array<i32>} : memref<8x80xi32, #tpu.memory_space<vmem>>, vector<1x16xi32>,
    %get3A_24 = arith.constant 16 : index
    %get3A_25 = tpu.vector_load %arg6[%get3A_24] {strides = array<i32>} : memref<10000xi32, #tpu.memory_space<vmem>>, vector<16xi32>,
    %get3A_26 = vector.shape_cast %get3A_25 : vector<16xi32> to vector<16xi32>
    %and3A_27 = arith.constant 65535 : i32
    %and3A_28 = vector.broadcast %and3A_27 : i32 to vector<16xi32>
    %and3A_29 = arith.andi %get3A_26, %and3A_28 : vector<16xi32>
    %swap3A_30 = arith.constant 0 : i32
    %swap3A_31 = arith.index_cast %swap3A_30 : i32 to index
    %swap3A_32 = arith.constant 16 : index
    %swap3A_33 = tpu.vector_load %arg7[%swap3A_31, %swap3A_32] {strides = array<i32>} : memref<8x80xi32, #tpu.memory_space<vmem>>, vector<1x16xi32>,
    %swap3A_34 = vector.shape_cast %swap3A_33 : vector<1x16xi32> to vector<16xi32>
    %swap3A_35 = vector.shape_cast %and3A_29 : vector<16xi32> to vector<1x16xi32>
    tpu.vector_store %arg7[%swap3A_31, %swap3A_32], %swap3A_35 {strides = array<i32>} : memref<8x80xi32, #tpu.memory_space<vmem>>, vector<1x16xi32>,
    %shift_right_arithmetic3A_36 = arith.constant 16 : i32
    %shift_right_arithmetic3A_37 = vector.broadcast %shift_right_arithmetic3A_36 : i32 to vector<16xi32>
    %shift_right_arithmetic3A_38 = arith.shrsi %get3A_26, %shift_right_arithmetic3A_37 : vector<16xi32>
    %swap3A_39 = arith.constant 4 : i32
    %swap3A_40 = arith.index_cast %swap3A_39 : i32 to index
    %swap3A_41 = arith.constant 16 : index
    %swap3A_42 = tpu.vector_load %arg7[%swap3A_40, %swap3A_41] {strides = array<i32>} : memref<8x80xi32, #tpu.memory_space<vmem>>, vector<1x16xi32>,
    %swap3A_43 = vector.shape_cast %swap3A_42 : vector<1x16xi32> to vector<16xi32>
    %swap3A_44 = vector.shape_cast %shift_right_arithmetic3A_38 : vector<16xi32> to vector<1x16xi32>
    tpu.vector_store %arg7[%swap3A_40, %swap3A_41], %swap3A_44 {strides = array<i32>} : memref<8x80xi32, #tpu.memory_space<vmem>>, vector<1x16xi32>,
    %get3A_45 = arith.constant 32 : index
    %get3A_46 = tpu.vector_load %arg6[%get3A_45] {strides = array<i32>} : memref<10000xi32, #tpu.memory_space<vmem>>, vector<16xi32>,
    %get3A_47 = vector.shape_cast %get3A_46 : vector<16xi32> to vector<16xi32>
    %and3A_48 = arith.constant 65535 : i32
    %and3A_49 = vector.broadcast %and3A_48 : i32 to vector<16xi32>
    %and3A_50 = arith.andi %get3A_47, %and3A_49 : vector<16xi32>
    %swap3A_51 = arith.constant 0 : i32
    %swap3A_52 = arith.index_cast %swap3A_51 : i32 to index
    %swap3A_53 = arith.constant 32 : index
    %swap3A_54 = tpu.vector_load %arg7[%swap3A_52, %swap3A_53] {strides = array<i32>} : memref<8x80xi32, #tpu.memory_space<vmem>>, vector<1x16xi32>,
    %swap3A_55 = vector.shape_cast %swap3A_54 : vector<1x16xi32> to vector<16xi32>
    %swap3A_56 = vector.shape_cast %and3A_50 : vector<16xi32> to vector<1x16xi32>
    tpu.vector_store %arg7[%swap3A_52, %swap3A_53], %swap3A_56 {strides = array<i32>} : memref<8x80xi32, #tpu.memory_space<vmem>>, vector<1x16xi32>,
    %shift_right_arithmetic3A_57 = arith.constant 16 : i32
    %shift_right_arithmetic3A_58 = vector.broadcast %shift_right_arithmetic3A_57 : i32 to vector<16xi32>
    %shift_right_arithmetic3A_59 = arith.shrsi %get3A_47, %shift_right_arithmetic3A_58 : vector<16xi32>
    %swap3A_60 = arith.constant 4 : i32
    %swap3A_61 = arith.index_cast %swap3A_60 : i32 to index
    %swap3A_62 = arith.constant 32 : index
    %swap3A_63 = tpu.vector_load %arg7[%swap3A_61, %swap3A_62] {strides = array<i32>} : memref<8x80xi32, #tpu.memory_space<vmem>>, vector<1x16xi32>,
    %swap3A_64 = vector.shape_cast %swap3A_63 : vector<1x16xi32> to vector<16xi32>
    %swap3A_65 = vector.shape_cast %shift_right_arithmetic3A_59 : vector<16xi32> to vector<1x16xi32>
    tpu.vector_store %arg7[%swap3A_61, %swap3A_62], %swap3A_65 {strides = array<i32>} : memref<8x80xi32, #tpu.memory_space<vmem>>, vector<1x16xi32>,
    %get3A_66 = arith.constant 48 : index
    %get3A_67 = tpu.vector_load %arg6[%get3A_66] {strides = array<i32>} : memref<10000xi32, #tpu.memory_space<vmem>>, vector<16xi32>,
    %get3A_68 = vector.shape_cast %get3A_67 : vector<16xi32> to vector<16xi32>
    %and3A_69 = arith.constant 65535 : i32
    %and3A_70 = vector.broadcast %and3A_69 : i32 to vector<16xi32>
    %and3A_71 = arith.andi %get3A_68, %and3A_70 : vector<16xi32>
    %swap3A_72 = arith.constant 0 : i32
    %swap3A_73 = arith.index_cast %swap3A_72 : i32 to index
    %swap3A_74 = arith.constant 48 : index
    %swap3A_75 = tpu.vector_load %arg7[%swap3A_73, %swap3A_74] {strides = array<i32>} : memref<8x80xi32, #tpu.memory_space<vmem>>, vector<1x16xi32>,
    %swap3A_76 = vector.shape_cast %swap3A_75 : vector<1x16xi32> to vector<16xi32>
    %swap3A_77 = vector.shape_cast %and3A_71 : vector<16xi32> to vector<1x16xi32>
    tpu.vector_store %arg7[%swap3A_73, %swap3A_74], %swap3A_77 {strides = array<i32>} : memref<8x80xi32, #tpu.memory_space<vmem>>, vector<1x16xi32>,
    %shift_right_arithmetic3A_78 = arith.constant 16 : i32
    %shift_right_arithmetic3A_79 = vector.broadcast %shift_right_arithmetic3A_78 : i32 to vector<16xi32>
    %shift_right_arithmetic3A_80 = arith.shrsi %get3A_68, %shift_right_arithmetic3A_79 : vector<16xi32>
    %swap3A_81 = arith.constant 4 : i32
    %swap3A_82 = arith.index_cast %swap3A_81 : i32 to index
    %swap3A_83 = arith.constant 48 : index
    %swap3A_84 = tpu.vector_load %arg7[%swap3A_82, %swap3A_83] {strides = array<i32>} : memref<8x80xi32, #tpu.memory_space<vmem>>, vector<1x16xi32>,
    %swap3A_85 = vector.shape_cast %swap3A_84 : vector<1x16xi32> to vector<16xi32>
    %swap3A_86 = vector.shape_cast %shift_right_arithmetic3A_80 : vector<16xi32> to vector<1x16xi32>
    tpu.vector_store %arg7[%swap3A_82, %swap3A_83], %swap3A_86 {strides = array<i32>} : memref<8x80xi32, #tpu.memory_space<vmem>>, vector<1x16xi32>,
    %get3A_87 = arith.constant 64 : index
    %get3A_88 = tpu.vector_load %arg6[%get3A_87] {strides = array<i32>} : memref<10000xi32, #tpu.memory_space<vmem>>, vector<16xi32>,
    %get3A_89 = vector.shape_cast %get3A_88 : vector<16xi32> to vector<16xi32>
    %and3A_90 = arith.constant 65535 : i32
    %and3A_91 = vector.broadcast %and3A_90 : i32 to vector<16xi32>
    %and3A_92 = arith.andi %get3A_89, %and3A_91 : vector<16xi32>
    %swap3A_93 = arith.constant 0 : i32
    %swap3A_94 = arith.index_cast %swap3A_93 : i32 to index
    %swap3A_95 = arith.constant 64 : index
    %swap3A_96 = tpu.vector_load %arg7[%swap3A_94, %swap3A_95] {strides = array<i32>} : memref<8x80xi32, #tpu.memory_space<vmem>>, vector<1x16xi32>,
    %swap3A_97 = vector.shape_cast %swap3A_96 : vector<1x16xi32> to vector<16xi32>
    %swap3A_98 = vector.shape_cast %and3A_92 : vector<16xi32> to vector<1x16xi32>
    tpu.vector_store %arg7[%swap3A_94, %swap3A_95], %swap3A_98 {strides = array<i32>} : memref<8x80xi32, #tpu.memory_space<vmem>>, vector<1x16xi32>,
    %shift_right_arithmetic3A_99 = arith.constant 16 : i32
    %shift_right_arithmetic3A_100 = vector.broadcast %shift_right_arithmetic3A_99 : i32 to vector<16xi32>
    %shift_right_arithmetic3A_101 = arith.shrsi %get3A_89, %shift_right_arithmetic3A_100 : vector<16xi32>
    %swap3A_102 = arith.constant 4 : i32
    %swap3A_103 = arith.index_cast %swap3A_102 : i32 to index
    %swap3A_104 = arith.constant 64 : index
    %swap3A_105 = tpu.vector_load %arg7[%swap3A_103, %swap3A_104] {strides = array<i32>} : memref<8x80xi32, #tpu.memory_space<vmem>>, vector<1x16xi32>,
    %swap3A_106 = vector.shape_cast %swap3A_105 : vector<1x16xi32> to vector<16xi32>
    %swap3A_107 = vector.shape_cast %shift_right_arithmetic3A_101 : vector<16xi32> to vector<1x16xi32>
    tpu.vector_store %arg7[%swap3A_103, %swap3A_104], %swap3A_107 {strides = array<i32>} : memref<8x80xi32, #tpu.memory_space<vmem>>, vector<1x16xi32>,
    %dma_start3A = arith.constant 0 : i32
    %dma_start3A_108 = arith.constant 0 : i32
    %dma_start3A_109 = tpu.memref_slice %arg7[%dma_start3A, %dma_start3A_108] : memref<8x80xi32, #tpu.memory_space<vmem>> -> memref<1x80xi32, #tpu.memory_space<vmem>>
    %dma_start3A_110 = tpu.memref_squeeze %dma_start3A_109 : memref<1x80xi32, #tpu.memory_space<vmem>> -> memref<80xi32, #tpu.memory_space<vmem>>
    %dma_start3A_111 = arith.constant 0 : i32
    %dma_start3A_112 = arith.constant 0 : i32
    %dma_start3A_113 = tpu.memref_slice %arg2[%dma_start3A_111, %dma_start3A_112] : memref<10240x128xf32, #tpu.memory_space<hbm>> -> memref<10240x128xf32, #tpu.memory_space<hbm>>
    tpu.enqueue_indirect_dma source(%dma_start3A_113 : memref<10240x128xf32, #tpu.memory_space<hbm>>) target(%arg8 : memref<80x128xf32, #tpu.memory_space<vmem>>) offsets(%dma_start3A_110 : memref<80xi32, #tpu.memory_space<vmem>>) semaphore(%arg12 : memref<!tpu.dma_semaphore, #tpu.memory_space<semaphore_mem>>)
    %get3A_114 = arith.constant 80 : index
    %get3A_115 = tpu.vector_load %arg6[%get3A_114] {strides = array<i32>} : memref<10000xi32, #tpu.memory_space<vmem>>, vector<16xi32>,
    %get3A_116 = vector.shape_cast %get3A_115 : vector<16xi32> to vector<16xi32>
    %and3A_117 = arith.constant 65535 : i32
    %and3A_118 = vector.broadcast %and3A_117 : i32 to vector<16xi32>
    %and3A_119 = arith.andi %get3A_116, %and3A_118 : vector<16xi32>
    %swap3A_120 = arith.constant 1 : i32
    %swap3A_121 = arith.index_cast %swap3A_120 : i32 to index
    %swap3A_122 = arith.constant 0 : index
    %swap3A_123 = tpu.vector_load %arg7[%swap3A_121, %swap3A_122] {strides = array<i32>} : memref<8x80xi32, #tpu.memory_space<vmem>>, vector<1x16xi32>,
    %swap3A_124 = vector.shape_cast %swap3A_123 : vector<1x16xi32> to vector<16xi32>
    %swap3A_125 = vector.shape_cast %and3A_119 : vector<16xi32> to vector<1x16xi32>
    tpu.vector_store %arg7[%swap3A_121, %swap3A_122], %swap3A_125 {strides = array<i32>} : memref<8x80xi32, #tpu.memory_space<vmem>>, vector<1x16xi32>,
    %shift_right_arithmetic3A_126 = arith.constant 16 : i32
    %shift_right_arithmetic3A_127 = vector.broadcast %shift_right_arithmetic3A_126 : i32 to vector<16xi32>
    %shift_right_arithmetic3A_128 = arith.shrsi %get3A_116, %shift_right_arithmetic3A_127 : vector<16xi32>
    %swap3A_129 = arith.constant 5 : i32
    %swap3A_130 = arith.index_cast %swap3A_129 : i32 to index
    %swap3A_131 = arith.constant 0 : index
    %swap3A_132 = tpu.vector_load %arg7[%swap3A_130, %swap3A_131] {strides = array<i32>} : memref<8x80xi32, #tpu.memory_space<vmem>>, vector<1x16xi32>,
    %swap3A_133 = vector.shape_cast %swap3A_132 : vector<1x16xi32> to vector<16xi32>
    %swap3A_134 = vector.shape_cast %shift_right_arithmetic3A_128 : vector<16xi32> to vector<1x16xi32>
    tpu.vector_store %arg7[%swap3A_130, %swap3A_131], %swap3A_134 {strides = array<i32>} : memref<8x80xi32, #tpu.memory_space<vmem>>, vector<1x16xi32>,
    %get3A_135 = arith.constant 96 : index
    %get3A_136 = tpu.vector_load %arg6[%get3A_135] {strides = array<i32>} : memref<10000xi32, #tpu.memory_space<vmem>>, vector<16xi32>,
    %get3A_137 = vector.shape_cast %get3A_136 : vector<16xi32> to vector<16xi32>
    %and3A_138 = arith.constant 65535 : i32
    %and3A_139 = vector.broadcast %and3A_138 : i32 to vector<16xi32>
    %and3A_140 = arith.andi %get3A_137, %and3A_139 : vector<16xi32>
    %swap3A_141 = arith.constant 1 : i32
    %swap3A_142 = arith.index_cast %swap3A_141 : i32 to index
    %swap3A_143 = arith.constant 16 : index
    %swap3A_144 = tpu.vector_load %arg7[%swap3A_142, %swap3A_143] {strides = array<i32>} : memref<8x80xi32, #tpu.memory_space<vmem>>, vector<1x16xi32>,
    %swap3A_145 = vector.shape_cast %swap3A_144 : vector<1x16xi32> to vector<16xi32>
    %swap3A_146 = vector.shape_cast %and3A_140 : vector<16xi32> to vector<1x16xi32>
    tpu.vector_store %arg7[%swap3A_142, %swap3A_143], %swap3A_146 {strides = array<i32>} : memref<8x80xi32, #tpu.memory_space<vmem>>, vector<1x16xi32>,
    %shift_right_arithmetic3A_147 = arith.constant 16 : i32
    %shift_right_arithmetic3A_148 = vector.broadcast %shift_right_arithmetic3A_147 : i32 to vector<16xi32>
    %shift_right_arithmetic3A_149 = arith.shrsi %get3A_137, %shift_right_arithmetic3A_148 : vector<16xi32>
    %swap3A_150 = arith.constant 5 : i32
    %swap3A_151 = arith.index_cast %swap3A_150 : i32 to index
    %swap3A_152 = arith.constant 16 : index
    %swap3A_153 = tpu.vector_load %arg7[%swap3A_151, %swap3A_152] {strides = array<i32>} : memref<8x80xi32, #tpu.memory_space<vmem>>, vector<1x16xi32>,
    %swap3A_154 = vector.shape_cast %swap3A_153 : vector<1x16xi32> to vector<16xi32>
    %swap3A_155 = vector.shape_cast %shift_right_arithmetic3A_149 : vector<16xi32> to vector<1x16xi32>
    tpu.vector_store %arg7[%swap3A_151, %swap3A_152], %swap3A_155 {strides = array<i32>} : memref<8x80xi32, #tpu.memory_space<vmem>>, vector<1x16xi32>,
    %get3A_156 = arith.constant 112 : index
    %get3A_157 = tpu.vector_load %arg6[%get3A_156] {strides = array<i32>} : memref<10000xi32, #tpu.memory_space<vmem>>, vector<16xi32>,
    %get3A_158 = vector.shape_cast %get3A_157 : vector<16xi32> to vector<16xi32>
    %and3A_159 = arith.constant 65535 : i32
    %and3A_160 = vector.broadcast %and3A_159 : i32 to vector<16xi32>
    %and3A_161 = arith.andi %get3A_158, %and3A_160 : vector<16xi32>
    %swap3A_162 = arith.constant 1 : i32
    %swap3A_163 = arith.index_cast %swap3A_162 : i32 to index
    %swap3A_164 = arith.constant 32 : index
    %swap3A_165 = tpu.vector_load %arg7[%swap3A_163, %swap3A_164] {strides = array<i32>} : memref<8x80xi32, #tpu.memory_space<vmem>>, vector<1x16xi32>,
    %swap3A_166 = vector.shape_cast %swap3A_165 : vector<1x16xi32> to vector<16xi32>
    %swap3A_167 = vector.shape_cast %and3A_161 : vector<16xi32> to vector<1x16xi32>
    tpu.vector_store %arg7[%swap3A_163, %swap3A_164], %swap3A_167 {strides = array<i32>} : memref<8x80xi32, #tpu.memory_space<vmem>>, vector<1x16xi32>,
    %shift_right_arithmetic3A_168 = arith.constant 16 : i32
    %shift_right_arithmetic3A_169 = vector.broadcast %shift_right_arithmetic3A_168 : i32 to vector<16xi32>
    %shift_right_arithmetic3A_170 = arith.shrsi %get3A_158, %shift_right_arithmetic3A_169 : vector<16xi32>
    %swap3A_171 = arith.constant 5 : i32
    %swap3A_172 = arith.index_cast %swap3A_171 : i32 to index
    %swap3A_173 = arith.constant 32 : index
    %swap3A_174 = tpu.vector_load %arg7[%swap3A_172, %swap3A_173] {strides = array<i32>} : memref<8x80xi32, #tpu.memory_space<vmem>>, vector<1x16xi32>,
    %swap3A_175 = vector.shape_cast %swap3A_174 : vector<1x16xi32> to vector<16xi32>
    %swap3A_176 = vector.shape_cast %shift_right_arithmetic3A_170 : vector<16xi32> to vector<1x16xi32>
    tpu.vector_store %arg7[%swap3A_172, %swap3A_173], %swap3A_176 {strides = array<i32>} : memref<8x80xi32, #tpu.memory_space<vmem>>, vector<1x16xi32>,
    %get3A_177 = arith.constant 128 : index
    %get3A_178 = tpu.vector_load %arg6[%get3A_177] {strides = array<i32>} : memref<10000xi32, #tpu.memory_space<vmem>>, vector<16xi32>,
    %get3A_179 = vector.shape_cast %get3A_178 : vector<16xi32> to vector<16xi32>
    %and3A_180 = arith.constant 65535 : i32
    %and3A_181 = vector.broadcast %and3A_180 : i32 to vector<16xi32>
    %and3A_182 = arith.andi %get3A_179, %and3A_181 : vector<16xi32>
    %swap3A_183 = arith.constant 1 : i32
    %swap3A_184 = arith.index_cast %swap3A_183 : i32 to index
    %swap3A_185 = arith.constant 48 : index
    %swap3A_186 = tpu.vector_load %arg7[%swap3A_184, %swap3A_185] {strides = array<i32>} : memref<8x80xi32, #tpu.memory_space<vmem>>, vector<1x16xi32>,
    %swap3A_187 = vector.shape_cast %swap3A_186 : vector<1x16xi32> to vector<16xi32>
    %swap3A_188 = vector.shape_cast %and3A_182 : vector<16xi32> to vector<1x16xi32>
    tpu.vector_store %arg7[%swap3A_184, %swap3A_185], %swap3A_188 {strides = array<i32>} : memref<8x80xi32, #tpu.memory_space<vmem>>, vector<1x16xi32>,
    %shift_right_arithmetic3A_189 = arith.constant 16 : i32
    %shift_right_arithmetic3A_190 = vector.broadcast %shift_right_arithmetic3A_189 : i32 to vector<16xi32>
    %shift_right_arithmetic3A_191 = arith.shrsi %get3A_179, %shift_right_arithmetic3A_190 : vector<16xi32>
    %swap3A_192 = arith.constant 5 : i32
    %swap3A_193 = arith.index_cast %swap3A_192 : i32 to index
    %swap3A_194 = arith.constant 48 : index
    %swap3A_195 = tpu.vector_load %arg7[%swap3A_193, %swap3A_194] {strides = array<i32>} : memref<8x80xi32, #tpu.memory_space<vmem>>, vector<1x16xi32>,
    %swap3A_196 = vector.shape_cast %swap3A_195 : vector<1x16xi32> to vector<16xi32>
    %swap3A_197 = vector.shape_cast %shift_right_arithmetic3A_191 : vector<16xi32> to vector<1x16xi32>
    tpu.vector_store %arg7[%swap3A_193, %swap3A_194], %swap3A_197 {strides = array<i32>} : memref<8x80xi32, #tpu.memory_space<vmem>>, vector<1x16xi32>,
    %get3A_198 = arith.constant 144 : index
    %get3A_199 = tpu.vector_load %arg6[%get3A_198] {strides = array<i32>} : memref<10000xi32, #tpu.memory_space<vmem>>, vector<16xi32>,
    %get3A_200 = vector.shape_cast %get3A_199 : vector<16xi32> to vector<16xi32>
    %and3A_201 = arith.constant 65535 : i32
    %and3A_202 = vector.broadcast %and3A_201 : i32 to vector<16xi32>
    %and3A_203 = arith.andi %get3A_200, %and3A_202 : vector<16xi32>
    %swap3A_204 = arith.constant 1 : i32
    %swap3A_205 = arith.index_cast %swap3A_204 : i32 to index
    %swap3A_206 = arith.constant 64 : index
    %swap3A_207 = tpu.vector_load %arg7[%swap3A_205, %swap3A_206] {strides = array<i32>} : memref<8x80xi32, #tpu.memory_space<vmem>>, vector<1x16xi32>,
    %swap3A_208 = vector.shape_cast %swap3A_207 : vector<1x16xi32> to vector<16xi32>
    %swap3A_209 = vector.shape_cast %and3A_203 : vector<16xi32> to vector<1x16xi32>
    tpu.vector_store %arg7[%swap3A_205, %swap3A_206], %swap3A_209 {strides = array<i32>} : memref<8x80xi32, #tpu.memory_space<vmem>>, vector<1x16xi32>,
    %shift_right_arithmetic3A_210 = arith.constant 16 : i32
    %shift_right_arithmetic3A_211 = vector.broadcast %shift_right_arithmetic3A_210 : i32 to vector<16xi32>
    %shift_right_arithmetic3A_212 = arith.shrsi %get3A_200, %shift_right_arithmetic3A_211 : vector<16xi32>
    %swap3A_213 = arith.constant 5 : i32
    %swap3A_214 = arith.index_cast %swap3A_213 : i32 to index
    %swap3A_215 = arith.constant 64 : index
    %swap3A_216 = tpu.vector_load %arg7[%swap3A_214, %swap3A_215] {strides = array<i32>} : memref<8x80xi32, #tpu.memory_space<vmem>>, vector<1x16xi32>,
    %swap3A_217 = vector.shape_cast %swap3A_216 : vector<1x16xi32> to vector<16xi32>
    %swap3A_218 = vector.shape_cast %shift_right_arithmetic3A_212 : vector<16xi32> to vector<1x16xi32>
    tpu.vector_store %arg7[%swap3A_214, %swap3A_215], %swap3A_218 {strides = array<i32>} : memref<8x80xi32, #tpu.memory_space<vmem>>, vector<1x16xi32>,
    %dma_start3A_219 = arith.constant 1 : i32
    %dma_start3A_220 = arith.constant 0 : i32
    %dma_start3A_221 = tpu.memref_slice %arg7[%dma_start3A_219, %dma_start3A_220] : memref<8x80xi32, #tpu.memory_space<vmem>> -> memref<1x80xi32, #tpu.memory_space<vmem>>
    %dma_start3A_222 = tpu.memref_squeeze %dma_start3A_221 : memref<1x80xi32, #tpu.memory_space<vmem>> -> memref<80xi32, #tpu.memory_space<vmem>>
    %dma_start3A_223 = arith.constant 0 : i32
    %dma_start3A_224 = arith.constant 0 : i32
    %dma_start3A_225 = tpu.memref_slice %arg2[%dma_start3A_223, %dma_start3A_224] : memref<10240x128xf32, #tpu.memory_space<hbm>> -> memref<10240x128xf32, #tpu.memory_space<hbm>>
    tpu.enqueue_indirect_dma source(%dma_start3A_225 : memref<10240x128xf32, #tpu.memory_space<hbm>>) target(%arg9 : memref<80x128xf32, #tpu.memory_space<vmem>>) offsets(%dma_start3A_222 : memref<80xi32, #tpu.memory_space<vmem>>) semaphore(%arg12 : memref<!tpu.dma_semaphore, #tpu.memory_space<semaphore_mem>>)
    %dma_wait3A = arith.constant 0 : i32
    %dma_wait3A_226 = arith.constant 0 : i32
    %dma_wait3A_227 = tpu.memref_slice %arg7[%dma_wait3A, %dma_wait3A_226] : memref<8x80xi32, #tpu.memory_space<vmem>> -> memref<1x80xi32, #tpu.memory_space<vmem>>
    %dma_wait3A_228 = tpu.memref_squeeze %dma_wait3A_227 : memref<1x80xi32, #tpu.memory_space<vmem>> -> memref<80xi32, #tpu.memory_space<vmem>>
    %dma_wait3A_229 = arith.constant 0 : i32
    %dma_wait3A_230 = arith.constant 0 : i32
    %dma_wait3A_231 = tpu.memref_slice %arg2[%dma_wait3A_229, %dma_wait3A_230] : memref<10240x128xf32, #tpu.memory_space<hbm>> -> memref<10240x128xf32, #tpu.memory_space<hbm>>
    tpu.wait_indirect_dma semaphore(%arg12 : memref<!tpu.dma_semaphore, #tpu.memory_space<semaphore_mem>>) src(%dma_wait3A_231 : memref<10240x128xf32, #tpu.memory_space<hbm>>) dst(%arg8 : memref<80x128xf32, #tpu.memory_space<vmem>>)
    %dma_start3A_232 = arith.constant 4 : i32
    %dma_start3A_233 = arith.constant 0 : i32
    %dma_start3A_234 = tpu.memref_slice %arg7[%dma_start3A_232, %dma_start3A_233] : memref<8x80xi32, #tpu.memory_space<vmem>> -> memref<1x80xi32, #tpu.memory_space<vmem>>
    %dma_start3A_235 = tpu.memref_squeeze %dma_start3A_234 : memref<1x80xi32, #tpu.memory_space<vmem>> -> memref<80xi32, #tpu.memory_space<vmem>>
    %dma_start3A_236 = arith.constant 0 : i32
    %dma_start3A_237 = arith.constant 0 : i32
    %dma_start3A_238 = tpu.memref_slice %arg11[%dma_start3A_236, %dma_start3A_237] : memref<10240x128xf32, #tpu.memory_space<vmem_shared>> -> memref<10240x128xf32, #tpu.memory_space<vmem_shared>>
    tpu.enqueue_indirect_dma source(%arg8 : memref<80x128xf32, #tpu.memory_space<vmem>>) target(%dma_start3A_238 : memref<10240x128xf32, #tpu.memory_space<vmem_shared>>) offsets(%dma_start3A_235 : memref<80xi32, #tpu.memory_space<vmem>>) semaphore(%arg13 : memref<!tpu.dma_semaphore, #tpu.memory_space<semaphore_mem>>) {add = true}
    %get3A_239 = arith.constant 160 : index
    %get3A_240 = tpu.vector_load %arg6[%get3A_239] {strides = array<i32>} : memref<10000xi32, #tpu.memory_space<vmem>>, vector<16xi32>,
    %get3A_241 = vector.shape_cast %get3A_240 : vector<16xi32> to vector<16xi32>
    %and3A_242 = arith.constant 65535 : i32
    %and3A_243 = vector.broadcast %and3A_242 : i32 to vector<16xi32>
    %and3A_244 = arith.andi %get3A_241, %and3A_243 : vector<16xi32>
    %swap3A_245 = arith.constant 2 : i32
    %swap3A_246 = arith.index_cast %swap3A_245 : i32 to index
    %swap3A_247 = arith.constant 0 : index
    %swap3A_248 = tpu.vector_load %arg7[%swap3A_246, %swap3A_247] {strides = array<i32>} : memref<8x80xi32, #tpu.memory_space<vmem>>, vector<1x16xi32>,
    %swap3A_249 = vector.shape_cast %swap3A_248 : vector<1x16xi32> to vector<16xi32>
    %swap3A_250 = vector.shape_cast %and3A_244 : vector<16xi32> to vector<1x16xi32>
    tpu.vector_store %arg7[%swap3A_246, %swap3A_247], %swap3A_250 {strides = array<i32>} : memref<8x80xi32, #tpu.memory_space<vmem>>, vector<1x16xi32>,
    %shift_right_arithmetic3A_251 = arith.constant 16 : i32
    %shift_right_arithmetic3A_252 = vector.broadcast %shift_right_arithmetic3A_251 : i32 to vector<16xi32>
    %shift_right_arithmetic3A_253 = arith.shrsi %get3A_241, %shift_right_arithmetic3A_252 : vector<16xi32>
    %swap3A_254 = arith.constant 6 : i32
    %swap3A_255 = arith.index_cast %swap3A_254 : i32 to index
    %swap3A_256 = arith.constant 0 : index
    %swap3A_257 = tpu.vector_load %arg7[%swap3A_255, %swap3A_256] {strides = array<i32>} : memref<8x80xi32, #tpu.memory_space<vmem>>, vector<1x16xi32>,
    %swap3A_258 = vector.shape_cast %swap3A_257 : vector<1x16xi32> to vector<16xi32>
    %swap3A_259 = vector.shape_cast %shift_right_arithmetic3A_253 : vector<16xi32> to vector<1x16xi32>
    tpu.vector_store %arg7[%swap3A_255, %swap3A_256], %swap3A_259 {strides = array<i32>} : memref<8x80xi32, #tpu.memory_space<vmem>>, vector<1x16xi32>,
    %get3A_260 = arith.constant 176 : index
    %get3A_261 = tpu.vector_load %arg6[%get3A_260] {strides = array<i32>} : memref<10000xi32, #tpu.memory_space<vmem>>, vector<16xi32>,
    %get3A_262 = vector.shape_cast %get3A_261 : vector<16xi32> to vector<16xi32>
    %and3A_263 = arith.constant 65535 : i32
    %and3A_264 = vector.broadcast %and3A_263 : i32 to vector<16xi32>
    %and3A_265 = arith.andi %get3A_262, %and3A_264 : vector<16xi32>
    %swap3A_266 = arith.constant 2 : i32
    %swap3A_267 = arith.index_cast %swap3A_266 : i32 to index
    %swap3A_268 = arith.constant 16 : index
    %swap3A_269 = tpu.vector_load %arg7[%swap3A_267, %swap3A_268] {strides = array<i32>} : memref<8x80xi32, #tpu.memory_space<vmem>>, vector<1x16xi32>,
    %swap3A_270 = vector.shape_cast %swap3A_269 : vector<1x16xi32> to vector<16xi32>
    %swap3A_271 = vector.shape_cast %and3A_265 : vector<16xi32> to vector<1x16xi32>
    tpu.vector_store %arg7[%swap3A_267, %swap3A_268], %swap3A_271 {strides = array<i32>} : memref<8x80xi32, #tpu.memory_space<vmem>>, vector<1x16xi32>,
    %shift_right_arithmetic3A_272 = arith.constant 16 : i32
    %shift_right_arithmetic3A_273 = vector.broadcast %shift_right_arithmetic3A_272 : i32 to vector<16xi32>
    %shift_right_arithmetic3A_274 = arith.shrsi %get3A_262, %shift_right_arithmetic3A_273 : vector<16xi32>
    %swap3A_275 = arith.constant 6 : i32
    %swap3A_276 = arith.index_cast %swap3A_275 : i32 to index
    %swap3A_277 = arith.constant 16 : index
    %swap3A_278 = tpu.vector_load %arg7[%swap3A_276, %swap3A_277] {strides = array<i32>} : memref<8x80xi32, #tpu.memory_space<vmem>>, vector<1x16xi32>,
    %swap3A_279 = vector.shape_cast %swap3A_278 : vector<1x16xi32> to vector<16xi32>
    %swap3A_280 = vector.shape_cast %shift_right_arithmetic3A_274 : vector<16xi32> to vector<1x16xi32>
    tpu.vector_store %arg7[%swap3A_276, %swap3A_277], %swap3A_280 {strides = array<i32>} : memref<8x80xi32, #tpu.memory_space<vmem>>, vector<1x16xi32>,
    %get3A_281 = arith.constant 192 : index
    %get3A_282 = tpu.vector_load %arg6[%get3A_281] {strides = array<i32>} : memref<10000xi32, #tpu.memory_space<vmem>>, vector<16xi32>,
    %get3A_283 = vector.shape_cast %get3A_282 : vector<16xi32> to vector<16xi32>
    %and3A_284 = arith.constant 65535 : i32
    %and3A_285 = vector.broadcast %and3A_284 : i32 to vector<16xi32>
    %and3A_286 = arith.andi %get3A_283, %and3A_285 : vector<16xi32>
    %swap3A_287 = arith.constant 2 : i32
    %swap3A_288 = arith.index_cast %swap3A_287 : i32 to index
    %swap3A_289 = arith.constant 32 : index
    %swap3A_290 = tpu.vector_load %arg7[%swap3A_288, %swap3A_289] {strides = array<i32>} : memref<8x80xi32, #tpu.memory_space<vmem>>, vector<1x16xi32>,
    %swap3A_291 = vector.shape_cast %swap3A_290 : vector<1x16xi32> to vector<16xi32>
    %swap3A_292 = vector.shape_cast %and3A_286 : vector<16xi32> to vector<1x16xi32>
    tpu.vector_store %arg7[%swap3A_288, %swap3A_289], %swap3A_292 {strides = array<i32>} : memref<8x80xi32, #tpu.memory_space<vmem>>, vector<1x16xi32>,
    %shift_right_arithmetic3A_293 = arith.constant 16 : i32
    %shift_right_arithmetic3A_294 = vector.broadcast %shift_right_arithmetic3A_293 : i32 to vector<16xi32>
    %shift_right_arithmetic3A_295 = arith.shrsi %get3A_283, %shift_right_arithmetic3A_294 : vector<16xi32>
    %swap3A_296 = arith.constant 6 : i32
    %swap3A_297 = arith.index_cast %swap3A_296 : i32 to index
    %swap3A_298 = arith.constant 32 : index
    %swap3A_299 = tpu.vector_load %arg7[%swap3A_297, %swap3A_298] {strides = array<i32>} : memref<8x80xi32, #tpu.memory_space<vmem>>, vector<1x16xi32>,
    %swap3A_300 = vector.shape_cast %swap3A_299 : vector<1x16xi32> to vector<16xi32>
    %swap3A_301 = vector.shape_cast %shift_right_arithmetic3A_295 : vector<16xi32> to vector<1x16xi32>
    tpu.vector_store %arg7[%swap3A_297, %swap3A_298], %swap3A_301 {strides = array<i32>} : memref<8x80xi32, #tpu.memory_space<vmem>>, vector<1x16xi32>,
    %get3A_302 = arith.constant 208 : index
    %get3A_303 = tpu.vector_load %arg6[%get3A_302] {strides = array<i32>} : memref<10000xi32, #tpu.memory_space<vmem>>, vector<16xi32>,
    %get3A_304 = vector.shape_cast %get3A_303 : vector<16xi32> to vector<16xi32>
    %and3A_305 = arith.constant 65535 : i32
    %and3A_306 = vector.broadcast %and3A_305 : i32 to vector<16xi32>
    %and3A_307 = arith.andi %get3A_304, %and3A_306 : vector<16xi32>
    %swap3A_308 = arith.constant 2 : i32
    %swap3A_309 = arith.index_cast %swap3A_308 : i32 to index
    %swap3A_310 = arith.constant 48 : index
    %swap3A_311 = tpu.vector_load %arg7[%swap3A_309, %swap3A_310] {strides = array<i32>} : memref<8x80xi32, #tpu.memory_space<vmem>>, vector<1x16xi32>,
    %swap3A_312 = vector.shape_cast %swap3A_311 : vector<1x16xi32> to vector<16xi32>
    %swap3A_313 = vector.shape_cast %and3A_307 : vector<16xi32> to vector<1x16xi32>
    tpu.vector_store %arg7[%swap3A_309, %swap3A_310], %swap3A_313 {strides = array<i32>} : memref<8x80xi32, #tpu.memory_space<vmem>>, vector<1x16xi32>,
    %shift_right_arithmetic3A_314 = arith.constant 16 : i32
    %shift_right_arithmetic3A_315 = vector.broadcast %shift_right_arithmetic3A_314 : i32 to vector<16xi32>
    %shift_right_arithmetic3A_316 = arith.shrsi %get3A_304, %shift_right_arithmetic3A_315 : vector<16xi32>
    %swap3A_317 = arith.constant 6 : i32
    %swap3A_318 = arith.index_cast %swap3A_317 : i32 to index
    %swap3A_319 = arith.constant 48 : index
    %swap3A_320 = tpu.vector_load %arg7[%swap3A_318, %swap3A_319] {strides = array<i32>} : memref<8x80xi32, #tpu.memory_space<vmem>>, vector<1x16xi32>,
    %swap3A_321 = vector.shape_cast %swap3A_320 : vector<1x16xi32> to vector<16xi32>
    %swap3A_322 = vector.shape_cast %shift_right_arithmetic3A_316 : vector<16xi32> to vector<1x16xi32>
    tpu.vector_store %arg7[%swap3A_318, %swap3A_319], %swap3A_322 {strides = array<i32>} : memref<8x80xi32, #tpu.memory_space<vmem>>, vector<1x16xi32>,
    %get3A_323 = arith.constant 224 : index
    %get3A_324 = tpu.vector_load %arg6[%get3A_323] {strides = array<i32>} : memref<10000xi32, #tpu.memory_space<vmem>>, vector<16xi32>,
    %get3A_325 = vector.shape_cast %get3A_324 : vector<16xi32> to vector<16xi32>
    %and3A_326 = arith.constant 65535 : i32
    %and3A_327 = vector.broadcast %and3A_326 : i32 to vector<16xi32>
    %and3A_328 = arith.andi %get3A_325, %and3A_327 : vector<16xi32>
    %swap3A_329 = arith.constant 2 : i32
    %swap3A_330 = arith.index_cast %swap3A_329 : i32 to index
    %swap3A_331 = arith.constant 64 : index
    %swap3A_332 = tpu.vector_load %arg7[%swap3A_330, %swap3A_331] {strides = array<i32>} : memref<8x80xi32, #tpu.memory_space<vmem>>, vector<1x16xi32>,
    %swap3A_333 = vector.shape_cast %swap3A_332 : vector<1x16xi32> to vector<16xi32>
    %swap3A_334 = vector.shape_cast %and3A_328 : vector<16xi32> to vector<1x16xi32>
    tpu.vector_store %arg7[%swap3A_330, %swap3A_331], %swap3A_334 {strides = array<i32>} : memref<8x80xi32, #tpu.memory_space<vmem>>, vector<1x16xi32>,
    %shift_right_arithmetic3A_335 = arith.constant 16 : i32
    %shift_right_arithmetic3A_336 = vector.broadcast %shift_right_arithmetic3A_335 : i32 to vector<16xi32>
    %shift_right_arithmetic3A_337 = arith.shrsi %get3A_325, %shift_right_arithmetic3A_336 : vector<16xi32>
    %swap3A_338 = arith.constant 6 : i32
    %swap3A_339 = arith.index_cast %swap3A_338 : i32 to index
    %swap3A_340 = arith.constant 64 : index
    %swap3A_341 = tpu.vector_load %arg7[%swap3A_339, %swap3A_340] {strides = array<i32>} : memref<8x80xi32, #tpu.memory_space<vmem>>, vector<1x16xi32>,
    %swap3A_342 = vector.shape_cast %swap3A_341 : vector<1x16xi32> to vector<16xi32>
    %swap3A_343 = vector.shape_cast %shift_right_arithmetic3A_337 : vector<16xi32> to vector<1x16xi32>
    tpu.vector_store %arg7[%swap3A_339, %swap3A_340], %swap3A_343 {strides = array<i32>} : memref<8x80xi32, #tpu.memory_space<vmem>>, vector<1x16xi32>,
    %dma_start3A_344 = arith.constant 2 : i32
    %dma_start3A_345 = arith.constant 0 : i32
    %dma_start3A_346 = tpu.memref_slice %arg7[%dma_start3A_344, %dma_start3A_345] : memref<8x80xi32, #tpu.memory_space<vmem>> -> memref<1x80xi32, #tpu.memory_space<vmem>>
    %dma_start3A_347 = tpu.memref_squeeze %dma_start3A_346 : memref<1x80xi32, #tpu.memory_space<vmem>> -> memref<80xi32, #tpu.memory_space<vmem>>
    %dma_start3A_348 = arith.constant 0 : i32
    %dma_start3A_349 = arith.constant 0 : i32
    %dma_start3A_350 = tpu.memref_slice %arg2[%dma_start3A_348, %dma_start3A_349] : memref<10240x128xf32, #tpu.memory_space<hbm>> -> memref<10240x128xf32, #tpu.memory_space<hbm>>
    tpu.enqueue_indirect_dma source(%dma_start3A_350 : memref<10240x128xf32, #tpu.memory_space<hbm>>) target(%arg10 : memref<80x128xf32, #tpu.memory_space<vmem>>) offsets(%dma_start3A_347 : memref<80xi32, #tpu.memory_space<vmem>>) semaphore(%arg12 : memref<!tpu.dma_semaphore, #tpu.memory_space<semaphore_mem>>)
    %dma_wait3A_351 = arith.constant 1 : i32
    %dma_wait3A_352 = arith.constant 0 : i32
    %dma_wait3A_353 = tpu.memref_slice %arg7[%dma_wait3A_351, %dma_wait3A_352] : memref<8x80xi32, #tpu.memory_space<vmem>> -> memref<1x80xi32, #tpu.memory_space<vmem>>
    %dma_wait3A_354 = tpu.memref_squeeze %dma_wait3A_353 : memref<1x80xi32, #tpu.memory_space<vmem>> -> memref<80xi32, #tpu.memory_space<vmem>>
    %dma_wait3A_355 = arith.constant 0 : i32
    %dma_wait3A_356 = arith.constant 0 : i32
    %dma_wait3A_357 = tpu.memref_slice %arg2[%dma_wait3A_355, %dma_wait3A_356] : memref<10240x128xf32, #tpu.memory_space<hbm>> -> memref<10240x128xf32, #tpu.memory_space<hbm>>
    tpu.wait_indirect_dma semaphore(%arg12 : memref<!tpu.dma_semaphore, #tpu.memory_space<semaphore_mem>>) src(%dma_wait3A_357 : memref<10240x128xf32, #tpu.memory_space<hbm>>) dst(%arg9 : memref<80x128xf32, #tpu.memory_space<vmem>>)
    %dma_start3A_358 = arith.constant 5 : i32
    %dma_start3A_359 = arith.constant 0 : i32
    %dma_start3A_360 = tpu.memref_slice %arg7[%dma_start3A_358, %dma_start3A_359] : memref<8x80xi32, #tpu.memory_space<vmem>> -> memref<1x80xi32, #tpu.memory_space<vmem>>
    %dma_start3A_361 = tpu.memref_squeeze %dma_start3A_360 : memref<1x80xi32, #tpu.memory_space<vmem>> -> memref<80xi32, #tpu.memory_space<vmem>>
    %dma_start3A_362 = arith.constant 0 : i32
    %dma_start3A_363 = arith.constant 0 : i32
    %dma_start3A_364 = tpu.memref_slice %arg11[%dma_start3A_362, %dma_start3A_363] : memref<10240x128xf32, #tpu.memory_space<vmem_shared>> -> memref<10240x128xf32, #tpu.memory_space<vmem_shared>>
    tpu.enqueue_indirect_dma source(%arg9 : memref<80x128xf32, #tpu.memory_space<vmem>>) target(%dma_start3A_364 : memref<10240x128xf32, #tpu.memory_space<vmem_shared>>) offsets(%dma_start3A_361 : memref<80xi32, #tpu.memory_space<vmem>>) semaphore(%arg13 : memref<!tpu.dma_semaphore, #tpu.memory_space<semaphore_mem>>) {add = true}
    %scan3A = arith.constant 0 : i32
    %scan3A_365 = arith.constant 0 : i32
    %scan3A_366 = arith.constant 40 : i32
    %scan3A_367 = arith.addi %scan3A_365, %scan3A_366 : i32
    %scan3A_368 = arith.constant 1 : i32
    scf.for %scan3A_676 = %scan3A_365 to %scan3A_367 step %scan3A_368  : i32 {
      %mul3A_677 = arith.constant 3 : i32
      %mul3A_678 = arith.muli %mul3A_677, %scan3A_676 : i32
      %add3A_679 = arith.constant 2 : i32
      %add3A_680 = arith.addi %mul3A_678, %add3A_679 : i32
      %add3A_681 = arith.constant 0 : i32
      %add3A_682 = arith.addi %add3A_680, %add3A_681 : i32
      %dma_wait3A_683 = arith.constant 4 : i32
      %dma_wait3A_684 = arith.constant 0 : i32
      %dma_wait3A_685 = tpu.memref_slice %arg7[%dma_wait3A_683, %dma_wait3A_684] : memref<8x80xi32, #tpu.memory_space<vmem>> -> memref<1x80xi32, #tpu.memory_space<vmem>>
      %dma_wait3A_686 = tpu.memref_squeeze %dma_wait3A_685 : memref<1x80xi32, #tpu.memory_space<vmem>> -> memref<80xi32, #tpu.memory_space<vmem>>
      %dma_wait3A_687 = arith.constant 0 : i32
      %dma_wait3A_688 = arith.constant 0 : i32
      %dma_wait3A_689 = tpu.memref_slice %arg11[%dma_wait3A_687, %dma_wait3A_688] : memref<10240x128xf32, #tpu.memory_space<vmem_shared>> -> memref<10240x128xf32, #tpu.memory_space<vmem_shared>>
      tpu.wait_indirect_dma semaphore(%arg13 : memref<!tpu.dma_semaphore, #tpu.memory_space<semaphore_mem>>) src(%arg8 : memref<80x128xf32, #tpu.memory_space<vmem>>) dst(%dma_wait3A_689 : memref<10240x128xf32, #tpu.memory_space<vmem_shared>>)
      %add3A_690 = arith.constant 1 : i32
      %add3A_691 = arith.addi %add3A_682, %add3A_690 : i32
      %mul3A_692 = arith.constant 80 : i32
      %mul3A_693 = arith.muli %add3A_691, %mul3A_692 : i32
      %add3A_694 = arith.constant 0 : i32
      %add3A_695 = arith.addi %mul3A_693, %add3A_694 : i32
      %get3A_696 = arith.index_cast %add3A_695 : i32 to index
      %get3A_697 = tpu.vector_load %arg6[%get3A_696] {strides = array<i32>} : memref<10000xi32, #tpu.memory_space<vmem>>, vector<16xi32>,
      %get3A_698 = vector.shape_cast %get3A_697 : vector<16xi32> to vector<16xi32>
      %and3A_699 = arith.constant 65535 : i32
      %and3A_700 = vector.broadcast %and3A_699 : i32 to vector<16xi32>
      %and3A_701 = arith.andi %get3A_698, %and3A_700 : vector<16xi32>
      %swap3A_702 = arith.constant 0 : i32
      %swap3A_703 = arith.index_cast %swap3A_702 : i32 to index
      %swap3A_704 = arith.constant 0 : index
      %swap3A_705 = tpu.vector_load %arg7[%swap3A_703, %swap3A_704] {strides = array<i32>} : memref<8x80xi32, #tpu.memory_space<vmem>>, vector<1x16xi32>,
      %swap3A_706 = vector.shape_cast %swap3A_705 : vector<1x16xi32> to vector<16xi32>
      %swap3A_707 = vector.shape_cast %and3A_701 : vector<16xi32> to vector<1x16xi32>
      tpu.vector_store %arg7[%swap3A_703, %swap3A_704], %swap3A_707 {strides = array<i32>} : memref<8x80xi32, #tpu.memory_space<vmem>>, vector<1x16xi32>,
      %shift_right_arithmetic3A_708 = arith.constant 16 : i32
      %shift_right_arithmetic3A_709 = vector.broadcast %shift_right_arithmetic3A_708 : i32 to vector<16xi32>
      %shift_right_arithmetic3A_710 = arith.shrsi %get3A_698, %shift_right_arithmetic3A_709 : vector<16xi32>
      %swap3A_711 = arith.constant 4 : i32
      %swap3A_712 = arith.index_cast %swap3A_711 : i32 to index
      %swap3A_713 = arith.constant 0 : index
      %swap3A_714 = tpu.vector_load %arg7[%swap3A_712, %swap3A_713] {strides = array<i32>} : memref<8x80xi32, #tpu.memory_space<vmem>>, vector<1x16xi32>,
      %swap3A_715 = vector.shape_cast %swap3A_714 : vector<1x16xi32> to vector<16xi32>
      %swap3A_716 = vector.shape_cast %shift_right_arithmetic3A_710 : vector<16xi32> to vector<1x16xi32>
      tpu.vector_store %arg7[%swap3A_712, %swap3A_713], %swap3A_716 {strides = array<i32>} : memref<8x80xi32, #tpu.memory_space<vmem>>, vector<1x16xi32>,
      %mul3A_717 = arith.constant 80 : i32
      %mul3A_718 = arith.muli %add3A_691, %mul3A_717 : i32
      %add3A_719 = arith.constant 16 : i32
      %add3A_720 = arith.addi %mul3A_718, %add3A_719 : i32
      %get3A_721 = arith.index_cast %add3A_720 : i32 to index
      %get3A_722 = tpu.vector_load %arg6[%get3A_721] {strides = array<i32>} : memref<10000xi32, #tpu.memory_space<vmem>>, vector<16xi32>,
      %get3A_723 = vector.shape_cast %get3A_722 : vector<16xi32> to vector<16xi32>
      %and3A_724 = arith.constant 65535 : i32
      %and3A_725 = vector.broadcast %and3A_724 : i32 to vector<16xi32>
      %and3A_726 = arith.andi %get3A_723, %and3A_725 : vector<16xi32>
      %swap3A_727 = arith.constant 0 : i32
      %swap3A_728 = arith.index_cast %swap3A_727 : i32 to index
      %swap3A_729 = arith.constant 16 : index
      %swap3A_730 = tpu.vector_load %arg7[%swap3A_728, %swap3A_729] {strides = array<i32>} : memref<8x80xi32, #tpu.memory_space<vmem>>, vector<1x16xi32>,
      %swap3A_731 = vector.shape_cast %swap3A_730 : vector<1x16xi32> to vector<16xi32>
      %swap3A_732 = vector.shape_cast %and3A_726 : vector<16xi32> to vector<1x16xi32>
      tpu.vector_store %arg7[%swap3A_728, %swap3A_729], %swap3A_732 {strides = array<i32>} : memref<8x80xi32, #tpu.memory_space<vmem>>, vector<1x16xi32>,
      %shift_right_arithmetic3A_733 = arith.constant 16 : i32
      %shift_right_arithmetic3A_734 = vector.broadcast %shift_right_arithmetic3A_733 : i32 to vector<16xi32>
      %shift_right_arithmetic3A_735 = arith.shrsi %get3A_723, %shift_right_arithmetic3A_734 : vector<16xi32>
      %swap3A_736 = arith.constant 4 : i32
      %swap3A_737 = arith.index_cast %swap3A_736 : i32 to index
      %swap3A_738 = arith.constant 16 : index
      %swap3A_739 = tpu.vector_load %arg7[%swap3A_737, %swap3A_738] {strides = array<i32>} : memref<8x80xi32, #tpu.memory_space<vmem>>, vector<1x16xi32>,
      %swap3A_740 = vector.shape_cast %swap3A_739 : vector<1x16xi32> to vector<16xi32>
      %swap3A_741 = vector.shape_cast %shift_right_arithmetic3A_735 : vector<16xi32> to vector<1x16xi32>
      tpu.vector_store %arg7[%swap3A_737, %swap3A_738], %swap3A_741 {strides = array<i32>} : memref<8x80xi32, #tpu.memory_space<vmem>>, vector<1x16xi32>,
      %mul3A_742 = arith.constant 80 : i32
      %mul3A_743 = arith.muli %add3A_691, %mul3A_742 : i32
      %add3A_744 = arith.constant 32 : i32
      %add3A_745 = arith.addi %mul3A_743, %add3A_744 : i32
      %get3A_746 = arith.index_cast %add3A_745 : i32 to index
      %get3A_747 = tpu.vector_load %arg6[%get3A_746] {strides = array<i32>} : memref<10000xi32, #tpu.memory_space<vmem>>, vector<16xi32>,
      %get3A_748 = vector.shape_cast %get3A_747 : vector<16xi32> to vector<16xi32>
      %and3A_749 = arith.constant 65535 : i32
      %and3A_750 = vector.broadcast %and3A_749 : i32 to vector<16xi32>
      %and3A_751 = arith.andi %get3A_748, %and3A_750 : vector<16xi32>
      %swap3A_752 = arith.constant 0 : i32
      %swap3A_753 = arith.index_cast %swap3A_752 : i32 to index
      %swap3A_754 = arith.constant 32 : index
      %swap3A_755 = tpu.vector_load %arg7[%swap3A_753, %swap3A_754] {strides = array<i32>} : memref<8x80xi32, #tpu.memory_space<vmem>>, vector<1x16xi32>,
      %swap3A_756 = vector.shape_cast %swap3A_755 : vector<1x16xi32> to vector<16xi32>
      %swap3A_757 = vector.shape_cast %and3A_751 : vector<16xi32> to vector<1x16xi32>
      tpu.vector_store %arg7[%swap3A_753, %swap3A_754], %swap3A_757 {strides = array<i32>} : memref<8x80xi32, #tpu.memory_space<vmem>>, vector<1x16xi32>,
      %shift_right_arithmetic3A_758 = arith.constant 16 : i32
      %shift_right_arithmetic3A_759 = vector.broadcast %shift_right_arithmetic3A_758 : i32 to vector<16xi32>
      %shift_right_arithmetic3A_760 = arith.shrsi %get3A_748, %shift_right_arithmetic3A_759 : vector<16xi32>
      %swap3A_761 = arith.constant 4 : i32
      %swap3A_762 = arith.index_cast %swap3A_761 : i32 to index
      %swap3A_763 = arith.constant 32 : index
      %swap3A_764 = tpu.vector_load %arg7[%swap3A_762, %swap3A_763] {strides = array<i32>} : memref<8x80xi32, #tpu.memory_space<vmem>>, vector<1x16xi32>,
      %swap3A_765 = vector.shape_cast %swap3A_764 : vector<1x16xi32> to vector<16xi32>
      %swap3A_766 = vector.shape_cast %shift_right_arithmetic3A_760 : vector<16xi32> to vector<1x16xi32>
      tpu.vector_store %arg7[%swap3A_762, %swap3A_763], %swap3A_766 {strides = array<i32>} : memref<8x80xi32, #tpu.memory_space<vmem>>, vector<1x16xi32>,
      %mul3A_767 = arith.constant 80 : i32
      %mul3A_768 = arith.muli %add3A_691, %mul3A_767 : i32
      %add3A_769 = arith.constant 48 : i32
      %add3A_770 = arith.addi %mul3A_768, %add3A_769 : i32
      %get3A_771 = arith.index_cast %add3A_770 : i32 to index
      %get3A_772 = tpu.vector_load %arg6[%get3A_771] {strides = array<i32>} : memref<10000xi32, #tpu.memory_space<vmem>>, vector<16xi32>,
      %get3A_773 = vector.shape_cast %get3A_772 : vector<16xi32> to vector<16xi32>
      %and3A_774 = arith.constant 65535 : i32
      %and3A_775 = vector.broadcast %and3A_774 : i32 to vector<16xi32>
      %and3A_776 = arith.andi %get3A_773, %and3A_775 : vector<16xi32>
      %swap3A_777 = arith.constant 0 : i32
      %swap3A_778 = arith.index_cast %swap3A_777 : i32 to index
      %swap3A_779 = arith.constant 48 : index
      %swap3A_780 = tpu.vector_load %arg7[%swap3A_778, %swap3A_779] {strides = array<i32>} : memref<8x80xi32, #tpu.memory_space<vmem>>, vector<1x16xi32>,
      %swap3A_781 = vector.shape_cast %swap3A_780 : vector<1x16xi32> to vector<16xi32>
      %swap3A_782 = vector.shape_cast %and3A_776 : vector<16xi32> to vector<1x16xi32>
      tpu.vector_store %arg7[%swap3A_778, %swap3A_779], %swap3A_782 {strides = array<i32>} : memref<8x80xi32, #tpu.memory_space<vmem>>, vector<1x16xi32>,
      %shift_right_arithmetic3A_783 = arith.constant 16 : i32
      %shift_right_arithmetic3A_784 = vector.broadcast %shift_right_arithmetic3A_783 : i32 to vector<16xi32>
      %shift_right_arithmetic3A_785 = arith.shrsi %get3A_773, %shift_right_arithmetic3A_784 : vector<16xi32>
      %swap3A_786 = arith.constant 4 : i32
      %swap3A_787 = arith.index_cast %swap3A_786 : i32 to index
      %swap3A_788 = arith.constant 48 : index
      %swap3A_789 = tpu.vector_load %arg7[%swap3A_787, %swap3A_788] {strides = array<i32>} : memref<8x80xi32, #tpu.memory_space<vmem>>, vector<1x16xi32>,
      %swap3A_790 = vector.shape_cast %swap3A_789 : vector<1x16xi32> to vector<16xi32>
      %swap3A_791 = vector.shape_cast %shift_right_arithmetic3A_785 : vector<16xi32> to vector<1x16xi32>
      tpu.vector_store %arg7[%swap3A_787, %swap3A_788], %swap3A_791 {strides = array<i32>} : memref<8x80xi32, #tpu.memory_space<vmem>>, vector<1x16xi32>,
      %mul3A_792 = arith.constant 80 : i32
      %mul3A_793 = arith.muli %add3A_691, %mul3A_792 : i32
      %add3A_794 = arith.constant 64 : i32
      %add3A_795 = arith.addi %mul3A_793, %add3A_794 : i32
      %get3A_796 = arith.index_cast %add3A_795 : i32 to index
      %get3A_797 = tpu.vector_load %arg6[%get3A_796] {strides = array<i32>} : memref<10000xi32, #tpu.memory_space<vmem>>, vector<16xi32>,
      %get3A_798 = vector.shape_cast %get3A_797 : vector<16xi32> to vector<16xi32>
      %and3A_799 = arith.constant 65535 : i32
      %and3A_800 = vector.broadcast %and3A_799 : i32 to vector<16xi32>
      %and3A_801 = arith.andi %get3A_798, %and3A_800 : vector<16xi32>
      %swap3A_802 = arith.constant 0 : i32
      %swap3A_803 = arith.index_cast %swap3A_802 : i32 to index
      %swap3A_804 = arith.constant 64 : index
      %swap3A_805 = tpu.vector_load %arg7[%swap3A_803, %swap3A_804] {strides = array<i32>} : memref<8x80xi32, #tpu.memory_space<vmem>>, vector<1x16xi32>,
      %swap3A_806 = vector.shape_cast %swap3A_805 : vector<1x16xi32> to vector<16xi32>
      %swap3A_807 = vector.shape_cast %and3A_801 : vector<16xi32> to vector<1x16xi32>
      tpu.vector_store %arg7[%swap3A_803, %swap3A_804], %swap3A_807 {strides = array<i32>} : memref<8x80xi32, #tpu.memory_space<vmem>>, vector<1x16xi32>,
      %shift_right_arithmetic3A_808 = arith.constant 16 : i32
      %shift_right_arithmetic3A_809 = vector.broadcast %shift_right_arithmetic3A_808 : i32 to vector<16xi32>
      %shift_right_arithmetic3A_810 = arith.shrsi %get3A_798, %shift_right_arithmetic3A_809 : vector<16xi32>
      %swap3A_811 = arith.constant 4 : i32
      %swap3A_812 = arith.index_cast %swap3A_811 : i32 to index
      %swap3A_813 = arith.constant 64 : index
      %swap3A_814 = tpu.vector_load %arg7[%swap3A_812, %swap3A_813] {strides = array<i32>} : memref<8x80xi32, #tpu.memory_space<vmem>>, vector<1x16xi32>,
      %swap3A_815 = vector.shape_cast %swap3A_814 : vector<1x16xi32> to vector<16xi32>
      %swap3A_816 = vector.shape_cast %shift_right_arithmetic3A_810 : vector<16xi32> to vector<1x16xi32>
      tpu.vector_store %arg7[%swap3A_812, %swap3A_813], %swap3A_816 {strides = array<i32>} : memref<8x80xi32, #tpu.memory_space<vmem>>, vector<1x16xi32>,
      %dma_start3A_817 = arith.constant 0 : i32
      %dma_start3A_818 = arith.constant 0 : i32
      %dma_start3A_819 = tpu.memref_slice %arg7[%dma_start3A_817, %dma_start3A_818] : memref<8x80xi32, #tpu.memory_space<vmem>> -> memref<1x80xi32, #tpu.memory_space<vmem>>
      %dma_start3A_820 = tpu.memref_squeeze %dma_start3A_819 : memref<1x80xi32, #tpu.memory_space<vmem>> -> memref<80xi32, #tpu.memory_space<vmem>>
      %dma_start3A_821 = arith.constant 0 : i32
      %dma_start3A_822 = arith.constant 0 : i32
      %dma_start3A_823 = tpu.memref_slice %arg2[%dma_start3A_821, %dma_start3A_822] : memref<10240x128xf32, #tpu.memory_space<hbm>> -> memref<10240x128xf32, #tpu.memory_space<hbm>>
      tpu.enqueue_indirect_dma source(%dma_start3A_823 : memref<10240x128xf32, #tpu.memory_space<hbm>>) target(%arg8 : memref<80x128xf32, #tpu.memory_space<vmem>>) offsets(%dma_start3A_820 : memref<80xi32, #tpu.memory_space<vmem>>) semaphore(%arg12 : memref<!tpu.dma_semaphore, #tpu.memory_space<semaphore_mem>>)
      %dma_wait3A_824 = arith.constant 2 : i32
      %dma_wait3A_825 = arith.constant 0 : i32
      %dma_wait3A_826 = tpu.memref_slice %arg7[%dma_wait3A_824, %dma_wait3A_825] : memref<8x80xi32, #tpu.memory_space<vmem>> -> memref<1x80xi32, #tpu.memory_space<vmem>>
      %dma_wait3A_827 = tpu.memref_squeeze %dma_wait3A_826 : memref<1x80xi32, #tpu.memory_space<vmem>> -> memref<80xi32, #tpu.memory_space<vmem>>
      %dma_wait3A_828 = arith.constant 0 : i32
      %dma_wait3A_829 = arith.constant 0 : i32
      %dma_wait3A_830 = tpu.memref_slice %arg2[%dma_wait3A_828, %dma_wait3A_829] : memref<10240x128xf32, #tpu.memory_space<hbm>> -> memref<10240x128xf32, #tpu.memory_space<hbm>>
      tpu.wait_indirect_dma semaphore(%arg12 : memref<!tpu.dma_semaphore, #tpu.memory_space<semaphore_mem>>) src(%dma_wait3A_830 : memref<10240x128xf32, #tpu.memory_space<hbm>>) dst(%arg10 : memref<80x128xf32, #tpu.memory_space<vmem>>)
      %dma_start3A_831 = arith.constant 6 : i32
      %dma_start3A_832 = arith.constant 0 : i32
      %dma_start3A_833 = tpu.memref_slice %arg7[%dma_start3A_831, %dma_start3A_832] : memref<8x80xi32, #tpu.memory_space<vmem>> -> memref<1x80xi32, #tpu.memory_space<vmem>>
      %dma_start3A_834 = tpu.memref_squeeze %dma_start3A_833 : memref<1x80xi32, #tpu.memory_space<vmem>> -> memref<80xi32, #tpu.memory_space<vmem>>
      %dma_start3A_835 = arith.constant 0 : i32
      %dma_start3A_836 = arith.constant 0 : i32
      %dma_start3A_837 = tpu.memref_slice %arg11[%dma_start3A_835, %dma_start3A_836] : memref<10240x128xf32, #tpu.memory_space<vmem_shared>> -> memref<10240x128xf32, #tpu.memory_space<vmem_shared>>
      tpu.enqueue_indirect_dma source(%arg10 : memref<80x128xf32, #tpu.memory_space<vmem>>) target(%dma_start3A_837 : memref<10240x128xf32, #tpu.memory_space<vmem_shared>>) offsets(%dma_start3A_834 : memref<80xi32, #tpu.memory_space<vmem>>) semaphore(%arg13 : memref<!tpu.dma_semaphore, #tpu.memory_space<semaphore_mem>>) {add = true}
      %mul3A_838 = arith.constant 3 : i32
      %mul3A_839 = arith.muli %mul3A_838, %scan3A_676 : i32
      %add3A_840 = arith.constant 2 : i32
      %add3A_841 = arith.addi %mul3A_839, %add3A_840 : i32
      %add3A_842 = arith.constant 1 : i32
      %add3A_843 = arith.addi %add3A_841, %add3A_842 : i32
      %dma_wait3A_844 = arith.constant 5 : i32
      %dma_wait3A_845 = arith.constant 0 : i32
      %dma_wait3A_846 = tpu.memref_slice %arg7[%dma_wait3A_844, %dma_wait3A_845] : memref<8x80xi32, #tpu.memory_space<vmem>> -> memref<1x80xi32, #tpu.memory_space<vmem>>
      %dma_wait3A_847 = tpu.memref_squeeze %dma_wait3A_846 : memref<1x80xi32, #tpu.memory_space<vmem>> -> memref<80xi32, #tpu.memory_space<vmem>>
      %dma_wait3A_848 = arith.constant 0 : i32
      %dma_wait3A_849 = arith.constant 0 : i32
      %dma_wait3A_850 = tpu.memref_slice %arg11[%dma_wait3A_848, %dma_wait3A_849] : memref<10240x128xf32, #tpu.memory_space<vmem_shared>> -> memref<10240x128xf32, #tpu.memory_space<vmem_shared>>
      tpu.wait_indirect_dma semaphore(%arg13 : memref<!tpu.dma_semaphore, #tpu.memory_space<semaphore_mem>>) src(%arg9 : memref<80x128xf32, #tpu.memory_space<vmem>>) dst(%dma_wait3A_850 : memref<10240x128xf32, #tpu.memory_space<vmem_shared>>)
      %add3A_851 = arith.constant 1 : i32
      %add3A_852 = arith.addi %add3A_843, %add3A_851 : i32
      %mul3A_853 = arith.constant 80 : i32
      %mul3A_854 = arith.muli %add3A_852, %mul3A_853 : i32
      %add3A_855 = arith.constant 0 : i32
      %add3A_856 = arith.addi %mul3A_854, %add3A_855 : i32
      %get3A_857 = arith.index_cast %add3A_856 : i32 to index
      %get3A_858 = tpu.vector_load %arg6[%get3A_857] {strides = array<i32>} : memref<10000xi32, #tpu.memory_space<vmem>>, vector<16xi32>,
      %get3A_859 = vector.shape_cast %get3A_858 : vector<16xi32> to vector<16xi32>
      %and3A_860 = arith.constant 65535 : i32
      %and3A_861 = vector.broadcast %and3A_860 : i32 to vector<16xi32>
      %and3A_862 = arith.andi %get3A_859, %and3A_861 : vector<16xi32>
      %swap3A_863 = arith.constant 1 : i32
      %swap3A_864 = arith.index_cast %swap3A_863 : i32 to index
      %swap3A_865 = arith.constant 0 : index
      %swap3A_866 = tpu.vector_load %arg7[%swap3A_864, %swap3A_865] {strides = array<i32>} : memref<8x80xi32, #tpu.memory_space<vmem>>, vector<1x16xi32>,
      %swap3A_867 = vector.shape_cast %swap3A_866 : vector<1x16xi32> to vector<16xi32>
      %swap3A_868 = vector.shape_cast %and3A_862 : vector<16xi32> to vector<1x16xi32>
      tpu.vector_store %arg7[%swap3A_864, %swap3A_865], %swap3A_868 {strides = array<i32>} : memref<8x80xi32, #tpu.memory_space<vmem>>, vector<1x16xi32>,
      %shift_right_arithmetic3A_869 = arith.constant 16 : i32
      %shift_right_arithmetic3A_870 = vector.broadcast %shift_right_arithmetic3A_869 : i32 to vector<16xi32>
      %shift_right_arithmetic3A_871 = arith.shrsi %get3A_859, %shift_right_arithmetic3A_870 : vector<16xi32>
      %swap3A_872 = arith.constant 5 : i32
      %swap3A_873 = arith.index_cast %swap3A_872 : i32 to index
      %swap3A_874 = arith.constant 0 : index
      %swap3A_875 = tpu.vector_load %arg7[%swap3A_873, %swap3A_874] {strides = array<i32>} : memref<8x80xi32, #tpu.memory_space<vmem>>, vector<1x16xi32>,
      %swap3A_876 = vector.shape_cast %swap3A_875 : vector<1x16xi32> to vector<16xi32>
      %swap3A_877 = vector.shape_cast %shift_right_arithmetic3A_871 : vector<16xi32> to vector<1x16xi32>
      tpu.vector_store %arg7[%swap3A_873, %swap3A_874], %swap3A_877 {strides = array<i32>} : memref<8x80xi32, #tpu.memory_space<vmem>>, vector<1x16xi32>,
      %mul3A_878 = arith.constant 80 : i32
      %mul3A_879 = arith.muli %add3A_852, %mul3A_878 : i32
      %add3A_880 = arith.constant 16 : i32
      %add3A_881 = arith.addi %mul3A_879, %add3A_880 : i32
      %get3A_882 = arith.index_cast %add3A_881 : i32 to index
      %get3A_883 = tpu.vector_load %arg6[%get3A_882] {strides = array<i32>} : memref<10000xi32, #tpu.memory_space<vmem>>, vector<16xi32>,
      %get3A_884 = vector.shape_cast %get3A_883 : vector<16xi32> to vector<16xi32>
      %and3A_885 = arith.constant 65535 : i32
      %and3A_886 = vector.broadcast %and3A_885 : i32 to vector<16xi32>
      %and3A_887 = arith.andi %get3A_884, %and3A_886 : vector<16xi32>
      %swap3A_888 = arith.constant 1 : i32
      %swap3A_889 = arith.index_cast %swap3A_888 : i32 to index
      %swap3A_890 = arith.constant 16 : index
      %swap3A_891 = tpu.vector_load %arg7[%swap3A_889, %swap3A_890] {strides = array<i32>} : memref<8x80xi32, #tpu.memory_space<vmem>>, vector<1x16xi32>,
      %swap3A_892 = vector.shape_cast %swap3A_891 : vector<1x16xi32> to vector<16xi32>
      %swap3A_893 = vector.shape_cast %and3A_887 : vector<16xi32> to vector<1x16xi32>
      tpu.vector_store %arg7[%swap3A_889, %swap3A_890], %swap3A_893 {strides = array<i32>} : memref<8x80xi32, #tpu.memory_space<vmem>>, vector<1x16xi32>,
      %shift_right_arithmetic3A_894 = arith.constant 16 : i32
      %shift_right_arithmetic3A_895 = vector.broadcast %shift_right_arithmetic3A_894 : i32 to vector<16xi32>
      %shift_right_arithmetic3A_896 = arith.shrsi %get3A_884, %shift_right_arithmetic3A_895 : vector<16xi32>
      %swap3A_897 = arith.constant 5 : i32
      %swap3A_898 = arith.index_cast %swap3A_897 : i32 to index
      %swap3A_899 = arith.constant 16 : index
      %swap3A_900 = tpu.vector_load %arg7[%swap3A_898, %swap3A_899] {strides = array<i32>} : memref<8x80xi32, #tpu.memory_space<vmem>>, vector<1x16xi32>,
      %swap3A_901 = vector.shape_cast %swap3A_900 : vector<1x16xi32> to vector<16xi32>
      %swap3A_902 = vector.shape_cast %shift_right_arithmetic3A_896 : vector<16xi32> to vector<1x16xi32>
      tpu.vector_store %arg7[%swap3A_898, %swap3A_899], %swap3A_902 {strides = array<i32>} : memref<8x80xi32, #tpu.memory_space<vmem>>, vector<1x16xi32>,
      %mul3A_903 = arith.constant 80 : i32
      %mul3A_904 = arith.muli %add3A_852, %mul3A_903 : i32
      %add3A_905 = arith.constant 32 : i32
      %add3A_906 = arith.addi %mul3A_904, %add3A_905 : i32
      %get3A_907 = arith.index_cast %add3A_906 : i32 to index
      %get3A_908 = tpu.vector_load %arg6[%get3A_907] {strides = array<i32>} : memref<10000xi32, #tpu.memory_space<vmem>>, vector<16xi32>,
      %get3A_909 = vector.shape_cast %get3A_908 : vector<16xi32> to vector<16xi32>
      %and3A_910 = arith.constant 65535 : i32
      %and3A_911 = vector.broadcast %and3A_910 : i32 to vector<16xi32>
      %and3A_912 = arith.andi %get3A_909, %and3A_911 : vector<16xi32>
      %swap3A_913 = arith.constant 1 : i32
      %swap3A_914 = arith.index_cast %swap3A_913 : i32 to index
      %swap3A_915 = arith.constant 32 : index
      %swap3A_916 = tpu.vector_load %arg7[%swap3A_914, %swap3A_915] {strides = array<i32>} : memref<8x80xi32, #tpu.memory_space<vmem>>, vector<1x16xi32>,
      %swap3A_917 = vector.shape_cast %swap3A_916 : vector<1x16xi32> to vector<16xi32>
      %swap3A_918 = vector.shape_cast %and3A_912 : vector<16xi32> to vector<1x16xi32>
      tpu.vector_store %arg7[%swap3A_914, %swap3A_915], %swap3A_918 {strides = array<i32>} : memref<8x80xi32, #tpu.memory_space<vmem>>, vector<1x16xi32>,
      %shift_right_arithmetic3A_919 = arith.constant 16 : i32
      %shift_right_arithmetic3A_920 = vector.broadcast %shift_right_arithmetic3A_919 : i32 to vector<16xi32>
      %shift_right_arithmetic3A_921 = arith.shrsi %get3A_909, %shift_right_arithmetic3A_920 : vector<16xi32>
      %swap3A_922 = arith.constant 5 : i32
      %swap3A_923 = arith.index_cast %swap3A_922 : i32 to index
      %swap3A_924 = arith.constant 32 : index
      %swap3A_925 = tpu.vector_load %arg7[%swap3A_923, %swap3A_924] {strides = array<i32>} : memref<8x80xi32, #tpu.memory_space<vmem>>, vector<1x16xi32>,
      %swap3A_926 = vector.shape_cast %swap3A_925 : vector<1x16xi32> to vector<16xi32>
      %swap3A_927 = vector.shape_cast %shift_right_arithmetic3A_921 : vector<16xi32> to vector<1x16xi32>
      tpu.vector_store %arg7[%swap3A_923, %swap3A_924], %swap3A_927 {strides = array<i32>} : memref<8x80xi32, #tpu.memory_space<vmem>>, vector<1x16xi32>,
      %mul3A_928 = arith.constant 80 : i32
      %mul3A_929 = arith.muli %add3A_852, %mul3A_928 : i32
      %add3A_930 = arith.constant 48 : i32
      %add3A_931 = arith.addi %mul3A_929, %add3A_930 : i32
      %get3A_932 = arith.index_cast %add3A_931 : i32 to index
      %get3A_933 = tpu.vector_load %arg6[%get3A_932] {strides = array<i32>} : memref<10000xi32, #tpu.memory_space<vmem>>, vector<16xi32>,
      %get3A_934 = vector.shape_cast %get3A_933 : vector<16xi32> to vector<16xi32>
      %and3A_935 = arith.constant 65535 : i32
      %and3A_936 = vector.broadcast %and3A_935 : i32 to vector<16xi32>
      %and3A_937 = arith.andi %get3A_934, %and3A_936 : vector<16xi32>
      %swap3A_938 = arith.constant 1 : i32
      %swap3A_939 = arith.index_cast %swap3A_938 : i32 to index
      %swap3A_940 = arith.constant 48 : index
      %swap3A_941 = tpu.vector_load %arg7[%swap3A_939, %swap3A_940] {strides = array<i32>} : memref<8x80xi32, #tpu.memory_space<vmem>>, vector<1x16xi32>,
      %swap3A_942 = vector.shape_cast %swap3A_941 : vector<1x16xi32> to vector<16xi32>
      %swap3A_943 = vector.shape_cast %and3A_937 : vector<16xi32> to vector<1x16xi32>
      tpu.vector_store %arg7[%swap3A_939, %swap3A_940], %swap3A_943 {strides = array<i32>} : memref<8x80xi32, #tpu.memory_space<vmem>>, vector<1x16xi32>,
      %shift_right_arithmetic3A_944 = arith.constant 16 : i32
      %shift_right_arithmetic3A_945 = vector.broadcast %shift_right_arithmetic3A_944 : i32 to vector<16xi32>
      %shift_right_arithmetic3A_946 = arith.shrsi %get3A_934, %shift_right_arithmetic3A_945 : vector<16xi32>
      %swap3A_947 = arith.constant 5 : i32
      %swap3A_948 = arith.index_cast %swap3A_947 : i32 to index
      %swap3A_949 = arith.constant 48 : index
      %swap3A_950 = tpu.vector_load %arg7[%swap3A_948, %swap3A_949] {strides = array<i32>} : memref<8x80xi32, #tpu.memory_space<vmem>>, vector<1x16xi32>,
      %swap3A_951 = vector.shape_cast %swap3A_950 : vector<1x16xi32> to vector<16xi32>
      %swap3A_952 = vector.shape_cast %shift_right_arithmetic3A_946 : vector<16xi32> to vector<1x16xi32>
      tpu.vector_store %arg7[%swap3A_948, %swap3A_949], %swap3A_952 {strides = array<i32>} : memref<8x80xi32, #tpu.memory_space<vmem>>, vector<1x16xi32>,
      %mul3A_953 = arith.constant 80 : i32
      %mul3A_954 = arith.muli %add3A_852, %mul3A_953 : i32
      %add3A_955 = arith.constant 64 : i32
      %add3A_956 = arith.addi %mul3A_954, %add3A_955 : i32
      %get3A_957 = arith.index_cast %add3A_956 : i32 to index
      %get3A_958 = tpu.vector_load %arg6[%get3A_957] {strides = array<i32>} : memref<10000xi32, #tpu.memory_space<vmem>>, vector<16xi32>,
      %get3A_959 = vector.shape_cast %get3A_958 : vector<16xi32> to vector<16xi32>
      %and3A_960 = arith.constant 65535 : i32
      %and3A_961 = vector.broadcast %and3A_960 : i32 to vector<16xi32>
      %and3A_962 = arith.andi %get3A_959, %and3A_961 : vector<16xi32>
      %swap3A_963 = arith.constant 1 : i32
      %swap3A_964 = arith.index_cast %swap3A_963 : i32 to index
      %swap3A_965 = arith.constant 64 : index
      %swap3A_966 = tpu.vector_load %arg7[%swap3A_964, %swap3A_965] {strides = array<i32>} : memref<8x80xi32, #tpu.memory_space<vmem>>, vector<1x16xi32>,
      %swap3A_967 = vector.shape_cast %swap3A_966 : vector<1x16xi32> to vector<16xi32>
      %swap3A_968 = vector.shape_cast %and3A_962 : vector<16xi32> to vector<1x16xi32>
      tpu.vector_store %arg7[%swap3A_964, %swap3A_965], %swap3A_968 {strides = array<i32>} : memref<8x80xi32, #tpu.memory_space<vmem>>, vector<1x16xi32>,
      %shift_right_arithmetic3A_969 = arith.constant 16 : i32
      %shift_right_arithmetic3A_970 = vector.broadcast %shift_right_arithmetic3A_969 : i32 to vector<16xi32>
      %shift_right_arithmetic3A_971 = arith.shrsi %get3A_959, %shift_right_arithmetic3A_970 : vector<16xi32>
      %swap3A_972 = arith.constant 5 : i32
      %swap3A_973 = arith.index_cast %swap3A_972 : i32 to index
      %swap3A_974 = arith.constant 64 : index
      %swap3A_975 = tpu.vector_load %arg7[%swap3A_973, %swap3A_974] {strides = array<i32>} : memref<8x80xi32, #tpu.memory_space<vmem>>, vector<1x16xi32>,
      %swap3A_976 = vector.shape_cast %swap3A_975 : vector<1x16xi32> to vector<16xi32>
      %swap3A_977 = vector.shape_cast %shift_right_arithmetic3A_971 : vector<16xi32> to vector<1x16xi32>
      tpu.vector_store %arg7[%swap3A_973, %swap3A_974], %swap3A_977 {strides = array<i32>} : memref<8x80xi32, #tpu.memory_space<vmem>>, vector<1x16xi32>,
      %dma_start3A_978 = arith.constant 1 : i32
      %dma_start3A_979 = arith.constant 0 : i32
      %dma_start3A_980 = tpu.memref_slice %arg7[%dma_start3A_978, %dma_start3A_979] : memref<8x80xi32, #tpu.memory_space<vmem>> -> memref<1x80xi32, #tpu.memory_space<vmem>>
      %dma_start3A_981 = tpu.memref_squeeze %dma_start3A_980 : memref<1x80xi32, #tpu.memory_space<vmem>> -> memref<80xi32, #tpu.memory_space<vmem>>
      %dma_start3A_982 = arith.constant 0 : i32
      %dma_start3A_983 = arith.constant 0 : i32
      %dma_start3A_984 = tpu.memref_slice %arg2[%dma_start3A_982, %dma_start3A_983] : memref<10240x128xf32, #tpu.memory_space<hbm>> -> memref<10240x128xf32, #tpu.memory_space<hbm>>
      tpu.enqueue_indirect_dma source(%dma_start3A_984 : memref<10240x128xf32, #tpu.memory_space<hbm>>) target(%arg9 : memref<80x128xf32, #tpu.memory_space<vmem>>) offsets(%dma_start3A_981 : memref<80xi32, #tpu.memory_space<vmem>>) semaphore(%arg12 : memref<!tpu.dma_semaphore, #tpu.memory_space<semaphore_mem>>)
      %dma_wait3A_985 = arith.constant 0 : i32
      %dma_wait3A_986 = arith.constant 0 : i32
      %dma_wait3A_987 = tpu.memref_slice %arg7[%dma_wait3A_985, %dma_wait3A_986] : memref<8x80xi32, #tpu.memory_space<vmem>> -> memref<1x80xi32, #tpu.memory_space<vmem>>
      %dma_wait3A_988 = tpu.memref_squeeze %dma_wait3A_987 : memref<1x80xi32, #tpu.memory_space<vmem>> -> memref<80xi32, #tpu.memory_space<vmem>>
      %dma_wait3A_989 = arith.constant 0 : i32
      %dma_wait3A_990 = arith.constant 0 : i32
      %dma_wait3A_991 = tpu.memref_slice %arg2[%dma_wait3A_989, %dma_wait3A_990] : memref<10240x128xf32, #tpu.memory_space<hbm>> -> memref<10240x128xf32, #tpu.memory_space<hbm>>
      tpu.wait_indirect_dma semaphore(%arg12 : memref<!tpu.dma_semaphore, #tpu.memory_space<semaphore_mem>>) src(%dma_wait3A_991 : memref<10240x128xf32, #tpu.memory_space<hbm>>) dst(%arg8 : memref<80x128xf32, #tpu.memory_space<vmem>>)
      %dma_start3A_992 = arith.constant 4 : i32
      %dma_start3A_993 = arith.constant 0 : i32
      %dma_start3A_994 = tpu.memref_slice %arg7[%dma_start3A_992, %dma_start3A_993] : memref<8x80xi32, #tpu.memory_space<vmem>> -> memref<1x80xi32, #tpu.memory_space<vmem>>
      %dma_start3A_995 = tpu.memref_squeeze %dma_start3A_994 : memref<1x80xi32, #tpu.memory_space<vmem>> -> memref<80xi32, #tpu.memory_space<vmem>>
      %dma_start3A_996 = arith.constant 0 : i32
      %dma_start3A_997 = arith.constant 0 : i32
      %dma_start3A_998 = tpu.memref_slice %arg11[%dma_start3A_996, %dma_start3A_997] : memref<10240x128xf32, #tpu.memory_space<vmem_shared>> -> memref<10240x128xf32, #tpu.memory_space<vmem_shared>>
      tpu.enqueue_indirect_dma source(%arg8 : memref<80x128xf32, #tpu.memory_space<vmem>>) target(%dma_start3A_998 : memref<10240x128xf32, #tpu.memory_space<vmem_shared>>) offsets(%dma_start3A_995 : memref<80xi32, #tpu.memory_space<vmem>>) semaphore(%arg13 : memref<!tpu.dma_semaphore, #tpu.memory_space<semaphore_mem>>) {add = true}
      %mul3A_999 = arith.constant 3 : i32
      %mul3A_1000 = arith.muli %mul3A_999, %scan3A_676 : i32
      %add3A_1001 = arith.constant 2 : i32
      %add3A_1002 = arith.addi %mul3A_1000, %add3A_1001 : i32
      %add3A_1003 = arith.constant 2 : i32
      %add3A_1004 = arith.addi %add3A_1002, %add3A_1003 : i32
      %dma_wait3A_1005 = arith.constant 6 : i32
      %dma_wait3A_1006 = arith.constant 0 : i32
      %dma_wait3A_1007 = tpu.memref_slice %arg7[%dma_wait3A_1005, %dma_wait3A_1006] : memref<8x80xi32, #tpu.memory_space<vmem>> -> memref<1x80xi32, #tpu.memory_space<vmem>>
      %dma_wait3A_1008 = tpu.memref_squeeze %dma_wait3A_1007 : memref<1x80xi32, #tpu.memory_space<vmem>> -> memref<80xi32, #tpu.memory_space<vmem>>
      %dma_wait3A_1009 = arith.constant 0 : i32
      %dma_wait3A_1010 = arith.constant 0 : i32
      %dma_wait3A_1011 = tpu.memref_slice %arg11[%dma_wait3A_1009, %dma_wait3A_1010] : memref<10240x128xf32, #tpu.memory_space<vmem_shared>> -> memref<10240x128xf32, #tpu.memory_space<vmem_shared>>
      tpu.wait_indirect_dma semaphore(%arg13 : memref<!tpu.dma_semaphore, #tpu.memory_space<semaphore_mem>>) src(%arg10 : memref<80x128xf32, #tpu.memory_space<vmem>>) dst(%dma_wait3A_1011 : memref<10240x128xf32, #tpu.memory_space<vmem_shared>>)
      %add3A_1012 = arith.constant 1 : i32
      %add3A_1013 = arith.addi %add3A_1004, %add3A_1012 : i32
      %mul3A_1014 = arith.constant 80 : i32
      %mul3A_1015 = arith.muli %add3A_1013, %mul3A_1014 : i32
      %add3A_1016 = arith.constant 0 : i32
      %add3A_1017 = arith.addi %mul3A_1015, %add3A_1016 : i32
      %get3A_1018 = arith.index_cast %add3A_1017 : i32 to index
      %get3A_1019 = tpu.vector_load %arg6[%get3A_1018] {strides = array<i32>} : memref<10000xi32, #tpu.memory_space<vmem>>, vector<16xi32>,
      %get3A_1020 = vector.shape_cast %get3A_1019 : vector<16xi32> to vector<16xi32>
      %and3A_1021 = arith.constant 65535 : i32
      %and3A_1022 = vector.broadcast %and3A_1021 : i32 to vector<16xi32>
      %and3A_1023 = arith.andi %get3A_1020, %and3A_1022 : vector<16xi32>
      %swap3A_1024 = arith.constant 2 : i32
      %swap3A_1025 = arith.index_cast %swap3A_1024 : i32 to index
      %swap3A_1026 = arith.constant 0 : index
      %swap3A_1027 = tpu.vector_load %arg7[%swap3A_1025, %swap3A_1026] {strides = array<i32>} : memref<8x80xi32, #tpu.memory_space<vmem>>, vector<1x16xi32>,
      %swap3A_1028 = vector.shape_cast %swap3A_1027 : vector<1x16xi32> to vector<16xi32>
      %swap3A_1029 = vector.shape_cast %and3A_1023 : vector<16xi32> to vector<1x16xi32>
      tpu.vector_store %arg7[%swap3A_1025, %swap3A_1026], %swap3A_1029 {strides = array<i32>} : memref<8x80xi32, #tpu.memory_space<vmem>>, vector<1x16xi32>,
      %shift_right_arithmetic3A_1030 = arith.constant 16 : i32
      %shift_right_arithmetic3A_1031 = vector.broadcast %shift_right_arithmetic3A_1030 : i32 to vector<16xi32>
      %shift_right_arithmetic3A_1032 = arith.shrsi %get3A_1020, %shift_right_arithmetic3A_1031 : vector<16xi32>
      %swap3A_1033 = arith.constant 6 : i32
      %swap3A_1034 = arith.index_cast %swap3A_1033 : i32 to index
      %swap3A_1035 = arith.constant 0 : index
      %swap3A_1036 = tpu.vector_load %arg7[%swap3A_1034, %swap3A_1035] {strides = array<i32>} : memref<8x80xi32, #tpu.memory_space<vmem>>, vector<1x16xi32>,
      %swap3A_1037 = vector.shape_cast %swap3A_1036 : vector<1x16xi32> to vector<16xi32>
      %swap3A_1038 = vector.shape_cast %shift_right_arithmetic3A_1032 : vector<16xi32> to vector<1x16xi32>
      tpu.vector_store %arg7[%swap3A_1034, %swap3A_1035], %swap3A_1038 {strides = array<i32>} : memref<8x80xi32, #tpu.memory_space<vmem>>, vector<1x16xi32>,
      %mul3A_1039 = arith.constant 80 : i32
      %mul3A_1040 = arith.muli %add3A_1013, %mul3A_1039 : i32
      %add3A_1041 = arith.constant 16 : i32
      %add3A_1042 = arith.addi %mul3A_1040, %add3A_1041 : i32
      %get3A_1043 = arith.index_cast %add3A_1042 : i32 to index
      %get3A_1044 = tpu.vector_load %arg6[%get3A_1043] {strides = array<i32>} : memref<10000xi32, #tpu.memory_space<vmem>>, vector<16xi32>,
      %get3A_1045 = vector.shape_cast %get3A_1044 : vector<16xi32> to vector<16xi32>
      %and3A_1046 = arith.constant 65535 : i32
      %and3A_1047 = vector.broadcast %and3A_1046 : i32 to vector<16xi32>
      %and3A_1048 = arith.andi %get3A_1045, %and3A_1047 : vector<16xi32>
      %swap3A_1049 = arith.constant 2 : i32
      %swap3A_1050 = arith.index_cast %swap3A_1049 : i32 to index
      %swap3A_1051 = arith.constant 16 : index
      %swap3A_1052 = tpu.vector_load %arg7[%swap3A_1050, %swap3A_1051] {strides = array<i32>} : memref<8x80xi32, #tpu.memory_space<vmem>>, vector<1x16xi32>,
      %swap3A_1053 = vector.shape_cast %swap3A_1052 : vector<1x16xi32> to vector<16xi32>
      %swap3A_1054 = vector.shape_cast %and3A_1048 : vector<16xi32> to vector<1x16xi32>
      tpu.vector_store %arg7[%swap3A_1050, %swap3A_1051], %swap3A_1054 {strides = array<i32>} : memref<8x80xi32, #tpu.memory_space<vmem>>, vector<1x16xi32>,
      %shift_right_arithmetic3A_1055 = arith.constant 16 : i32
      %shift_right_arithmetic3A_1056 = vector.broadcast %shift_right_arithmetic3A_1055 : i32 to vector<16xi32>
      %shift_right_arithmetic3A_1057 = arith.shrsi %get3A_1045, %shift_right_arithmetic3A_1056 : vector<16xi32>
      %swap3A_1058 = arith.constant 6 : i32
      %swap3A_1059 = arith.index_cast %swap3A_1058 : i32 to index
      %swap3A_1060 = arith.constant 16 : index
      %swap3A_1061 = tpu.vector_load %arg7[%swap3A_1059, %swap3A_1060] {strides = array<i32>} : memref<8x80xi32, #tpu.memory_space<vmem>>, vector<1x16xi32>,
      %swap3A_1062 = vector.shape_cast %swap3A_1061 : vector<1x16xi32> to vector<16xi32>
      %swap3A_1063 = vector.shape_cast %shift_right_arithmetic3A_1057 : vector<16xi32> to vector<1x16xi32>
      tpu.vector_store %arg7[%swap3A_1059, %swap3A_1060], %swap3A_1063 {strides = array<i32>} : memref<8x80xi32, #tpu.memory_space<vmem>>, vector<1x16xi32>,
      %mul3A_1064 = arith.constant 80 : i32
      %mul3A_1065 = arith.muli %add3A_1013, %mul3A_1064 : i32
      %add3A_1066 = arith.constant 32 : i32
      %add3A_1067 = arith.addi %mul3A_1065, %add3A_1066 : i32
      %get3A_1068 = arith.index_cast %add3A_1067 : i32 to index
      %get3A_1069 = tpu.vector_load %arg6[%get3A_1068] {strides = array<i32>} : memref<10000xi32, #tpu.memory_space<vmem>>, vector<16xi32>,
      %get3A_1070 = vector.shape_cast %get3A_1069 : vector<16xi32> to vector<16xi32>
      %and3A_1071 = arith.constant 65535 : i32
      %and3A_1072 = vector.broadcast %and3A_1071 : i32 to vector<16xi32>
      %and3A_1073 = arith.andi %get3A_1070, %and3A_1072 : vector<16xi32>
      %swap3A_1074 = arith.constant 2 : i32
      %swap3A_1075 = arith.index_cast %swap3A_1074 : i32 to index
      %swap3A_1076 = arith.constant 32 : index
      %swap3A_1077 = tpu.vector_load %arg7[%swap3A_1075, %swap3A_1076] {strides = array<i32>} : memref<8x80xi32, #tpu.memory_space<vmem>>, vector<1x16xi32>,
      %swap3A_1078 = vector.shape_cast %swap3A_1077 : vector<1x16xi32> to vector<16xi32>
      %swap3A_1079 = vector.shape_cast %and3A_1073 : vector<16xi32> to vector<1x16xi32>
      tpu.vector_store %arg7[%swap3A_1075, %swap3A_1076], %swap3A_1079 {strides = array<i32>} : memref<8x80xi32, #tpu.memory_space<vmem>>, vector<1x16xi32>,
      %shift_right_arithmetic3A_1080 = arith.constant 16 : i32
      %shift_right_arithmetic3A_1081 = vector.broadcast %shift_right_arithmetic3A_1080 : i32 to vector<16xi32>
      %shift_right_arithmetic3A_1082 = arith.shrsi %get3A_1070, %shift_right_arithmetic3A_1081 : vector<16xi32>
      %swap3A_1083 = arith.constant 6 : i32
      %swap3A_1084 = arith.index_cast %swap3A_1083 : i32 to index
      %swap3A_1085 = arith.constant 32 : index
      %swap3A_1086 = tpu.vector_load %arg7[%swap3A_1084, %swap3A_1085] {strides = array<i32>} : memref<8x80xi32, #tpu.memory_space<vmem>>, vector<1x16xi32>,
      %swap3A_1087 = vector.shape_cast %swap3A_1086 : vector<1x16xi32> to vector<16xi32>
      %swap3A_1088 = vector.shape_cast %shift_right_arithmetic3A_1082 : vector<16xi32> to vector<1x16xi32>
      tpu.vector_store %arg7[%swap3A_1084, %swap3A_1085], %swap3A_1088 {strides = array<i32>} : memref<8x80xi32, #tpu.memory_space<vmem>>, vector<1x16xi32>,
      %mul3A_1089 = arith.constant 80 : i32
      %mul3A_1090 = arith.muli %add3A_1013, %mul3A_1089 : i32
      %add3A_1091 = arith.constant 48 : i32
      %add3A_1092 = arith.addi %mul3A_1090, %add3A_1091 : i32
      %get3A_1093 = arith.index_cast %add3A_1092 : i32 to index
      %get3A_1094 = tpu.vector_load %arg6[%get3A_1093] {strides = array<i32>} : memref<10000xi32, #tpu.memory_space<vmem>>, vector<16xi32>,
      %get3A_1095 = vector.shape_cast %get3A_1094 : vector<16xi32> to vector<16xi32>
      %and3A_1096 = arith.constant 65535 : i32
      %and3A_1097 = vector.broadcast %and3A_1096 : i32 to vector<16xi32>
      %and3A_1098 = arith.andi %get3A_1095, %and3A_1097 : vector<16xi32>
      %swap3A_1099 = arith.constant 2 : i32
      %swap3A_1100 = arith.index_cast %swap3A_1099 : i32 to index
      %swap3A_1101 = arith.constant 48 : index
      %swap3A_1102 = tpu.vector_load %arg7[%swap3A_1100, %swap3A_1101] {strides = array<i32>} : memref<8x80xi32, #tpu.memory_space<vmem>>, vector<1x16xi32>,
      %swap3A_1103 = vector.shape_cast %swap3A_1102 : vector<1x16xi32> to vector<16xi32>
      %swap3A_1104 = vector.shape_cast %and3A_1098 : vector<16xi32> to vector<1x16xi32>
      tpu.vector_store %arg7[%swap3A_1100, %swap3A_1101], %swap3A_1104 {strides = array<i32>} : memref<8x80xi32, #tpu.memory_space<vmem>>, vector<1x16xi32>,
      %shift_right_arithmetic3A_1105 = arith.constant 16 : i32
      %shift_right_arithmetic3A_1106 = vector.broadcast %shift_right_arithmetic3A_1105 : i32 to vector<16xi32>
      %shift_right_arithmetic3A_1107 = arith.shrsi %get3A_1095, %shift_right_arithmetic3A_1106 : vector<16xi32>
      %swap3A_1108 = arith.constant 6 : i32
      %swap3A_1109 = arith.index_cast %swap3A_1108 : i32 to index
      %swap3A_1110 = arith.constant 48 : index
      %swap3A_1111 = tpu.vector_load %arg7[%swap3A_1109, %swap3A_1110] {strides = array<i32>} : memref<8x80xi32, #tpu.memory_space<vmem>>, vector<1x16xi32>,
      %swap3A_1112 = vector.shape_cast %swap3A_1111 : vector<1x16xi32> to vector<16xi32>
      %swap3A_1113 = vector.shape_cast %shift_right_arithmetic3A_1107 : vector<16xi32> to vector<1x16xi32>
      tpu.vector_store %arg7[%swap3A_1109, %swap3A_1110], %swap3A_1113 {strides = array<i32>} : memref<8x80xi32, #tpu.memory_space<vmem>>, vector<1x16xi32>,
      %mul3A_1114 = arith.constant 80 : i32
      %mul3A_1115 = arith.muli %add3A_1013, %mul3A_1114 : i32
      %add3A_1116 = arith.constant 64 : i32
      %add3A_1117 = arith.addi %mul3A_1115, %add3A_1116 : i32
      %get3A_1118 = arith.index_cast %add3A_1117 : i32 to index
      %get3A_1119 = tpu.vector_load %arg6[%get3A_1118] {strides = array<i32>} : memref<10000xi32, #tpu.memory_space<vmem>>, vector<16xi32>,
      %get3A_1120 = vector.shape_cast %get3A_1119 : vector<16xi32> to vector<16xi32>
      %and3A_1121 = arith.constant 65535 : i32
      %and3A_1122 = vector.broadcast %and3A_1121 : i32 to vector<16xi32>
      %and3A_1123 = arith.andi %get3A_1120, %and3A_1122 : vector<16xi32>
      %swap3A_1124 = arith.constant 2 : i32
      %swap3A_1125 = arith.index_cast %swap3A_1124 : i32 to index
      %swap3A_1126 = arith.constant 64 : index
      %swap3A_1127 = tpu.vector_load %arg7[%swap3A_1125, %swap3A_1126] {strides = array<i32>} : memref<8x80xi32, #tpu.memory_space<vmem>>, vector<1x16xi32>,
      %swap3A_1128 = vector.shape_cast %swap3A_1127 : vector<1x16xi32> to vector<16xi32>
      %swap3A_1129 = vector.shape_cast %and3A_1123 : vector<16xi32> to vector<1x16xi32>
      tpu.vector_store %arg7[%swap3A_1125, %swap3A_1126], %swap3A_1129 {strides = array<i32>} : memref<8x80xi32, #tpu.memory_space<vmem>>, vector<1x16xi32>,
      %shift_right_arithmetic3A_1130 = arith.constant 16 : i32
      %shift_right_arithmetic3A_1131 = vector.broadcast %shift_right_arithmetic3A_1130 : i32 to vector<16xi32>
      %shift_right_arithmetic3A_1132 = arith.shrsi %get3A_1120, %shift_right_arithmetic3A_1131 : vector<16xi32>
      %swap3A_1133 = arith.constant 6 : i32
      %swap3A_1134 = arith.index_cast %swap3A_1133 : i32 to index
      %swap3A_1135 = arith.constant 64 : index
      %swap3A_1136 = tpu.vector_load %arg7[%swap3A_1134, %swap3A_1135] {strides = array<i32>} : memref<8x80xi32, #tpu.memory_space<vmem>>, vector<1x16xi32>,
      %swap3A_1137 = vector.shape_cast %swap3A_1136 : vector<1x16xi32> to vector<16xi32>
      %swap3A_1138 = vector.shape_cast %shift_right_arithmetic3A_1132 : vector<16xi32> to vector<1x16xi32>
      tpu.vector_store %arg7[%swap3A_1134, %swap3A_1135], %swap3A_1138 {strides = array<i32>} : memref<8x80xi32, #tpu.memory_space<vmem>>, vector<1x16xi32>,
      %dma_start3A_1139 = arith.constant 2 : i32
      %dma_start3A_1140 = arith.constant 0 : i32
      %dma_start3A_1141 = tpu.memref_slice %arg7[%dma_start3A_1139, %dma_start3A_1140] : memref<8x80xi32, #tpu.memory_space<vmem>> -> memref<1x80xi32, #tpu.memory_space<vmem>>
      %dma_start3A_1142 = tpu.memref_squeeze %dma_start3A_1141 : memref<1x80xi32, #tpu.memory_space<vmem>> -> memref<80xi32, #tpu.memory_space<vmem>>
      %dma_start3A_1143 = arith.constant 0 : i32
      %dma_start3A_1144 = arith.constant 0 : i32
      %dma_start3A_1145 = tpu.memref_slice %arg2[%dma_start3A_1143, %dma_start3A_1144] : memref<10240x128xf32, #tpu.memory_space<hbm>> -> memref<10240x128xf32, #tpu.memory_space<hbm>>
      tpu.enqueue_indirect_dma source(%dma_start3A_1145 : memref<10240x128xf32, #tpu.memory_space<hbm>>) target(%arg10 : memref<80x128xf32, #tpu.memory_space<vmem>>) offsets(%dma_start3A_1142 : memref<80xi32, #tpu.memory_space<vmem>>) semaphore(%arg12 : memref<!tpu.dma_semaphore, #tpu.memory_space<semaphore_mem>>)
      %dma_wait3A_1146 = arith.constant 1 : i32
      %dma_wait3A_1147 = arith.constant 0 : i32
      %dma_wait3A_1148 = tpu.memref_slice %arg7[%dma_wait3A_1146, %dma_wait3A_1147] : memref<8x80xi32, #tpu.memory_space<vmem>> -> memref<1x80xi32, #tpu.memory_space<vmem>>
      %dma_wait3A_1149 = tpu.memref_squeeze %dma_wait3A_1148 : memref<1x80xi32, #tpu.memory_space<vmem>> -> memref<80xi32, #tpu.memory_space<vmem>>
      %dma_wait3A_1150 = arith.constant 0 : i32
      %dma_wait3A_1151 = arith.constant 0 : i32
      %dma_wait3A_1152 = tpu.memref_slice %arg2[%dma_wait3A_1150, %dma_wait3A_1151] : memref<10240x128xf32, #tpu.memory_space<hbm>> -> memref<10240x128xf32, #tpu.memory_space<hbm>>
      tpu.wait_indirect_dma semaphore(%arg12 : memref<!tpu.dma_semaphore, #tpu.memory_space<semaphore_mem>>) src(%dma_wait3A_1152 : memref<10240x128xf32, #tpu.memory_space<hbm>>) dst(%arg9 : memref<80x128xf32, #tpu.memory_space<vmem>>)
      %dma_start3A_1153 = arith.constant 5 : i32
      %dma_start3A_1154 = arith.constant 0 : i32
      %dma_start3A_1155 = tpu.memref_slice %arg7[%dma_start3A_1153, %dma_start3A_1154] : memref<8x80xi32, #tpu.memory_space<vmem>> -> memref<1x80xi32, #tpu.memory_space<vmem>>
      %dma_start3A_1156 = tpu.memref_squeeze %dma_start3A_1155 : memref<1x80xi32, #tpu.memory_space<vmem>> -> memref<80xi32, #tpu.memory_space<vmem>>
      %dma_start3A_1157 = arith.constant 0 : i32
      %dma_start3A_1158 = arith.constant 0 : i32
      %dma_start3A_1159 = tpu.memref_slice %arg11[%dma_start3A_1157, %dma_start3A_1158] : memref<10240x128xf32, #tpu.memory_space<vmem_shared>> -> memref<10240x128xf32, #tpu.memory_space<vmem_shared>>
      tpu.enqueue_indirect_dma source(%arg9 : memref<80x128xf32, #tpu.memory_space<vmem>>) target(%dma_start3A_1159 : memref<10240x128xf32, #tpu.memory_space<vmem_shared>>) offsets(%dma_start3A_1156 : memref<80xi32, #tpu.memory_space<vmem>>) semaphore(%arg13 : memref<!tpu.dma_semaphore, #tpu.memory_space<semaphore_mem>>) {add = true}
    }
    %scan3A_369 = arith.constant 40 : i32
    %dma_wait3A_370 = arith.constant 4 : i32
    %dma_wait3A_371 = arith.constant 0 : i32
    %dma_wait3A_372 = tpu.memref_slice %arg7[%dma_wait3A_370, %dma_wait3A_371] : memref<8x80xi32, #tpu.memory_space<vmem>> -> memref<1x80xi32, #tpu.memory_space<vmem>>
    %dma_wait3A_373 = tpu.memref_squeeze %dma_wait3A_372 : memref<1x80xi32, #tpu.memory_space<vmem>> -> memref<80xi32, #tpu.memory_space<vmem>>
    %dma_wait3A_374 = arith.constant 0 : i32
    %dma_wait3A_375 = arith.constant 0 : i32
    %dma_wait3A_376 = tpu.memref_slice %arg11[%dma_wait3A_374, %dma_wait3A_375] : memref<10240x128xf32, #tpu.memory_space<vmem_shared>> -> memref<10240x128xf32, #tpu.memory_space<vmem_shared>>
    tpu.wait_indirect_dma semaphore(%arg13 : memref<!tpu.dma_semaphore, #tpu.memory_space<semaphore_mem>>) src(%arg8 : memref<80x128xf32, #tpu.memory_space<vmem>>) dst(%dma_wait3A_376 : memref<10240x128xf32, #tpu.memory_space<vmem_shared>>)
    %get3A_377 = arith.constant 9840 : index
    %get3A_378 = tpu.vector_load %arg6[%get3A_377] {strides = array<i32>} : memref<10000xi32, #tpu.memory_space<vmem>>, vector<16xi32>,
    %get3A_379 = vector.shape_cast %get3A_378 : vector<16xi32> to vector<16xi32>
    %and3A_380 = arith.constant 65535 : i32
    %and3A_381 = vector.broadcast %and3A_380 : i32 to vector<16xi32>
    %and3A_382 = arith.andi %get3A_379, %and3A_381 : vector<16xi32>
    %swap3A_383 = arith.constant 0 : i32
    %swap3A_384 = arith.index_cast %swap3A_383 : i32 to index
    %swap3A_385 = arith.constant 0 : index
    %swap3A_386 = tpu.vector_load %arg7[%swap3A_384, %swap3A_385] {strides = array<i32>} : memref<8x80xi32, #tpu.memory_space<vmem>>, vector<1x16xi32>,
    %swap3A_387 = vector.shape_cast %swap3A_386 : vector<1x16xi32> to vector<16xi32>
    %swap3A_388 = vector.shape_cast %and3A_382 : vector<16xi32> to vector<1x16xi32>
    tpu.vector_store %arg7[%swap3A_384, %swap3A_385], %swap3A_388 {strides = array<i32>} : memref<8x80xi32, #tpu.memory_space<vmem>>, vector<1x16xi32>,
    %shift_right_arithmetic3A_389 = arith.constant 16 : i32
    %shift_right_arithmetic3A_390 = vector.broadcast %shift_right_arithmetic3A_389 : i32 to vector<16xi32>
    %shift_right_arithmetic3A_391 = arith.shrsi %get3A_379, %shift_right_arithmetic3A_390 : vector<16xi32>
    %swap3A_392 = arith.constant 4 : i32
    %swap3A_393 = arith.index_cast %swap3A_392 : i32 to index
    %swap3A_394 = arith.constant 0 : index
    %swap3A_395 = tpu.vector_load %arg7[%swap3A_393, %swap3A_394] {strides = array<i32>} : memref<8x80xi32, #tpu.memory_space<vmem>>, vector<1x16xi32>,
    %swap3A_396 = vector.shape_cast %swap3A_395 : vector<1x16xi32> to vector<16xi32>
    %swap3A_397 = vector.shape_cast %shift_right_arithmetic3A_391 : vector<16xi32> to vector<1x16xi32>
    tpu.vector_store %arg7[%swap3A_393, %swap3A_394], %swap3A_397 {strides = array<i32>} : memref<8x80xi32, #tpu.memory_space<vmem>>, vector<1x16xi32>,
    %get3A_398 = arith.constant 9856 : index
    %get3A_399 = tpu.vector_load %arg6[%get3A_398] {strides = array<i32>} : memref<10000xi32, #tpu.memory_space<vmem>>, vector<16xi32>,
    %get3A_400 = vector.shape_cast %get3A_399 : vector<16xi32> to vector<16xi32>
    %and3A_401 = arith.constant 65535 : i32
    %and3A_402 = vector.broadcast %and3A_401 : i32 to vector<16xi32>
    %and3A_403 = arith.andi %get3A_400, %and3A_402 : vector<16xi32>
    %swap3A_404 = arith.constant 0 : i32
    %swap3A_405 = arith.index_cast %swap3A_404 : i32 to index
    %swap3A_406 = arith.constant 16 : index
    %swap3A_407 = tpu.vector_load %arg7[%swap3A_405, %swap3A_406] {strides = array<i32>} : memref<8x80xi32, #tpu.memory_space<vmem>>, vector<1x16xi32>,
    %swap3A_408 = vector.shape_cast %swap3A_407 : vector<1x16xi32> to vector<16xi32>
    %swap3A_409 = vector.shape_cast %and3A_403 : vector<16xi32> to vector<1x16xi32>
    tpu.vector_store %arg7[%swap3A_405, %swap3A_406], %swap3A_409 {strides = array<i32>} : memref<8x80xi32, #tpu.memory_space<vmem>>, vector<1x16xi32>,
    %shift_right_arithmetic3A_410 = arith.constant 16 : i32
    %shift_right_arithmetic3A_411 = vector.broadcast %shift_right_arithmetic3A_410 : i32 to vector<16xi32>
    %shift_right_arithmetic3A_412 = arith.shrsi %get3A_400, %shift_right_arithmetic3A_411 : vector<16xi32>
    %swap3A_413 = arith.constant 4 : i32
    %swap3A_414 = arith.index_cast %swap3A_413 : i32 to index
    %swap3A_415 = arith.constant 16 : index
    %swap3A_416 = tpu.vector_load %arg7[%swap3A_414, %swap3A_415] {strides = array<i32>} : memref<8x80xi32, #tpu.memory_space<vmem>>, vector<1x16xi32>,
    %swap3A_417 = vector.shape_cast %swap3A_416 : vector<1x16xi32> to vector<16xi32>
    %swap3A_418 = vector.shape_cast %shift_right_arithmetic3A_412 : vector<16xi32> to vector<1x16xi32>
    tpu.vector_store %arg7[%swap3A_414, %swap3A_415], %swap3A_418 {strides = array<i32>} : memref<8x80xi32, #tpu.memory_space<vmem>>, vector<1x16xi32>,
    %get3A_419 = arith.constant 9872 : index
    %get3A_420 = tpu.vector_load %arg6[%get3A_419] {strides = array<i32>} : memref<10000xi32, #tpu.memory_space<vmem>>, vector<16xi32>,
    %get3A_421 = vector.shape_cast %get3A_420 : vector<16xi32> to vector<16xi32>
    %and3A_422 = arith.constant 65535 : i32
    %and3A_423 = vector.broadcast %and3A_422 : i32 to vector<16xi32>
    %and3A_424 = arith.andi %get3A_421, %and3A_423 : vector<16xi32>
    %swap3A_425 = arith.constant 0 : i32
    %swap3A_426 = arith.index_cast %swap3A_425 : i32 to index
    %swap3A_427 = arith.constant 32 : index
    %swap3A_428 = tpu.vector_load %arg7[%swap3A_426, %swap3A_427] {strides = array<i32>} : memref<8x80xi32, #tpu.memory_space<vmem>>, vector<1x16xi32>,
    %swap3A_429 = vector.shape_cast %swap3A_428 : vector<1x16xi32> to vector<16xi32>
    %swap3A_430 = vector.shape_cast %and3A_424 : vector<16xi32> to vector<1x16xi32>
    tpu.vector_store %arg7[%swap3A_426, %swap3A_427], %swap3A_430 {strides = array<i32>} : memref<8x80xi32, #tpu.memory_space<vmem>>, vector<1x16xi32>,
    %shift_right_arithmetic3A_431 = arith.constant 16 : i32
    %shift_right_arithmetic3A_432 = vector.broadcast %shift_right_arithmetic3A_431 : i32 to vector<16xi32>
    %shift_right_arithmetic3A_433 = arith.shrsi %get3A_421, %shift_right_arithmetic3A_432 : vector<16xi32>
    %swap3A_434 = arith.constant 4 : i32
    %swap3A_435 = arith.index_cast %swap3A_434 : i32 to index
    %swap3A_436 = arith.constant 32 : index
    %swap3A_437 = tpu.vector_load %arg7[%swap3A_435, %swap3A_436] {strides = array<i32>} : memref<8x80xi32, #tpu.memory_space<vmem>>, vector<1x16xi32>,
    %swap3A_438 = vector.shape_cast %swap3A_437 : vector<1x16xi32> to vector<16xi32>
    %swap3A_439 = vector.shape_cast %shift_right_arithmetic3A_433 : vector<16xi32> to vector<1x16xi32>
    tpu.vector_store %arg7[%swap3A_435, %swap3A_436], %swap3A_439 {strides = array<i32>} : memref<8x80xi32, #tpu.memory_space<vmem>>, vector<1x16xi32>,
    %get3A_440 = arith.constant 9888 : index
    %get3A_441 = tpu.vector_load %arg6[%get3A_440] {strides = array<i32>} : memref<10000xi32, #tpu.memory_space<vmem>>, vector<16xi32>,
    %get3A_442 = vector.shape_cast %get3A_441 : vector<16xi32> to vector<16xi32>
    %and3A_443 = arith.constant 65535 : i32
    %and3A_444 = vector.broadcast %and3A_443 : i32 to vector<16xi32>
    %and3A_445 = arith.andi %get3A_442, %and3A_444 : vector<16xi32>
    %swap3A_446 = arith.constant 0 : i32
    %swap3A_447 = arith.index_cast %swap3A_446 : i32 to index
    %swap3A_448 = arith.constant 48 : index
    %swap3A_449 = tpu.vector_load %arg7[%swap3A_447, %swap3A_448] {strides = array<i32>} : memref<8x80xi32, #tpu.memory_space<vmem>>, vector<1x16xi32>,
    %swap3A_450 = vector.shape_cast %swap3A_449 : vector<1x16xi32> to vector<16xi32>
    %swap3A_451 = vector.shape_cast %and3A_445 : vector<16xi32> to vector<1x16xi32>
    tpu.vector_store %arg7[%swap3A_447, %swap3A_448], %swap3A_451 {strides = array<i32>} : memref<8x80xi32, #tpu.memory_space<vmem>>, vector<1x16xi32>,
    %shift_right_arithmetic3A_452 = arith.constant 16 : i32
    %shift_right_arithmetic3A_453 = vector.broadcast %shift_right_arithmetic3A_452 : i32 to vector<16xi32>
    %shift_right_arithmetic3A_454 = arith.shrsi %get3A_442, %shift_right_arithmetic3A_453 : vector<16xi32>
    %swap3A_455 = arith.constant 4 : i32
    %swap3A_456 = arith.index_cast %swap3A_455 : i32 to index
    %swap3A_457 = arith.constant 48 : index
    %swap3A_458 = tpu.vector_load %arg7[%swap3A_456, %swap3A_457] {strides = array<i32>} : memref<8x80xi32, #tpu.memory_space<vmem>>, vector<1x16xi32>,
    %swap3A_459 = vector.shape_cast %swap3A_458 : vector<1x16xi32> to vector<16xi32>
    %swap3A_460 = vector.shape_cast %shift_right_arithmetic3A_454 : vector<16xi32> to vector<1x16xi32>
    tpu.vector_store %arg7[%swap3A_456, %swap3A_457], %swap3A_460 {strides = array<i32>} : memref<8x80xi32, #tpu.memory_space<vmem>>, vector<1x16xi32>,
    %get3A_461 = arith.constant 9904 : index
    %get3A_462 = tpu.vector_load %arg6[%get3A_461] {strides = array<i32>} : memref<10000xi32, #tpu.memory_space<vmem>>, vector<16xi32>,
    %get3A_463 = vector.shape_cast %get3A_462 : vector<16xi32> to vector<16xi32>
    %and3A_464 = arith.constant 65535 : i32
    %and3A_465 = vector.broadcast %and3A_464 : i32 to vector<16xi32>
    %and3A_466 = arith.andi %get3A_463, %and3A_465 : vector<16xi32>
    %swap3A_467 = arith.constant 0 : i32
    %swap3A_468 = arith.index_cast %swap3A_467 : i32 to index
    %swap3A_469 = arith.constant 64 : index
    %swap3A_470 = tpu.vector_load %arg7[%swap3A_468, %swap3A_469] {strides = array<i32>} : memref<8x80xi32, #tpu.memory_space<vmem>>, vector<1x16xi32>,
    %swap3A_471 = vector.shape_cast %swap3A_470 : vector<1x16xi32> to vector<16xi32>
    %swap3A_472 = vector.shape_cast %and3A_466 : vector<16xi32> to vector<1x16xi32>
    tpu.vector_store %arg7[%swap3A_468, %swap3A_469], %swap3A_472 {strides = array<i32>} : memref<8x80xi32, #tpu.memory_space<vmem>>, vector<1x16xi32>,
    %shift_right_arithmetic3A_473 = arith.constant 16 : i32
    %shift_right_arithmetic3A_474 = vector.broadcast %shift_right_arithmetic3A_473 : i32 to vector<16xi32>
    %shift_right_arithmetic3A_475 = arith.shrsi %get3A_463, %shift_right_arithmetic3A_474 : vector<16xi32>
    %swap3A_476 = arith.constant 4 : i32
    %swap3A_477 = arith.index_cast %swap3A_476 : i32 to index
    %swap3A_478 = arith.constant 64 : index
    %swap3A_479 = tpu.vector_load %arg7[%swap3A_477, %swap3A_478] {strides = array<i32>} : memref<8x80xi32, #tpu.memory_space<vmem>>, vector<1x16xi32>,
    %swap3A_480 = vector.shape_cast %swap3A_479 : vector<1x16xi32> to vector<16xi32>
    %swap3A_481 = vector.shape_cast %shift_right_arithmetic3A_475 : vector<16xi32> to vector<1x16xi32>
    tpu.vector_store %arg7[%swap3A_477, %swap3A_478], %swap3A_481 {strides = array<i32>} : memref<8x80xi32, #tpu.memory_space<vmem>>, vector<1x16xi32>,
    %dma_start3A_482 = arith.constant 0 : i32
    %dma_start3A_483 = arith.constant 0 : i32
    %dma_start3A_484 = tpu.memref_slice %arg7[%dma_start3A_482, %dma_start3A_483] : memref<8x80xi32, #tpu.memory_space<vmem>> -> memref<1x80xi32, #tpu.memory_space<vmem>>
    %dma_start3A_485 = tpu.memref_squeeze %dma_start3A_484 : memref<1x80xi32, #tpu.memory_space<vmem>> -> memref<80xi32, #tpu.memory_space<vmem>>
    %dma_start3A_486 = arith.constant 0 : i32
    %dma_start3A_487 = arith.constant 0 : i32
    %dma_start3A_488 = tpu.memref_slice %arg2[%dma_start3A_486, %dma_start3A_487] : memref<10240x128xf32, #tpu.memory_space<hbm>> -> memref<10240x128xf32, #tpu.memory_space<hbm>>
    tpu.enqueue_indirect_dma source(%dma_start3A_488 : memref<10240x128xf32, #tpu.memory_space<hbm>>) target(%arg8 : memref<80x128xf32, #tpu.memory_space<vmem>>) offsets(%dma_start3A_485 : memref<80xi32, #tpu.memory_space<vmem>>) semaphore(%arg12 : memref<!tpu.dma_semaphore, #tpu.memory_space<semaphore_mem>>)
    %dma_wait3A_489 = arith.constant 2 : i32
    %dma_wait3A_490 = arith.constant 0 : i32
    %dma_wait3A_491 = tpu.memref_slice %arg7[%dma_wait3A_489, %dma_wait3A_490] : memref<8x80xi32, #tpu.memory_space<vmem>> -> memref<1x80xi32, #tpu.memory_space<vmem>>
    %dma_wait3A_492 = tpu.memref_squeeze %dma_wait3A_491 : memref<1x80xi32, #tpu.memory_space<vmem>> -> memref<80xi32, #tpu.memory_space<vmem>>
    %dma_wait3A_493 = arith.constant 0 : i32
    %dma_wait3A_494 = arith.constant 0 : i32
    %dma_wait3A_495 = tpu.memref_slice %arg2[%dma_wait3A_493, %dma_wait3A_494] : memref<10240x128xf32, #tpu.memory_space<hbm>> -> memref<10240x128xf32, #tpu.memory_space<hbm>>
    tpu.wait_indirect_dma semaphore(%arg12 : memref<!tpu.dma_semaphore, #tpu.memory_space<semaphore_mem>>) src(%dma_wait3A_495 : memref<10240x128xf32, #tpu.memory_space<hbm>>) dst(%arg10 : memref<80x128xf32, #tpu.memory_space<vmem>>)
    %dma_start3A_496 = arith.constant 6 : i32
    %dma_start3A_497 = arith.constant 0 : i32
    %dma_start3A_498 = tpu.memref_slice %arg7[%dma_start3A_496, %dma_start3A_497] : memref<8x80xi32, #tpu.memory_space<vmem>> -> memref<1x80xi32, #tpu.memory_space<vmem>>
    %dma_start3A_499 = tpu.memref_squeeze %dma_start3A_498 : memref<1x80xi32, #tpu.memory_space<vmem>> -> memref<80xi32, #tpu.memory_space<vmem>>
    %dma_start3A_500 = arith.constant 0 : i32
    %dma_start3A_501 = arith.constant 0 : i32
    %dma_start3A_502 = tpu.memref_slice %arg11[%dma_start3A_500, %dma_start3A_501] : memref<10240x128xf32, #tpu.memory_space<vmem_shared>> -> memref<10240x128xf32, #tpu.memory_space<vmem_shared>>
    tpu.enqueue_indirect_dma source(%arg10 : memref<80x128xf32, #tpu.memory_space<vmem>>) target(%dma_start3A_502 : memref<10240x128xf32, #tpu.memory_space<vmem_shared>>) offsets(%dma_start3A_499 : memref<80xi32, #tpu.memory_space<vmem>>) semaphore(%arg13 : memref<!tpu.dma_semaphore, #tpu.memory_space<semaphore_mem>>) {add = true}
    %dma_wait3A_503 = arith.constant 5 : i32
    %dma_wait3A_504 = arith.constant 0 : i32
    %dma_wait3A_505 = tpu.memref_slice %arg7[%dma_wait3A_503, %dma_wait3A_504] : memref<8x80xi32, #tpu.memory_space<vmem>> -> memref<1x80xi32, #tpu.memory_space<vmem>>
    %dma_wait3A_506 = tpu.memref_squeeze %dma_wait3A_505 : memref<1x80xi32, #tpu.memory_space<vmem>> -> memref<80xi32, #tpu.memory_space<vmem>>
    %dma_wait3A_507 = arith.constant 0 : i32
    %dma_wait3A_508 = arith.constant 0 : i32
    %dma_wait3A_509 = tpu.memref_slice %arg11[%dma_wait3A_507, %dma_wait3A_508] : memref<10240x128xf32, #tpu.memory_space<vmem_shared>> -> memref<10240x128xf32, #tpu.memory_space<vmem_shared>>
    tpu.wait_indirect_dma semaphore(%arg13 : memref<!tpu.dma_semaphore, #tpu.memory_space<semaphore_mem>>) src(%arg9 : memref<80x128xf32, #tpu.memory_space<vmem>>) dst(%dma_wait3A_509 : memref<10240x128xf32, #tpu.memory_space<vmem_shared>>)
    %get3A_510 = arith.constant 9920 : index
    %get3A_511 = tpu.vector_load %arg6[%get3A_510] {strides = array<i32>} : memref<10000xi32, #tpu.memory_space<vmem>>, vector<16xi32>,
    %get3A_512 = vector.shape_cast %get3A_511 : vector<16xi32> to vector<16xi32>
    %and3A_513 = arith.constant 65535 : i32
    %and3A_514 = vector.broadcast %and3A_513 : i32 to vector<16xi32>
    %and3A_515 = arith.andi %get3A_512, %and3A_514 : vector<16xi32>
    %swap3A_516 = arith.constant 1 : i32
    %swap3A_517 = arith.index_cast %swap3A_516 : i32 to index
    %swap3A_518 = arith.constant 0 : index
    %swap3A_519 = tpu.vector_load %arg7[%swap3A_517, %swap3A_518] {strides = array<i32>} : memref<8x80xi32, #tpu.memory_space<vmem>>, vector<1x16xi32>,
    %swap3A_520 = vector.shape_cast %swap3A_519 : vector<1x16xi32> to vector<16xi32>
    %swap3A_521 = vector.shape_cast %and3A_515 : vector<16xi32> to vector<1x16xi32>
    tpu.vector_store %arg7[%swap3A_517, %swap3A_518], %swap3A_521 {strides = array<i32>} : memref<8x80xi32, #tpu.memory_space<vmem>>, vector<1x16xi32>,
    %shift_right_arithmetic3A_522 = arith.constant 16 : i32
    %shift_right_arithmetic3A_523 = vector.broadcast %shift_right_arithmetic3A_522 : i32 to vector<16xi32>
    %shift_right_arithmetic3A_524 = arith.shrsi %get3A_512, %shift_right_arithmetic3A_523 : vector<16xi32>
    %swap3A_525 = arith.constant 5 : i32
    %swap3A_526 = arith.index_cast %swap3A_525 : i32 to index
    %swap3A_527 = arith.constant 0 : index
    %swap3A_528 = tpu.vector_load %arg7[%swap3A_526, %swap3A_527] {strides = array<i32>} : memref<8x80xi32, #tpu.memory_space<vmem>>, vector<1x16xi32>,
    %swap3A_529 = vector.shape_cast %swap3A_528 : vector<1x16xi32> to vector<16xi32>
    %swap3A_530 = vector.shape_cast %shift_right_arithmetic3A_524 : vector<16xi32> to vector<1x16xi32>
    tpu.vector_store %arg7[%swap3A_526, %swap3A_527], %swap3A_530 {strides = array<i32>} : memref<8x80xi32, #tpu.memory_space<vmem>>, vector<1x16xi32>,
    %get3A_531 = arith.constant 9936 : index
    %get3A_532 = tpu.vector_load %arg6[%get3A_531] {strides = array<i32>} : memref<10000xi32, #tpu.memory_space<vmem>>, vector<16xi32>,
    %get3A_533 = vector.shape_cast %get3A_532 : vector<16xi32> to vector<16xi32>
    %and3A_534 = arith.constant 65535 : i32
    %and3A_535 = vector.broadcast %and3A_534 : i32 to vector<16xi32>
    %and3A_536 = arith.andi %get3A_533, %and3A_535 : vector<16xi32>
    %swap3A_537 = arith.constant 1 : i32
    %swap3A_538 = arith.index_cast %swap3A_537 : i32 to index
    %swap3A_539 = arith.constant 16 : index
    %swap3A_540 = tpu.vector_load %arg7[%swap3A_538, %swap3A_539] {strides = array<i32>} : memref<8x80xi32, #tpu.memory_space<vmem>>, vector<1x16xi32>,
    %swap3A_541 = vector.shape_cast %swap3A_540 : vector<1x16xi32> to vector<16xi32>
    %swap3A_542 = vector.shape_cast %and3A_536 : vector<16xi32> to vector<1x16xi32>
    tpu.vector_store %arg7[%swap3A_538, %swap3A_539], %swap3A_542 {strides = array<i32>} : memref<8x80xi32, #tpu.memory_space<vmem>>, vector<1x16xi32>,
    %shift_right_arithmetic3A_543 = arith.constant 16 : i32
    %shift_right_arithmetic3A_544 = vector.broadcast %shift_right_arithmetic3A_543 : i32 to vector<16xi32>
    %shift_right_arithmetic3A_545 = arith.shrsi %get3A_533, %shift_right_arithmetic3A_544 : vector<16xi32>
    %swap3A_546 = arith.constant 5 : i32
    %swap3A_547 = arith.index_cast %swap3A_546 : i32 to index
    %swap3A_548 = arith.constant 16 : index
    %swap3A_549 = tpu.vector_load %arg7[%swap3A_547, %swap3A_548] {strides = array<i32>} : memref<8x80xi32, #tpu.memory_space<vmem>>, vector<1x16xi32>,
    %swap3A_550 = vector.shape_cast %swap3A_549 : vector<1x16xi32> to vector<16xi32>
    %swap3A_551 = vector.shape_cast %shift_right_arithmetic3A_545 : vector<16xi32> to vector<1x16xi32>
    tpu.vector_store %arg7[%swap3A_547, %swap3A_548], %swap3A_551 {strides = array<i32>} : memref<8x80xi32, #tpu.memory_space<vmem>>, vector<1x16xi32>,
    %get3A_552 = arith.constant 9952 : index
    %get3A_553 = tpu.vector_load %arg6[%get3A_552] {strides = array<i32>} : memref<10000xi32, #tpu.memory_space<vmem>>, vector<16xi32>,
    %get3A_554 = vector.shape_cast %get3A_553 : vector<16xi32> to vector<16xi32>
    %and3A_555 = arith.constant 65535 : i32
    %and3A_556 = vector.broadcast %and3A_555 : i32 to vector<16xi32>
    %and3A_557 = arith.andi %get3A_554, %and3A_556 : vector<16xi32>
    %swap3A_558 = arith.constant 1 : i32
    %swap3A_559 = arith.index_cast %swap3A_558 : i32 to index
    %swap3A_560 = arith.constant 32 : index
    %swap3A_561 = tpu.vector_load %arg7[%swap3A_559, %swap3A_560] {strides = array<i32>} : memref<8x80xi32, #tpu.memory_space<vmem>>, vector<1x16xi32>,
    %swap3A_562 = vector.shape_cast %swap3A_561 : vector<1x16xi32> to vector<16xi32>
    %swap3A_563 = vector.shape_cast %and3A_557 : vector<16xi32> to vector<1x16xi32>
    tpu.vector_store %arg7[%swap3A_559, %swap3A_560], %swap3A_563 {strides = array<i32>} : memref<8x80xi32, #tpu.memory_space<vmem>>, vector<1x16xi32>,
    %shift_right_arithmetic3A_564 = arith.constant 16 : i32
    %shift_right_arithmetic3A_565 = vector.broadcast %shift_right_arithmetic3A_564 : i32 to vector<16xi32>
    %shift_right_arithmetic3A_566 = arith.shrsi %get3A_554, %shift_right_arithmetic3A_565 : vector<16xi32>
    %swap3A_567 = arith.constant 5 : i32
    %swap3A_568 = arith.index_cast %swap3A_567 : i32 to index
    %swap3A_569 = arith.constant 32 : index
    %swap3A_570 = tpu.vector_load %arg7[%swap3A_568, %swap3A_569] {strides = array<i32>} : memref<8x80xi32, #tpu.memory_space<vmem>>, vector<1x16xi32>,
    %swap3A_571 = vector.shape_cast %swap3A_570 : vector<1x16xi32> to vector<16xi32>
    %swap3A_572 = vector.shape_cast %shift_right_arithmetic3A_566 : vector<16xi32> to vector<1x16xi32>
    tpu.vector_store %arg7[%swap3A_568, %swap3A_569], %swap3A_572 {strides = array<i32>} : memref<8x80xi32, #tpu.memory_space<vmem>>, vector<1x16xi32>,
    %get3A_573 = arith.constant 9968 : index
    %get3A_574 = tpu.vector_load %arg6[%get3A_573] {strides = array<i32>} : memref<10000xi32, #tpu.memory_space<vmem>>, vector<16xi32>,
    %get3A_575 = vector.shape_cast %get3A_574 : vector<16xi32> to vector<16xi32>
    %and3A_576 = arith.constant 65535 : i32
    %and3A_577 = vector.broadcast %and3A_576 : i32 to vector<16xi32>
    %and3A_578 = arith.andi %get3A_575, %and3A_577 : vector<16xi32>
    %swap3A_579 = arith.constant 1 : i32
    %swap3A_580 = arith.index_cast %swap3A_579 : i32 to index
    %swap3A_581 = arith.constant 48 : index
    %swap3A_582 = tpu.vector_load %arg7[%swap3A_580, %swap3A_581] {strides = array<i32>} : memref<8x80xi32, #tpu.memory_space<vmem>>, vector<1x16xi32>,
    %swap3A_583 = vector.shape_cast %swap3A_582 : vector<1x16xi32> to vector<16xi32>
    %swap3A_584 = vector.shape_cast %and3A_578 : vector<16xi32> to vector<1x16xi32>
    tpu.vector_store %arg7[%swap3A_580, %swap3A_581], %swap3A_584 {strides = array<i32>} : memref<8x80xi32, #tpu.memory_space<vmem>>, vector<1x16xi32>,
    %shift_right_arithmetic3A_585 = arith.constant 16 : i32
    %shift_right_arithmetic3A_586 = vector.broadcast %shift_right_arithmetic3A_585 : i32 to vector<16xi32>
    %shift_right_arithmetic3A_587 = arith.shrsi %get3A_575, %shift_right_arithmetic3A_586 : vector<16xi32>
    %swap3A_588 = arith.constant 5 : i32
    %swap3A_589 = arith.index_cast %swap3A_588 : i32 to index
    %swap3A_590 = arith.constant 48 : index
    %swap3A_591 = tpu.vector_load %arg7[%swap3A_589, %swap3A_590] {strides = array<i32>} : memref<8x80xi32, #tpu.memory_space<vmem>>, vector<1x16xi32>,
    %swap3A_592 = vector.shape_cast %swap3A_591 : vector<1x16xi32> to vector<16xi32>
    %swap3A_593 = vector.shape_cast %shift_right_arithmetic3A_587 : vector<16xi32> to vector<1x16xi32>
    tpu.vector_store %arg7[%swap3A_589, %swap3A_590], %swap3A_593 {strides = array<i32>} : memref<8x80xi32, #tpu.memory_space<vmem>>, vector<1x16xi32>,
    %get3A_594 = arith.constant 9984 : index
    %get3A_595 = tpu.vector_load %arg6[%get3A_594] {strides = array<i32>} : memref<10000xi32, #tpu.memory_space<vmem>>, vector<16xi32>,
    %get3A_596 = vector.shape_cast %get3A_595 : vector<16xi32> to vector<16xi32>
    %and3A_597 = arith.constant 65535 : i32
    %and3A_598 = vector.broadcast %and3A_597 : i32 to vector<16xi32>
    %and3A_599 = arith.andi %get3A_596, %and3A_598 : vector<16xi32>
    %swap3A_600 = arith.constant 1 : i32
    %swap3A_601 = arith.index_cast %swap3A_600 : i32 to index
    %swap3A_602 = arith.constant 64 : index
    %swap3A_603 = tpu.vector_load %arg7[%swap3A_601, %swap3A_602] {strides = array<i32>} : memref<8x80xi32, #tpu.memory_space<vmem>>, vector<1x16xi32>,
    %swap3A_604 = vector.shape_cast %swap3A_603 : vector<1x16xi32> to vector<16xi32>
    %swap3A_605 = vector.shape_cast %and3A_599 : vector<16xi32> to vector<1x16xi32>
    tpu.vector_store %arg7[%swap3A_601, %swap3A_602], %swap3A_605 {strides = array<i32>} : memref<8x80xi32, #tpu.memory_space<vmem>>, vector<1x16xi32>,
    %shift_right_arithmetic3A_606 = arith.constant 16 : i32
    %shift_right_arithmetic3A_607 = vector.broadcast %shift_right_arithmetic3A_606 : i32 to vector<16xi32>
    %shift_right_arithmetic3A_608 = arith.shrsi %get3A_596, %shift_right_arithmetic3A_607 : vector<16xi32>
    %swap3A_609 = arith.constant 5 : i32
    %swap3A_610 = arith.index_cast %swap3A_609 : i32 to index
    %swap3A_611 = arith.constant 64 : index
    %swap3A_612 = tpu.vector_load %arg7[%swap3A_610, %swap3A_611] {strides = array<i32>} : memref<8x80xi32, #tpu.memory_space<vmem>>, vector<1x16xi32>,
    %swap3A_613 = vector.shape_cast %swap3A_612 : vector<1x16xi32> to vector<16xi32>
    %swap3A_614 = vector.shape_cast %shift_right_arithmetic3A_608 : vector<16xi32> to vector<1x16xi32>
    tpu.vector_store %arg7[%swap3A_610, %swap3A_611], %swap3A_614 {strides = array<i32>} : memref<8x80xi32, #tpu.memory_space<vmem>>, vector<1x16xi32>,
    %dma_start3A_615 = arith.constant 1 : i32
    %dma_start3A_616 = arith.constant 0 : i32
    %dma_start3A_617 = tpu.memref_slice %arg7[%dma_start3A_615, %dma_start3A_616] : memref<8x80xi32, #tpu.memory_space<vmem>> -> memref<1x80xi32, #tpu.memory_space<vmem>>
    %dma_start3A_618 = tpu.memref_squeeze %dma_start3A_617 : memref<1x80xi32, #tpu.memory_space<vmem>> -> memref<80xi32, #tpu.memory_space<vmem>>
    %dma_start3A_619 = arith.constant 0 : i32
    %dma_start3A_620 = arith.constant 0 : i32
    %dma_start3A_621 = tpu.memref_slice %arg2[%dma_start3A_619, %dma_start3A_620] : memref<10240x128xf32, #tpu.memory_space<hbm>> -> memref<10240x128xf32, #tpu.memory_space<hbm>>
    tpu.enqueue_indirect_dma source(%dma_start3A_621 : memref<10240x128xf32, #tpu.memory_space<hbm>>) target(%arg9 : memref<80x128xf32, #tpu.memory_space<vmem>>) offsets(%dma_start3A_618 : memref<80xi32, #tpu.memory_space<vmem>>) semaphore(%arg12 : memref<!tpu.dma_semaphore, #tpu.memory_space<semaphore_mem>>)
    %dma_wait3A_622 = arith.constant 0 : i32
    %dma_wait3A_623 = arith.constant 0 : i32
    %dma_wait3A_624 = tpu.memref_slice %arg7[%dma_wait3A_622, %dma_wait3A_623] : memref<8x80xi32, #tpu.memory_space<vmem>> -> memref<1x80xi32, #tpu.memory_space<vmem>>
    %dma_wait3A_625 = tpu.memref_squeeze %dma_wait3A_624 : memref<1x80xi32, #tpu.memory_space<vmem>> -> memref<80xi32, #tpu.memory_space<vmem>>
    %dma_wait3A_626 = arith.constant 0 : i32
    %dma_wait3A_627 = arith.constant 0 : i32
    %dma_wait3A_628 = tpu.memref_slice %arg2[%dma_wait3A_626, %dma_wait3A_627] : memref<10240x128xf32, #tpu.memory_space<hbm>> -> memref<10240x128xf32, #tpu.memory_space<hbm>>
    tpu.wait_indirect_dma semaphore(%arg12 : memref<!tpu.dma_semaphore, #tpu.memory_space<semaphore_mem>>) src(%dma_wait3A_628 : memref<10240x128xf32, #tpu.memory_space<hbm>>) dst(%arg8 : memref<80x128xf32, #tpu.memory_space<vmem>>)
    %dma_start3A_629 = arith.constant 4 : i32
    %dma_start3A_630 = arith.constant 0 : i32
    %dma_start3A_631 = tpu.memref_slice %arg7[%dma_start3A_629, %dma_start3A_630] : memref<8x80xi32, #tpu.memory_space<vmem>> -> memref<1x80xi32, #tpu.memory_space<vmem>>
    %dma_start3A_632 = tpu.memref_squeeze %dma_start3A_631 : memref<1x80xi32, #tpu.memory_space<vmem>> -> memref<80xi32, #tpu.memory_space<vmem>>
    %dma_start3A_633 = arith.constant 0 : i32
    %dma_start3A_634 = arith.constant 0 : i32
    %dma_start3A_635 = tpu.memref_slice %arg11[%dma_start3A_633, %dma_start3A_634] : memref<10240x128xf32, #tpu.memory_space<vmem_shared>> -> memref<10240x128xf32, #tpu.memory_space<vmem_shared>>
    tpu.enqueue_indirect_dma source(%arg8 : memref<80x128xf32, #tpu.memory_space<vmem>>) target(%dma_start3A_635 : memref<10240x128xf32, #tpu.memory_space<vmem_shared>>) offsets(%dma_start3A_632 : memref<80xi32, #tpu.memory_space<vmem>>) semaphore(%arg13 : memref<!tpu.dma_semaphore, #tpu.memory_space<semaphore_mem>>) {add = true}
    %dma_wait3A_636 = arith.constant 6 : i32
    %dma_wait3A_637 = arith.constant 0 : i32
    %dma_wait3A_638 = tpu.memref_slice %arg7[%dma_wait3A_636, %dma_wait3A_637] : memref<8x80xi32, #tpu.memory_space<vmem>> -> memref<1x80xi32, #tpu.memory_space<vmem>>
    %dma_wait3A_639 = tpu.memref_squeeze %dma_wait3A_638 : memref<1x80xi32, #tpu.memory_space<vmem>> -> memref<80xi32, #tpu.memory_space<vmem>>
    %dma_wait3A_640 = arith.constant 0 : i32
    %dma_wait3A_641 = arith.constant 0 : i32
    %dma_wait3A_642 = tpu.memref_slice %arg11[%dma_wait3A_640, %dma_wait3A_641] : memref<10240x128xf32, #tpu.memory_space<vmem_shared>> -> memref<10240x128xf32, #tpu.memory_space<vmem_shared>>
    tpu.wait_indirect_dma semaphore(%arg13 : memref<!tpu.dma_semaphore, #tpu.memory_space<semaphore_mem>>) src(%arg10 : memref<80x128xf32, #tpu.memory_space<vmem>>) dst(%dma_wait3A_642 : memref<10240x128xf32, #tpu.memory_space<vmem_shared>>)
    %dma_wait3A_643 = arith.constant 1 : i32
    %dma_wait3A_644 = arith.constant 0 : i32
    %dma_wait3A_645 = tpu.memref_slice %arg7[%dma_wait3A_643, %dma_wait3A_644] : memref<8x80xi32, #tpu.memory_space<vmem>> -> memref<1x80xi32, #tpu.memory_space<vmem>>
    %dma_wait3A_646 = tpu.memref_squeeze %dma_wait3A_645 : memref<1x80xi32, #tpu.memory_space<vmem>> -> memref<80xi32, #tpu.memory_space<vmem>>
    %dma_wait3A_647 = arith.constant 0 : i32
    %dma_wait3A_648 = arith.constant 0 : i32
    %dma_wait3A_649 = tpu.memref_slice %arg2[%dma_wait3A_647, %dma_wait3A_648] : memref<10240x128xf32, #tpu.memory_space<hbm>> -> memref<10240x128xf32, #tpu.memory_space<hbm>>
    tpu.wait_indirect_dma semaphore(%arg12 : memref<!tpu.dma_semaphore, #tpu.memory_space<semaphore_mem>>) src(%dma_wait3A_649 : memref<10240x128xf32, #tpu.memory_space<hbm>>) dst(%arg9 : memref<80x128xf32, #tpu.memory_space<vmem>>)
    %dma_start3A_650 = arith.constant 5 : i32
    %dma_start3A_651 = arith.constant 0 : i32
    %dma_start3A_652 = tpu.memref_slice %arg7[%dma_start3A_650, %dma_start3A_651] : memref<8x80xi32, #tpu.memory_space<vmem>> -> memref<1x80xi32, #tpu.memory_space<vmem>>
    %dma_start3A_653 = tpu.memref_squeeze %dma_start3A_652 : memref<1x80xi32, #tpu.memory_space<vmem>> -> memref<80xi32, #tpu.memory_space<vmem>>
    %dma_start3A_654 = arith.constant 0 : i32
    %dma_start3A_655 = arith.constant 0 : i32
    %dma_start3A_656 = tpu.memref_slice %arg11[%dma_start3A_654, %dma_start3A_655] : memref<10240x128xf32, #tpu.memory_space<vmem_shared>> -> memref<10240x128xf32, #tpu.memory_space<vmem_shared>>
    tpu.enqueue_indirect_dma source(%arg9 : memref<80x128xf32, #tpu.memory_space<vmem>>) target(%dma_start3A_656 : memref<10240x128xf32, #tpu.memory_space<vmem_shared>>) offsets(%dma_start3A_653 : memref<80xi32, #tpu.memory_space<vmem>>) semaphore(%arg13 : memref<!tpu.dma_semaphore, #tpu.memory_space<semaphore_mem>>) {add = true}
    %dma_wait3A_657 = arith.constant 4 : i32
    %dma_wait3A_658 = arith.constant 0 : i32
    %dma_wait3A_659 = tpu.memref_slice %arg7[%dma_wait3A_657, %dma_wait3A_658] : memref<8x80xi32, #tpu.memory_space<vmem>> -> memref<1x80xi32, #tpu.memory_space<vmem>>
    %dma_wait3A_660 = tpu.memref_squeeze %dma_wait3A_659 : memref<1x80xi32, #tpu.memory_space<vmem>> -> memref<80xi32, #tpu.memory_space<vmem>>
    %dma_wait3A_661 = arith.constant 0 : i32
    %dma_wait3A_662 = arith.constant 0 : i32
    %dma_wait3A_663 = tpu.memref_slice %arg11[%dma_wait3A_661, %dma_wait3A_662] : memref<10240x128xf32, #tpu.memory_space<vmem_shared>> -> memref<10240x128xf32, #tpu.memory_space<vmem_shared>>
    tpu.wait_indirect_dma semaphore(%arg13 : memref<!tpu.dma_semaphore, #tpu.memory_space<semaphore_mem>>) src(%arg8 : memref<80x128xf32, #tpu.memory_space<vmem>>) dst(%dma_wait3A_663 : memref<10240x128xf32, #tpu.memory_space<vmem_shared>>)
    %dma_wait3A_664 = arith.constant 5 : i32
    %dma_wait3A_665 = arith.constant 0 : i32
    %dma_wait3A_666 = tpu.memref_slice %arg7[%dma_wait3A_664, %dma_wait3A_665] : memref<8x80xi32, #tpu.memory_space<vmem>> -> memref<1x80xi32, #tpu.memory_space<vmem>>
    %dma_wait3A_667 = tpu.memref_squeeze %dma_wait3A_666 : memref<1x80xi32, #tpu.memory_space<vmem>> -> memref<80xi32, #tpu.memory_space<vmem>>
    %dma_wait3A_668 = arith.constant 0 : i32
    %dma_wait3A_669 = arith.constant 0 : i32
    %dma_wait3A_670 = tpu.memref_slice %arg11[%dma_wait3A_668, %dma_wait3A_669] : memref<10240x128xf32, #tpu.memory_space<vmem_shared>> -> memref<10240x128xf32, #tpu.memory_space<vmem_shared>>
    tpu.wait_indirect_dma semaphore(%arg13 : memref<!tpu.dma_semaphore, #tpu.memory_space<semaphore_mem>>) src(%arg9 : memref<80x128xf32, #tpu.memory_space<vmem>>) dst(%dma_wait3A_670 : memref<10240x128xf32, #tpu.memory_space<vmem_shared>>)
    %barrier3A_671 = arith.constant 0 : index
    tpu.barrier barrier_id(%barrier3A_671)
    %mul3A_672 = arith.constant 640 : i32
    %mul3A_673 = arith.muli %arg1, %mul3A_672 : i32
    %mul3A_674 = arith.constant 640 : i32
    %mul3A_675 = arith.muli %arg1, %mul3A_674 : i32
    "tpu.region"() ({
      %run_scoped3A = tpu.sem_alloc : memref<!tpu.dma_semaphore, #tpu.memory_space<semaphore_mem>>
      %dma_start3A_676 = arith.constant 0 : i32
      %dma_start3A_677 = tpu.memref_slice %arg5[%arg0, %mul3A_675, %dma_start3A_676] : memref<2x10240x128xf32, #tpu.memory_space<hbm>> -> memref<1x640x128xf32, #tpu.memory_space<hbm>>
      %dma_start3A_678 = tpu.memref_squeeze %dma_start3A_677 : memref<1x640x128xf32, #tpu.memory_space<hbm>> -> memref<640x128xf32, #tpu.memory_space<hbm>>
      %dma_start3A_679 = arith.constant 0 : i32
      %dma_start3A_680 = tpu.memref_slice %arg11[%mul3A_673, %dma_start3A_679] : memref<10240x128xf32, #tpu.memory_space<vmem_shared>> -> memref<640x128xf32, #tpu.memory_space<vmem_shared>>
      tpu.enqueue_dma source(%dma_start3A_680 : memref<640x128xf32, #tpu.memory_space<vmem_shared>>) target(%dma_start3A_678 : memref<640x128xf32, #tpu.memory_space<hbm>>) target_semaphore(%run_scoped3A : memref<!tpu.dma_semaphore, #tpu.memory_space<semaphore_mem>>)
      %dma_wait3A_681 = arith.constant 0 : i32
      %dma_wait3A_682 = tpu.memref_slice %arg5[%arg0, %mul3A_675, %dma_wait3A_681] : memref<2x10240x128xf32, #tpu.memory_space<hbm>> -> memref<1x640x128xf32, #tpu.memory_space<hbm>>
      %dma_wait3A_683 = tpu.memref_squeeze %dma_wait3A_682 : memref<1x640x128xf32, #tpu.memory_space<hbm>> -> memref<640x128xf32, #tpu.memory_space<hbm>>
      %dma_wait3A_684 = arith.constant 0 : i32
      %dma_wait3A_685 = tpu.memref_slice %arg11[%mul3A_673, %dma_wait3A_684] : memref<10240x128xf32, #tpu.memory_space<vmem_shared>> -> memref<640x128xf32, #tpu.memory_space<vmem_shared>>
      tpu.wait_dma2 semaphore(%run_scoped3A : memref<!tpu.dma_semaphore, #tpu.memory_space<semaphore_mem>>) src(%dma_wait3A_685 : memref<640x128xf32, #tpu.memory_space<vmem_shared>>) dst(%dma_wait3A_683 : memref<640x128xf32, #tpu.memory_space<hbm>>)
      tpu.yield
    }) : () -> ()
    return
  }
}

#map = affine_map<(d0, d1) -> (0, 0, 0)>
#map1 = affine_map<(d0, d1) -> (0)>
#map2 = affine_map<(d0, d1) -> (0, 0)>
module attributes {stable_mosaic.version = 14 : i64} {
  func.func @_sc_degree(%arg0: i32, %arg1: i32, %arg2: memref<32x79x128xi32, #tpu.memory_space<hbm>>, %arg3: memref<10240xf32, #tpu.memory_space<hbm>>, %arg4: memref<128xf32, #tpu.memory_space<hbm>>, %arg5: memref<2x10240xf32, #tpu.memory_space<hbm>>, %arg6: memref<79x128xi32, #tpu.memory_space<vmem>>, %arg7: memref<128xf32, #tpu.memory_space<vmem>>, %arg8: memref<10240xf32, #tpu.memory_space<vmem_shared>>, %arg9: memref<!tpu.dma_semaphore, #tpu.memory_space<semaphore_mem>>) attributes {dimension_semantics = [#tpu.dimension_semantics<core_parallel>, #tpu.dimension_semantics<subcore_parallel>], iteration_bounds = array<i64: 2, 16>, scalar_prefetch = 0 : i64, scratch_operands = 4 : i64, tpu.core_type = #tpu.core_type<sc_vector_subcore>, window_params = [{transform_indices = #map}, {transform_indices = #map1}, {transform_indices = #map1}, {transform_indices = #map2}]} {
    %mul3A = arith.constant 2 : i32
    %mul3A_0 = arith.muli %arg1, %mul3A : i32
    %add3A = arith.addi %mul3A_0, %arg0 : i32
    %mul3A_1 = arith.constant 640 : i32
    %mul3A_2 = arith.muli %arg1, %mul3A_1 : i32
    %mul3A_3 = arith.constant 640 : i32
    %mul3A_4 = arith.muli %arg1, %mul3A_3 : i32
    "tpu.region"() ({
      %run_scoped3A = tpu.sem_alloc : memref<!tpu.dma_semaphore, #tpu.memory_space<semaphore_mem>>
      %dma_start3A = tpu.memref_slice %arg8[%mul3A_4] : memref<10240xf32, #tpu.memory_space<vmem_shared>> -> memref<640xf32, #tpu.memory_space<vmem_shared>>
      %dma_start3A_45 = tpu.memref_slice %arg3[%mul3A_2] : memref<10240xf32, #tpu.memory_space<hbm>> -> memref<640xf32, #tpu.memory_space<hbm>>
      tpu.enqueue_dma source(%dma_start3A_45 : memref<640xf32, #tpu.memory_space<hbm>>) target(%dma_start3A : memref<640xf32, #tpu.memory_space<vmem_shared>>) target_semaphore(%run_scoped3A : memref<!tpu.dma_semaphore, #tpu.memory_space<semaphore_mem>>)
      %dma_wait3A = tpu.memref_slice %arg8[%mul3A_4] : memref<10240xf32, #tpu.memory_space<vmem_shared>> -> memref<640xf32, #tpu.memory_space<vmem_shared>>
      %dma_wait3A_46 = tpu.memref_slice %arg3[%mul3A_2] : memref<10240xf32, #tpu.memory_space<hbm>> -> memref<640xf32, #tpu.memory_space<hbm>>
      tpu.wait_dma2 semaphore(%run_scoped3A : memref<!tpu.dma_semaphore, #tpu.memory_space<semaphore_mem>>) src(%dma_wait3A_46 : memref<640xf32, #tpu.memory_space<hbm>>) dst(%dma_wait3A : memref<640xf32, #tpu.memory_space<vmem_shared>>)
      tpu.yield
    }) : () -> ()
    "tpu.region"() ({
      %run_scoped3A = tpu.sem_alloc : memref<!tpu.dma_semaphore, #tpu.memory_space<semaphore_mem>>
      %dma_start3A = arith.constant 0 : i32
      %dma_start3A_45 = arith.constant 0 : i32
      %dma_start3A_46 = tpu.memref_slice %arg2[%add3A, %dma_start3A, %dma_start3A_45] : memref<32x79x128xi32, #tpu.memory_space<hbm>> -> memref<1x79x128xi32, #tpu.memory_space<hbm>>
      %dma_start3A_47 = tpu.memref_squeeze %dma_start3A_46 : memref<1x79x128xi32, #tpu.memory_space<hbm>> -> memref<79x128xi32, #tpu.memory_space<hbm>>
      %dma_start3A_48 = arith.constant 0 : i32
      %dma_start3A_49 = arith.constant 0 : i32
      %dma_start3A_50 = tpu.memref_slice %arg2[%add3A, %dma_start3A_48, %dma_start3A_49] : memref<32x79x128xi32, #tpu.memory_space<hbm>> -> memref<1x79x128xi32, #tpu.memory_space<hbm>>
      %dma_start3A_51 = tpu.memref_squeeze %dma_start3A_50 : memref<1x79x128xi32, #tpu.memory_space<hbm>> -> memref<79x128xi32, #tpu.memory_space<hbm>>
      tpu.enqueue_dma source(%dma_start3A_51 : memref<79x128xi32, #tpu.memory_space<hbm>>) target(%arg6 : memref<79x128xi32, #tpu.memory_space<vmem>>) target_semaphore(%run_scoped3A : memref<!tpu.dma_semaphore, #tpu.memory_space<semaphore_mem>>)
      %dma_wait3A = arith.constant 0 : i32
      %dma_wait3A_52 = arith.constant 0 : i32
      %dma_wait3A_53 = tpu.memref_slice %arg2[%add3A, %dma_wait3A, %dma_wait3A_52] : memref<32x79x128xi32, #tpu.memory_space<hbm>> -> memref<1x79x128xi32, #tpu.memory_space<hbm>>
      %dma_wait3A_54 = tpu.memref_squeeze %dma_wait3A_53 : memref<1x79x128xi32, #tpu.memory_space<hbm>> -> memref<79x128xi32, #tpu.memory_space<hbm>>
      %dma_wait3A_55 = arith.constant 0 : i32
      %dma_wait3A_56 = arith.constant 0 : i32
      %dma_wait3A_57 = tpu.memref_slice %arg2[%add3A, %dma_wait3A_55, %dma_wait3A_56] : memref<32x79x128xi32, #tpu.memory_space<hbm>> -> memref<1x79x128xi32, #tpu.memory_space<hbm>>
      %dma_wait3A_58 = tpu.memref_squeeze %dma_wait3A_57 : memref<1x79x128xi32, #tpu.memory_space<hbm>> -> memref<79x128xi32, #tpu.memory_space<hbm>>
      tpu.wait_dma2 semaphore(%run_scoped3A : memref<!tpu.dma_semaphore, #tpu.memory_space<semaphore_mem>>) src(%dma_wait3A_58 : memref<79x128xi32, #tpu.memory_space<hbm>>) dst(%arg6 : memref<79x128xi32, #tpu.memory_space<vmem>>)
      tpu.yield
    }) : () -> ()
    "tpu.region"() ({
      %run_scoped3A = tpu.sem_alloc : memref<!tpu.dma_semaphore, #tpu.memory_space<semaphore_mem>>
      tpu.enqueue_dma source(%arg4 : memref<128xf32, #tpu.memory_space<hbm>>) target(%arg7 : memref<128xf32, #tpu.memory_space<vmem>>) target_semaphore(%run_scoped3A : memref<!tpu.dma_semaphore, #tpu.memory_space<semaphore_mem>>)
      tpu.wait_dma2 semaphore(%run_scoped3A : memref<!tpu.dma_semaphore, #tpu.memory_space<semaphore_mem>>) src(%arg4 : memref<128xf32, #tpu.memory_space<hbm>>) dst(%arg7 : memref<128xf32, #tpu.memory_space<vmem>>)
      tpu.yield
    }) : () -> ()
    %barrier3A = arith.constant 0 : index
    tpu.barrier barrier_id(%barrier3A)
    %scan3A = arith.constant 0 : i32
    %scan3A_5 = arith.constant 0 : i32
    %scan3A_6 = arith.constant 26 : i32
    %scan3A_7 = arith.addi %scan3A_5, %scan3A_6 : i32
    %scan3A_8 = arith.constant 1 : i32
    scf.for %scan3A_45 = %scan3A_5 to %scan3A_7 step %scan3A_8  : i32 {
      %dma_start3A = arith.constant 0 : i32
      %dma_start3A_46 = tpu.memref_slice %arg6[%scan3A_45, %dma_start3A] : memref<79x128xi32, #tpu.memory_space<vmem>> -> memref<1x128xi32, #tpu.memory_space<vmem>>
      %dma_start3A_47 = tpu.memref_squeeze %dma_start3A_46 : memref<1x128xi32, #tpu.memory_space<vmem>> -> memref<128xi32, #tpu.memory_space<vmem>>
      %dma_start3A_48 = arith.constant 0 : i32
      %dma_start3A_49 = tpu.memref_slice %arg8[%dma_start3A_48] : memref<10240xf32, #tpu.memory_space<vmem_shared>> -> memref<10240xf32, #tpu.memory_space<vmem_shared>>
      tpu.enqueue_indirect_dma source(%arg7 : memref<128xf32, #tpu.memory_space<vmem>>) target(%dma_start3A_49 : memref<10240xf32, #tpu.memory_space<vmem_shared>>) offsets(%dma_start3A_47 : memref<128xi32, #tpu.memory_space<vmem>>) semaphore(%arg9 : memref<!tpu.dma_semaphore, #tpu.memory_space<semaphore_mem>>) {add = true}
    }
    %scan3A_9 = arith.constant 26 : i32
    %scan3A_10 = arith.constant 0 : i32
    %scan3A_11 = arith.constant 0 : i32
    %scan3A_12 = arith.constant 26 : i32
    %scan3A_13 = arith.addi %scan3A_11, %scan3A_12 : i32
    %scan3A_14 = arith.constant 1 : i32
    scf.for %scan3A_45 = %scan3A_11 to %scan3A_13 step %scan3A_14  : i32 {
      %dma_wait3A = arith.constant 0 : i32
      %dma_wait3A_46 = tpu.memref_slice %arg6[%scan3A_45, %dma_wait3A] : memref<79x128xi32, #tpu.memory_space<vmem>> -> memref<1x128xi32, #tpu.memory_space<vmem>>
      %dma_wait3A_47 = tpu.memref_squeeze %dma_wait3A_46 : memref<1x128xi32, #tpu.memory_space<vmem>> -> memref<128xi32, #tpu.memory_space<vmem>>
      %dma_wait3A_48 = arith.constant 0 : i32
      %dma_wait3A_49 = tpu.memref_slice %arg8[%dma_wait3A_48] : memref<10240xf32, #tpu.memory_space<vmem_shared>> -> memref<10240xf32, #tpu.memory_space<vmem_shared>>
      tpu.wait_indirect_dma semaphore(%arg9 : memref<!tpu.dma_semaphore, #tpu.memory_space<semaphore_mem>>) src(%arg7 : memref<128xf32, #tpu.memory_space<vmem>>) dst(%dma_wait3A_49 : memref<10240xf32, #tpu.memory_space<vmem_shared>>)
    }
    %scan3A_15 = arith.constant 26 : i32
    %scan3A_16 = arith.constant 0 : i32
    %scan3A_17 = arith.constant 26 : i32
    %scan3A_18 = arith.constant 26 : i32
    %scan3A_19 = arith.addi %scan3A_17, %scan3A_18 : i32
    %scan3A_20 = arith.constant 1 : i32
    scf.for %scan3A_45 = %scan3A_17 to %scan3A_19 step %scan3A_20  : i32 {
      %dma_start3A = arith.constant 0 : i32
      %dma_start3A_46 = tpu.memref_slice %arg6[%scan3A_45, %dma_start3A] : memref<79x128xi32, #tpu.memory_space<vmem>> -> memref<1x128xi32, #tpu.memory_space<vmem>>
      %dma_start3A_47 = tpu.memref_squeeze %dma_start3A_46 : memref<1x128xi32, #tpu.memory_space<vmem>> -> memref<128xi32, #tpu.memory_space<vmem>>
      %dma_start3A_48 = arith.constant 0 : i32
      %dma_start3A_49 = tpu.memref_slice %arg8[%dma_start3A_48] : memref<10240xf32, #tpu.memory_space<vmem_shared>> -> memref<10240xf32, #tpu.memory_space<vmem_shared>>
      tpu.enqueue_indirect_dma source(%arg7 : memref<128xf32, #tpu.memory_space<vmem>>) target(%dma_start3A_49 : memref<10240xf32, #tpu.memory_space<vmem_shared>>) offsets(%dma_start3A_47 : memref<128xi32, #tpu.memory_space<vmem>>) semaphore(%arg9 : memref<!tpu.dma_semaphore, #tpu.memory_space<semaphore_mem>>) {add = true}
    }
    %scan3A_21 = arith.constant 26 : i32
    %scan3A_22 = arith.constant 0 : i32
    %scan3A_23 = arith.constant 26 : i32
    %scan3A_24 = arith.constant 26 : i32
    %scan3A_25 = arith.addi %scan3A_23, %scan3A_24 : i32
    %scan3A_26 = arith.constant 1 : i32
    scf.for %scan3A_45 = %scan3A_23 to %scan3A_25 step %scan3A_26  : i32 {
      %dma_wait3A = arith.constant 0 : i32
      %dma_wait3A_46 = tpu.memref_slice %arg6[%scan3A_45, %dma_wait3A] : memref<79x128xi32, #tpu.memory_space<vmem>> -> memref<1x128xi32, #tpu.memory_space<vmem>>
      %dma_wait3A_47 = tpu.memref_squeeze %dma_wait3A_46 : memref<1x128xi32, #tpu.memory_space<vmem>> -> memref<128xi32, #tpu.memory_space<vmem>>
      %dma_wait3A_48 = arith.constant 0 : i32
      %dma_wait3A_49 = tpu.memref_slice %arg8[%dma_wait3A_48] : memref<10240xf32, #tpu.memory_space<vmem_shared>> -> memref<10240xf32, #tpu.memory_space<vmem_shared>>
      tpu.wait_indirect_dma semaphore(%arg9 : memref<!tpu.dma_semaphore, #tpu.memory_space<semaphore_mem>>) src(%arg7 : memref<128xf32, #tpu.memory_space<vmem>>) dst(%dma_wait3A_49 : memref<10240xf32, #tpu.memory_space<vmem_shared>>)
    }
    %scan3A_27 = arith.constant 26 : i32
    %scan3A_28 = arith.constant 0 : i32
    %scan3A_29 = arith.constant 52 : i32
    %scan3A_30 = arith.constant 27 : i32
    %scan3A_31 = arith.addi %scan3A_29, %scan3A_30 : i32
    %scan3A_32 = arith.constant 1 : i32
    scf.for %scan3A_45 = %scan3A_29 to %scan3A_31 step %scan3A_32  : i32 {
      %dma_start3A = arith.constant 0 : i32
      %dma_start3A_46 = tpu.memref_slice %arg6[%scan3A_45, %dma_start3A] : memref<79x128xi32, #tpu.memory_space<vmem>> -> memref<1x128xi32, #tpu.memory_space<vmem>>
      %dma_start3A_47 = tpu.memref_squeeze %dma_start3A_46 : memref<1x128xi32, #tpu.memory_space<vmem>> -> memref<128xi32, #tpu.memory_space<vmem>>
      %dma_start3A_48 = arith.constant 0 : i32
      %dma_start3A_49 = tpu.memref_slice %arg8[%dma_start3A_48] : memref<10240xf32, #tpu.memory_space<vmem_shared>> -> memref<10240xf32, #tpu.memory_space<vmem_shared>>
      tpu.enqueue_indirect_dma source(%arg7 : memref<128xf32, #tpu.memory_space<vmem>>) target(%dma_start3A_49 : memref<10240xf32, #tpu.memory_space<vmem_shared>>) offsets(%dma_start3A_47 : memref<128xi32, #tpu.memory_space<vmem>>) semaphore(%arg9 : memref<!tpu.dma_semaphore, #tpu.memory_space<semaphore_mem>>) {add = true}
    }
    %scan3A_33 = arith.constant 27 : i32
    %scan3A_34 = arith.constant 0 : i32
    %scan3A_35 = arith.constant 52 : i32
    %scan3A_36 = arith.constant 27 : i32
    %scan3A_37 = arith.addi %scan3A_35, %scan3A_36 : i32
    %scan3A_38 = arith.constant 1 : i32
    scf.for %scan3A_45 = %scan3A_35 to %scan3A_37 step %scan3A_38  : i32 {
      %dma_wait3A = arith.constant 0 : i32
      %dma_wait3A_46 = tpu.memref_slice %arg6[%scan3A_45, %dma_wait3A] : memref<79x128xi32, #tpu.memory_space<vmem>> -> memref<1x128xi32, #tpu.memory_space<vmem>>
      %dma_wait3A_47 = tpu.memref_squeeze %dma_wait3A_46 : memref<1x128xi32, #tpu.memory_space<vmem>> -> memref<128xi32, #tpu.memory_space<vmem>>
      %dma_wait3A_48 = arith.constant 0 : i32
      %dma_wait3A_49 = tpu.memref_slice %arg8[%dma_wait3A_48] : memref<10240xf32, #tpu.memory_space<vmem_shared>> -> memref<10240xf32, #tpu.memory_space<vmem_shared>>
      tpu.wait_indirect_dma semaphore(%arg9 : memref<!tpu.dma_semaphore, #tpu.memory_space<semaphore_mem>>) src(%arg7 : memref<128xf32, #tpu.memory_space<vmem>>) dst(%dma_wait3A_49 : memref<10240xf32, #tpu.memory_space<vmem_shared>>)
    }
    %scan3A_39 = arith.constant 27 : i32
    %barrier3A_40 = arith.constant 0 : index
    tpu.barrier barrier_id(%barrier3A_40)
    %mul3A_41 = arith.constant 640 : i32
    %mul3A_42 = arith.muli %arg1, %mul3A_41 : i32
    %mul3A_43 = arith.constant 640 : i32
    %mul3A_44 = arith.muli %arg1, %mul3A_43 : i32
    "tpu.region"() ({
      %run_scoped3A = tpu.sem_alloc : memref<!tpu.dma_semaphore, #tpu.memory_space<semaphore_mem>>
      %dma_start3A = tpu.memref_slice %arg5[%arg0, %mul3A_44] : memref<2x10240xf32, #tpu.memory_space<hbm>> -> memref<1x640xf32, #tpu.memory_space<hbm>>
      %dma_start3A_45 = tpu.memref_squeeze %dma_start3A : memref<1x640xf32, #tpu.memory_space<hbm>> -> memref<640xf32, #tpu.memory_space<hbm>>
      %dma_start3A_46 = tpu.memref_slice %arg8[%mul3A_42] : memref<10240xf32, #tpu.memory_space<vmem_shared>> -> memref<640xf32, #tpu.memory_space<vmem_shared>>
      tpu.enqueue_dma source(%dma_start3A_46 : memref<640xf32, #tpu.memory_space<vmem_shared>>) target(%dma_start3A_45 : memref<640xf32, #tpu.memory_space<hbm>>) target_semaphore(%run_scoped3A : memref<!tpu.dma_semaphore, #tpu.memory_space<semaphore_mem>>)
      %dma_wait3A = tpu.memref_slice %arg5[%arg0, %mul3A_44] : memref<2x10240xf32, #tpu.memory_space<hbm>> -> memref<1x640xf32, #tpu.memory_space<hbm>>
      %dma_wait3A_47 = tpu.memref_squeeze %dma_wait3A : memref<1x640xf32, #tpu.memory_space<hbm>> -> memref<640xf32, #tpu.memory_space<hbm>>
      %dma_wait3A_48 = tpu.memref_slice %arg8[%mul3A_42] : memref<10240xf32, #tpu.memory_space<vmem_shared>> -> memref<640xf32, #tpu.memory_space<vmem_shared>>
      tpu.wait_dma2 semaphore(%run_scoped3A : memref<!tpu.dma_semaphore, #tpu.memory_space<semaphore_mem>>) src(%dma_wait3A_48 : memref<640xf32, #tpu.memory_space<vmem_shared>>) dst(%dma_wait3A_47 : memref<640xf32, #tpu.memory_space<hbm>>)
      tpu.yield
    }) : () -> ()
    return
  }
}

module attributes {stable_mosaic.version = 14 : i64} {
  func.func @_tc_prep_body(%arg0: memref<10000x128xf32, #tpu.memory_space<vmem>>, %arg1: memref<128x128xf32, #tpu.memory_space<vmem>>, %arg2: memref<2x10240xf32, #tpu.memory_space<vmem>>, %arg3: memref<10240x128xf32, #tpu.memory_space<vmem>>, %arg4: memref<10240x1xf32, #tpu.memory_space<vmem>>) attributes {dimension_semantics = [], scalar_prefetch = 0 : i64, scratch_operands = 0 : i64, tpu.core_type = #tpu.core_type<tc>} {
    %get3A = arith.constant 0 : index
    %get3A_0 = arith.constant 0 : index
    %get3A_1 = vector.load %arg0[%get3A, %get3A_0] : memref<10000x128xf32, #tpu.memory_space<vmem>>, vector<10000x128xf32>
    %get3A_2 = arith.constant 0 : index
    %get3A_3 = arith.constant 0 : index
    %get3A_4 = vector.load %arg1[%get3A_2, %get3A_3] : memref<128x128xf32, #tpu.memory_space<vmem>>, vector<128x128xf32>
    %dot_general3A = arith.constant dense<0.000000e+00> : vector<10000x128xf32>
    %dot_general3A_5 = tpu.matmul %get3A_1, %get3A_4, %dot_general3A {dimension_numbers = #tpu.dot_dimension_numbers<[1], [0], [0], [1], [0, 0, 1, 1], [], []>, transpose_lhs_hint = false} : vector<10000x128xf32>, vector<128x128xf32>, vector<10000x128xf32> -> vector<10000x128xf32>
    %get3A_6 = arith.constant 0 : index
    %get3A_7 = arith.constant 0 : index
    %get3A_8 = vector.load %arg2[%get3A_6, %get3A_7] : memref<2x10240xf32, #tpu.memory_space<vmem>>, vector<1x10240xf32>
    %get3A_9 = vector.shape_cast %get3A_8 : vector<1x10240xf32> to vector<10240xf32>
    %get3A_10 = arith.constant 1 : index
    %get3A_11 = arith.constant 0 : index
    %get3A_12 = vector.load %arg2[%get3A_10, %get3A_11] : memref<2x10240xf32, #tpu.memory_space<vmem>>, vector<1x10240xf32>
    %get3A_13 = vector.shape_cast %get3A_12 : vector<1x10240xf32> to vector<10240xf32>
    %add3A = arith.addf %get3A_9, %get3A_13 : vector<10240xf32>
    %add3A_14 = arith.constant 1.000000e+00 : f32
    %add3A_15 = vector.broadcast %add3A_14 : f32 to vector<10240xf32>
    %add3A_16 = arith.addf %add3A, %add3A_15 : vector<10240xf32>
    %broadcast_in_dim3A = vector.shape_cast %add3A_16 : vector<10240xf32> to vector<10240x1xf32>
    %rsqrt3A = math.rsqrt %broadcast_in_dim3A : vector<10240x1xf32>
    %swap3A = arith.constant 0 : index
    %swap3A_17 = arith.constant 0 : index
    %swap3A_18 = vector.load %arg4[%swap3A, %swap3A_17] : memref<10240x1xf32, #tpu.memory_space<vmem>>, vector<10240x1xf32>
    tpu.vector_store %arg4[%swap3A, %swap3A_17], %rsqrt3A {strides = array<i32>} : memref<10240x1xf32, #tpu.memory_space<vmem>>, vector<10240x1xf32>,
    %slice3A = vector.extract_strided_slice %rsqrt3A {offsets = [0, 0], sizes = [10000, 1], strides = [1, 1]} : vector<10240x1xf32> to vector<10000x1xf32>
    %mul3A = vector.broadcast %slice3A : vector<10000x1xf32> to vector<10000x128xf32>
    %mul3A_19 = arith.mulf %dot_general3A_5, %mul3A : vector<10000x128xf32>
    %swap3A_20 = arith.constant 0 : index
    %swap3A_21 = arith.constant 0 : index
    %swap3A_22 = vector.load %arg3[%swap3A_20, %swap3A_21] : memref<10240x128xf32, #tpu.memory_space<vmem>>, vector<10000x128xf32>
    tpu.vector_store %arg3[%swap3A_20, %swap3A_21], %mul3A_19 {strides = array<i32>} : memref<10240x128xf32, #tpu.memory_space<vmem>>, vector<10000x128xf32>,
    return
  }
}

module attributes {stable_mosaic.version = 14 : i64} {
  func.func @_tc_finish_body(%arg0: memref<2x10240x128xf32, #tpu.memory_space<vmem>>, %arg1: memref<10240x128xf32, #tpu.memory_space<vmem>>, %arg2: memref<10240x1xf32, #tpu.memory_space<vmem>>, %arg3: memref<1x128xf32, #tpu.memory_space<vmem>>, %arg4: memref<10000x128xf32, #tpu.memory_space<vmem>>) attributes {dimension_semantics = [], scalar_prefetch = 0 : i64, scratch_operands = 0 : i64, tpu.core_type = #tpu.core_type<tc>} {
    %get3A = arith.constant 0 : index
    %get3A_0 = arith.constant 0 : index
    %get3A_1 = arith.constant 0 : index
    %get3A_2 = vector.load %arg0[%get3A, %get3A_0, %get3A_1] : memref<2x10240x128xf32, #tpu.memory_space<vmem>>, vector<1x10000x128xf32>
    %get3A_3 = vector.shape_cast %get3A_2 : vector<1x10000x128xf32> to vector<10000x128xf32>
    %get3A_4 = arith.constant 1 : index
    %get3A_5 = arith.constant 0 : index
    %get3A_6 = arith.constant 0 : index
    %get3A_7 = vector.load %arg0[%get3A_4, %get3A_5, %get3A_6] : memref<2x10240x128xf32, #tpu.memory_space<vmem>>, vector<1x10000x128xf32>
    %get3A_8 = vector.shape_cast %get3A_7 : vector<1x10000x128xf32> to vector<10000x128xf32>
    %add3A = arith.addf %get3A_3, %get3A_8 : vector<10000x128xf32>
    %get3A_9 = arith.constant 0 : index
    %get3A_10 = arith.constant 0 : index
    %get3A_11 = vector.load %arg1[%get3A_9, %get3A_10] : memref<10240x128xf32, #tpu.memory_space<vmem>>, vector<10000x128xf32>
    %add3A_12 = arith.addf %add3A, %get3A_11 : vector<10000x128xf32>
    %get3A_13 = arith.constant 0 : index
    %get3A_14 = arith.constant 0 : index
    %get3A_15 = vector.load %arg2[%get3A_13, %get3A_14] : memref<10240x1xf32, #tpu.memory_space<vmem>>, vector<10000x1xf32>
    %mul3A = vector.broadcast %get3A_15 : vector<10000x1xf32> to vector<10000x128xf32>
    %mul3A_16 = arith.mulf %add3A_12, %mul3A : vector<10000x128xf32>
    %get3A_17 = arith.constant 0 : index
    %get3A_18 = arith.constant 0 : index
    %get3A_19 = vector.load %arg3[%get3A_17, %get3A_18] : memref<1x128xf32, #tpu.memory_space<vmem>>, vector<1x128xf32>
    %add3A_20 = vector.broadcast %get3A_19 : vector<1x128xf32> to vector<10000x128xf32>
    %add3A_21 = arith.addf %mul3A_16, %add3A_20 : vector<10000x128xf32>
    %max3A = arith.constant 0.000000e+00 : f32
    %max3A_22 = vector.broadcast %max3A : f32 to vector<10000x128xf32>
    %max3A_23 = arith.maximumf %add3A_21, %max3A_22 : vector<10000x128xf32>
    %swap3A = arith.constant 0 : index
    %swap3A_24 = arith.constant 0 : index
    %swap3A_25 = vector.load %arg4[%swap3A, %swap3A_24] : memref<10000x128xf32, #tpu.memory_space<vmem>>, vector<10000x128xf32>
    tpu.vector_store %arg4[%swap3A, %swap3A_24], %max3A_23 {strides = array<i32>} : memref<10000x128xf32, #tpu.memory_space<vmem>>, vector<10000x128xf32>,
    return
  }
}

</mosaic_0001>

<sc_bundles>
// kernel: kernel.6.cloned.1.call-start
scs
__scs_entry_jumppad:
0x0: {  	(pc) =	sbr.rel $0x88, $3  }
0x1: {  	(tag) =	ssettag $0x0;
	lr =	simm.s32 $0x1  }
0x2: {  	[smem:$0x3F9D] =	sst lr;
	_ =	strace $0xD0000000  }
0x3: {  	_ = 	snop  }
0x4: {  	_ = 	snop  }
0x5: {  	_ = 	snop  }
0x6: {  	_ = 	snop  }
0x7: {  	_ = 	snop  }
__scs_overlays_trampoline_lowered:
0x8: {  	[smem:$0x3FAC] =	sst s0  }
0x9: {  	[smem:$0x3FAD] =	sst s1  }
0xa: {  	[smem:$0x3FAE] =	sst s2  }
0xb: {  	[smem:$0x3FAF] =	sst s3  }
0xc: {  	[smem:$0x3FB0] =	sst s4  }
0xd: {  	[smem:$0x3FB1] =	sst s5  }
0xe: {  	[smem:$0x3FB2] =	sst s6  }
0xf: {  	[smem:$0x3FB3] =	sst s7  }
0x10: {  	[smem:$0x3FB4] =	sst s8  }
0x11: {  	[smem:$0x3FB5] =	sst s9;
	s0 =	simm.s32 @!p0 $0x0  }
0x12: {  	s1 =	sld [smem:$0x3F9B];
	s0 =	simm.s32 @p0 $0x1  }
0x13: {  	[smem:$0x3FB6] =	sst s0;
	s0 =	simm.s32 @!p1 $0x0  }
0x14: {  	s2 =	sld [smem:$0x3F9A];
	s0 =	simm.s32 @p1 $0x1  }
0x15: {  	[smem:$0x3FB7] =	sst s0;
	s0 =	simm.s32 @!p2 $0x0  }
0x16: {  	s3 =	sld [smem:$0x3FDB];
	s0 =	simm.s32 @p2 $0x1  }
0x17: {  	s4 =	simm.s32 $0x1BF5;
	[smem:$0x3FB9] =	sst s0  }
0x18: {  	s0 =	sld [smem:$0x3F9C];
	_ =	swait.ge [sflag:s4], $0x0  }
0x19: {  	s7 =	sld [smem:$0x3F9D]  }
0x1a: {  	s8 =	sadd.s32 $0xFFFFE003, lr  }
0x1b: {  	s9 =	sadd.s32 $0xFFFFFEF7, lr;
	s5 =	simm.s32 $0xFFFFFFFF;
	p2 =	slt.u32 s8, $0xFFFFF086  }
0x1c: {  	p1 =	slt.u32 s9, $0xF7A;
	s5 =	simm.s32 @!p2 $0x0  }
0x1d: {  	s5 =	simm.s32 @p1 $0x1;
	p0 =	seq.s32 s7, s2  }
0x1e: {  	s7 =	smul.u32 @!p0 $0xF7A, s2;
	p2 =	seq.s32 @!p0 s5, $0x0  }
0x1f: {  	s9 =	smul.u32 $0xF7A, s1;
	s8 =	simm.s32 @!p0 $0x1BF5;
	p2 =	por !p2, p0  }
0x20: {  	[sflag:s8] =	ssyncset.s32 @!p0 $0xFFFFF086;
	s6 =	sadd.s32 @!p0 s3, s7;
	s7 =	simm.s32 @!p0 $0x108  }
0x21: {  	s3 =	sadd.s32 s3, s9;
	s6 =	sadd.s32 @!p0 $0x88, s6;
	s7 =	simm.s32 @p2 $0x1082  }
0x22: {  	[simem:s7], [sflag:s8] =	dma.local @!p0 [hbm:s6], $0xF7A  }
0x23: {  	s9 =	sor.u32 $0xD0000000, s2;
	s6 =	simm.s32 $0x108;
	_ =	swait.ge @!p0 [sflag:s8], $0x0  }
0x24: {  	s3 =	sadd.s32 $0x88, s3;
	s6 =	simm.s32 @!p1 $0x1082;
	[sflag:s4] =	ssyncset.s32 $0xFFFFF086  }
0x25: {  	[simem:s6], [sflag:s4] =	dma.local [hbm:s3], $0xF7A  }
0x26: {  	[smem:$0x3F9D] =	sst s1;
	(tag) =	ssettag s2;
	_ =	strace s9  }
0x27: {  	s1 =	sld [smem:$0x3FAD]  }
0x28: {  	s2 =	sld [smem:$0x3FAE]  }
0x29: {  	s4 =	sld [smem:$0x3FB0]  }
0x2a: {  	p0 =	seq.s32 s5, $0x0;
	s5 =	sld [smem:$0x3FB1]  }
0x2b: {  	s6 =	sld [smem:$0x3FB2]  }
0x2c: {  	s7 =	sld [smem:$0x3FB3]  }
0x2d: {  	s3 =	simm.s32 $0x108;
	s8 =	sld [smem:$0x3FB4]  }
0x2e: {  	s3 =	simm.s32 @!p0 $0x1082;
	s9 =	sld [smem:$0x3FB5]  }
0x2f: {  	lr =	sadd.s32 s0, s3;
	s0 =	sld [smem:$0x3FAC]  }
0x30: {  	s3 =	sld [smem:$0x3FAF]  }
0x31: {  	[smem:$0x3FB8] =	sst s10  }
0x32: {  	s10 =	sld [smem:$0x3FB6];
	_ =	sdelay $0x3  }
0x33: {  	p0 =	seq.s32 s10, $0x1;
	s10 =	sld [smem:$0x3FB8];
	_ =	sdelay $0x3  }
0x34: {  	[smem:$0x3FB8] =	sst s10  }
0x35: {  	s10 =	sld [smem:$0x3FB7];
	_ =	sdelay $0x3  }
0x36: {  	p1 =	seq.s32 s10, $0x1;
	s10 =	sld [smem:$0x3FB8];
	_ =	sdelay $0x3  }
0x37: {  	[smem:$0x3FB8] =	sst s10  }
0x38: {  	s10 =	sld [smem:$0x3FB9]  }
0x39: {  	_ = 	snop;
	(pc) =	sbr.ind lr, $3  }
0x3a: {  	_ = 	snop  }
0x3b: {  	_ = 	snop  }
0x3c: {  	p2 =	seq.s32 s10, $0x1;
	s10 =	sld [smem:$0x3FB8]  }
0x3d: {  	_ =	shalt  }
0x3e: {  	_ =	shalt  }
0x3f: {  	_ =	shalt  }
0x40: {  	_ =	shalt  }
0x41: {  	_ =	shalt  }
0x42: {  	_ =	shalt  }
0x43: {  	_ =	shalt  }
0x44: {  	_ =	shalt  }
0x45: {  	_ =	shalt  }
0x46: {  	_ =	shalt  }
0x47: {  	_ =	shalt  }
0x48: {  	_ =	shalt  }
0x49: {  	_ =	shalt  }
0x4a: {  	_ =	shalt  }
0x4b: {  	_ =	shalt  }
0x4c: {  	_ =	shalt  }
0x4d: {  	_ =	shalt  }
0x4e: {  	_ =	shalt  }
0x4f: {  	_ =	shalt  }
0x50: {  	_ =	shalt  }
0x51: {  	_ =	shalt  }
0x52: {  	_ =	shalt  }
0x53: {  	_ =	shalt  }
0x54: {  	_ =	shalt  }
0x55: {  	_ =	shalt  }
0x56: {  	_ =	shalt  }
0x57: {  	_ =	shalt  }
0x58: {  	_ =	shalt  }
0x59: {  	_ =	shalt  }
0x5a: {  	_ =	shalt  }
0x5b: {  	_ =	shalt  }
0x5c: {  	_ =	shalt  }
0x5d: {  	_ =	shalt  }
0x5e: {  	_ =	shalt  }
0x5f: {  	_ =	shalt  }
0x60: {  	_ =	shalt  }
0x61: {  	_ =	shalt  }
0x62: {  	_ =	shalt  }
0x63: {  	_ =	shalt  }
0x64: {  	_ =	shalt  }
0x65: {  	_ =	shalt  }
0x66: {  	_ =	shalt  }
0x67: {  	_ =	shalt  }
0x68: {  	_ =	shalt  }
0x69: {  	_ =	shalt  }
0x6a: {  	_ =	shalt  }
0x6b: {  	_ =	shalt  }
0x6c: {  	_ =	shalt  }
0x6d: {  	_ =	shalt  }
0x6e: {  	_ =	shalt  }
0x6f: {  	_ =	shalt  }
0x70: {  	_ =	shalt  }
0x71: {  	_ =	shalt  }
0x72: {  	_ =	shalt  }
0x73: {  	_ =	shalt  }
0x74: {  	_ =	shalt  }
0x75: {  	_ =	shalt  }
0x76: {  	_ =	shalt  }
0x77: {  	_ =	shalt  }
0x78: {  	_ =	shalt  }
0x79: {  	_ =	shalt  }
0x7a: {  	_ =	shalt  }
0x7b: {  	_ =	shalt  }
0x7c: {  	_ =	shalt  }
0x7d: {  	_ =	shalt  }
0x7e: {  	_ =	shalt  }
0x7f: {  	_ =	shalt  }
0x80: {  	_ =	shalt  }
0x81: {  	_ =	shalt  }
0x82: {  	_ =	shalt  }
0x83: {  	_ =	shalt  }
0x84: {  	_ =	shalt  }
0x85: {  	_ =	shalt  }
0x86: {  	_ =	shalt  }
0x87: {  	_ =	shalt  }
.Lfunc_end0:
.L_simem_size_0:
called_computation_lowered:
.L_overlay_start_0:
0x88: {  	s2 =	sld [smem:$0x3FD9]  }
0x89: {  	s3 =	sld [smem:$0x3FFE];
	_ =	sdelay $0x1  }
0x8a: {  	s1 =	srdreg.scid  }
0x8b: {  	s0 =	sand.u32 $0x1, s1  }
0x8c: {  	s17 =	sshll.u32 s0, $0xA;
	s2 =	sadd.s32 s3, s2  }
0x8d: {  	s2 =	sadd.s32 s2, s17  }
0x8e: {  	[smem:$0x3FC4] =	sst s2  }
0x8f: {  	_ = 	snop  }
0x90: {  	s2 =	sld [smem:$0x3FD0];
	(tm) =	ssettm $0x1  }
0x91: {  	s18 =	sld [smem:$0x3FFB];
	_ =	sdelay $0x3  }
0x92: {  	_ =	strace s18  }
0x93: {  	s3 =	sld [smem:$0x3FFC];
	_ =	sdelay $0x3  }
0x94: {  	_ =	strace s3  }
0x95: {  	s3 =	sld [smem:$0x3FFD];
	_ =	sdelay $0x3  }
0x96: {  	_ =	strace s3  }
0x97: {  	_ =	strace $0x8FFFFFFF  }
0x98: {  	s19 =	sld [smem:$0x3FDB];
	_ =	sdelay $0x1  }
0x99: {  	s4 =	simm.s32 $_scs_section_size  }
0x9a: {  	s5 =	simm.s32 $_size__tile_overlayer_lowered;
	s6 =	simm.s32 $_tile_overlayer_lowered  }
0x9b: {  	s22 =	simm.s32 $0x1BFF;
	s21 =	sshll.u32 s6, $0x1;
	s3 =	sadd.s32 s4, s19  }
0x9c: {  	s7 =	simm.s32 $0x0;
	s20 =	sshll.u32 s5, $0x1;
	s5 =	sadd.s32 s21, s3  }
0x9d: {  	[timem:s7], [sflag:s22] =	dma.local [hbm:s5], s20  }
0x9e: {  	_ =	swait.ge [sflag:s22], s20  }
0x9f: {  	s4 =	ssub.s32 $0x0, s20;
	[sflag:s22] =	ssyncset.done $0x0  }
0xa0: {  	[sflag:s22] =	ssyncadd.s32 s4;
	_ =	sdelay $0x1  }
0xa1: {  	s23 =	simm.s32 $0x1B8B  }
0xa2: {  	_ =	swait.ge [sflag:s23], $0x1  }
0xa3: {  	[sflag:s23] =	ssyncset.done $0x0  }
0xa4: {  	s25 =	simm.s32 $0x1B8E;
	s24 =	sld [smem:$0x3FFE];
	[sflag:s23] =	ssyncadd.s32 $0xFFFFFFFF  }
0xa5: {  	s26 =	simm.s32 $execute0_lowered;
	[smem:$0x3FD2] =	sst s25  }
0xa6: {  	s5 =	sshll.u32 s26, $0x1;
	_ =	strace $0x80000046;
	[dreg:$0x1] =	wrdreg $0xFFFFFFFF  }
0xa7: {  	s28 =	simm.s32 $_size_execute0_lowered;
	s3 =	sadd.s32 s3, s5;
	[dreg:$0x0] =	wrdreg $0x0  }
0xa8: {  	s5 =	sshll.u32 s28, $0x1;
	[dreg:$0x2] =	wrdreg s3  }
0xa9: {  	[dreg:$0x3] =	wrdreg s5  }
0xaa: {  	[dreg:$0x4] =	wrdreg $0xC0  }
0xab: {  	_ =	task [dreg:s7], $0x5FFFF  }
0xac: {  	[dreg:$0x1] =	wrdreg $0xFFFFFFFF  }
0xad: {  	[dreg:$0x0] =	wrdreg $0x60  }
0xae: {  	[dreg:$0x2] =	wrdreg s2  }
0xaf: {  	[dreg:$0x3] =	wrdreg s24  }
0xb0: {  	[dreg:$0x4] =	wrdreg $0x28800  }
0xb1: {  	[dreg:$0x5] =	wrdreg $0x9  }
0xb2: {  	_ =	task.clear_ibuf [dreg:s7], $0x6FFFF;
	_ =	strace $0x90000046  }
0xb3: {  	s29 =	simm.s32 $0x9;
	_ =	strace $0x80000048  }
0xb4: {  	_ =	swait.ge [sflag:s29], $0x1  }
0xb5: {  	[sflag:s29] =	ssyncadd.s32 $0xFFFFFFFF  }
0xb6: {  	_ =	strace $0x90000048  }
0xb7: {  	_ =	sfence  }
0xb8: {  	s30 =	sld [smem:$0x0];
	_ =	sdelay $0x2  }
0xb9: {  	s31 =	sshll.u32 s1, $0xD;
	s1 =	sshrl.u32 s1, $0x2  }
0xba: {  	s3 =	sand.u32 $0x4000, s31;
	s1 =	sadd.s32 s1, s30  }
0xbb: {  	s0 =	sor.u32 s3, s0;
	s1 =	sshll.u32 s1, $0x11  }
0xbc: {  	s0 =	sor.u32 s1, s0  }
0xbd: {  	s0 =	sadd.s32 $0x8F2B, s0  }
0xbe: {  	[sflag:s0] =	ssyncadd.remote.s32 $0x1  }
0xbf: {  	_ =	sfence.sel $0xFFFF  }
0xc0: {  	[dreg:$0x0] =	wrdreg $0xFFFFFFFF;
	(pc) =	sbr.abs _section_cstart, $3  }
0xc1: {  	[dreg:$0x1] =	wrdreg $0xFFFFFFFF  }
0xc2: {  	_ =	task.clear_ibuf [dreg:s7], $0x2FFFF;
	_ =	strace $0x9FFFFFFF  }
0xc3: {  	(tm) =	ssettm $0x7FFFFFFF  }
tec
execute0_lowered:
.L_overlay_start_1:
0x0: {  	(tag) =	ssettag $0x1  }
0x1: {  	s1 =	rddreg [dreg:$0x0]  }
0x2: {  	s4 =	rddreg [dreg:$0x1]  }
0x3: {  	s2 =	rddreg [dreg:$0x2];
	s31 =	simm.s32 $0x0  }
0x4: {  	[smem:$0x7FF] =	sst s31;
	s9 =	sadd.s32 $0xB400, s4  }
0x5: {  	s20 =	simm.s32 $0x100;
	_ =	strace $0x80000047;
	[dreg:$0x4] =	wrdreg s9  }
0x6: {  	s21 =	simm.s32 $0x180;
	[dreg:$0x8] =	wrdreg s20  }
0x7: {  	s22 =	simm.s32 $0x200;
	[dreg:$0x9] =	wrdreg s21  }
0x8: {  	s23 =	simm.s32 $0x280;
	[dreg:$0xa] =	wrdreg s22  }
0x9: {  	s24 =	simm.s32 $0x300;
	[dreg:$0xb] =	wrdreg s23  }
0xa: {  	s25 =	simm.s32 $0x380;
	[dreg:$0xc] =	wrdreg s24  }
0xb: {  	s26 =	simm.s32 $0x400;
	[dreg:$0xd] =	wrdreg s25  }
0xc: {  	s11 =	simm.s32 $0x780;
	[dreg:$0xe] =	wrdreg s26  }
0xd: {  	s12 =	simm.s32 $0x800;
	[dreg:$0x15] =	wrdreg s11  }
0xe: {  	s13 =	simm.s32 $0x880;
	[dreg:$0x16] =	wrdreg s12  }
0xf: {  	s14 =	simm.s32 $0x900;
	[dreg:$0x17] =	wrdreg s13  }
0x10: {  	s15 =	simm.s32 $0x980;
	[dreg:$0x18] =	wrdreg s14  }
0x11: {  	s16 =	simm.s32 $0xA00;
	[dreg:$0x19] =	wrdreg s15  }
0x12: {  	s17 =	simm.s32 $0xA80;
	[dreg:$0x1a] =	wrdreg s16  }
0x13: {  	s18 =	simm.s32 $0xB00;
	[dreg:$0x1b] =	wrdreg s17  }
0x14: {  	s9 =	simm.s32 $0x700;
	[dreg:$0x1c] =	wrdreg s18  }
0x15: {  	s20 =	simm.s32 $0xC00;
	[dreg:$0x14] =	wrdreg s9  }
0x16: {  	s21 =	simm.s32 $0xC80;
	[dreg:$0x1e] =	wrdreg s20  }
0x17: {  	s22 =	simm.s32 $0xD00;
	[dreg:$0x1f] =	wrdreg s21  }
0x18: {  	s23 =	simm.s32 $0xD80;
	[smem:$0x7DC] =	sst s22  }
0x19: {  	s10 =	stileid.u32;
	s24 =	simm.s32 $0xE00;
	[smem:$0x7DD] =	sst s23  }
0x1a: {  	s3 =	srdreg.scid;
	s25 =	simm.s32 $0xE80;
	[smem:$0x7DE] =	sst s24  }
0x1b: {  	p0 =	por $0x0, $0x0;
	s26 =	simm.s32 $0xF00;
	[smem:$0x7DF] =	sst s25  }
0x1c: {  	s28 =	simm.s32 $0x2600;
	s11 =	simm.s32 $0x1280;
	[smem:$0x7E0] =	sst s26  }
0x1d: {  	s29 =	simm.s32 $0x2680;
	s12 =	simm.s32 $0x1300;
	[smem:$0x7E7] =	sst s11  }
0x1e: {  	s30 =	simm.s32 $0x2700;
	s13 =	simm.s32 $0x1380;
	[smem:$0x7E8] =	sst s12  }
0x1f: {  	s0 =	smul.u32 $0x280, s10;
	s14 =	simm.s32 $0x1400;
	[smem:$0x7E9] =	sst s13  }
0x20: {  	s3 =	sand.u32 $0x1, s3;
	s15 =	simm.s32 $0x1480;
	[smem:$0x7EA] =	sst s14  }
0x21: {  	s6 =	smul.u32 $0x500, s10;
	s16 =	simm.s32 $0x1500;
	[smem:$0x7EB] =	sst s15  }
0x22: {  	s7 =	sshll.u32 s10, $0x1;
	s17 =	simm.s32 $0x1580;
	[smem:$0x7EC] =	sst s16  }
0x23: {  	s8 =	sshll.u32 s3, $0x7;
	s18 =	simm.s32 $0x1600;
	[smem:$0x7ED] =	sst s17  }
0x24: {  	s6 =	sor.u32 s8, s6;
	s8 =	simm.s32 $0x680;
	[smem:$0x7EE] =	sst s18  }
0x25: {  	s7 =	sor.u32 s3, s7;
	s9 =	simm.s32 $0x1200;
	[dreg:$0x13] =	wrdreg s8  }
0x26: {  	s3 =	ssub.s32 $0x2, s3;
	s20 =	simm.s32 $0x1700;
	[smem:$0x7E6] =	sst s9  }
0x27: {  	s5 =	sshrl.u32 s0, $0x3;
	s21 =	simm.s32 $0x1780;
	[smem:$0x7F0] =	sst s20  }
0x28: {  	s7 =	smul.u32 $0x500, s7;
	s22 =	simm.s32 $0x1800;
	[smem:$0x7F1] =	sst s21  }
0x29: {  	s23 =	simm.s32 $0x1880;
	s24 =	sshrl.u32 s3, $0x1;
	[smem:$0x7F2] =	sst s22  }
0x2a: {  	s25 =	simm.s32 $0x1900;
	s26 =	simm.s32 $0x1980;
	[smem:$0x7F3] =	sst s23  }
0x2b: {  	s0 =	sadd.s32 s0, s2;
	s11 =	simm.s32 $0x1E00;
	[smem:$0x7F4] =	sst s25  }
0x2c: {  	s12 =	simm.s32 $0x1E80;
	s8 =	simm.s32 $0x1180;
	[smem:$0x7F5] =	sst s26  }
0x2d: {  	s13 =	simm.s32 $0x1F00;
	s22 =	simm.s32 $0x1B80;
	[smem:$0x7E5] =	sst s8  }
0x2e: {  	s14 =	simm.s32 $0x1F80;
	s23 =	simm.s32 $0x1C00;
	[smem:$0x7F9] =	sst s22  }
0x2f: {  	s15 =	simm.s32 $0x2000;
	s25 =	simm.s32 $0x1D00;
	[smem:$0x7FA] =	sst s23  }
0x30: {  	s5 =	sadd.s32 s5, s4;
	s26 =	simm.s32 $0x1D80;
	[smem:$0x7FC] =	sst s25  }
0x31: {  	s16 =	simm.s32 $0x2080;
	s5 =	sadd.s32 $0xB600, s5;
	[smem:$0x7FD] =	sst s26  }
0x32: {  	s6 =	sshrl.u32 s6, $0x3;
	s1 =	sadd.s32 s1, s7;
	[dreg:$0x5] =	wrdreg s5  }
0x33: {  	s4 =	sadd.s32 s6, s4;
	s6 =	simm.s32 $0x580;
	[dreg:$0x6] =	wrdreg s1  }
0x34: {  	s17 =	simm.s32 $0x2100;
	s7 =	simm.s32 $0x600;
	[dreg:$0x11] =	wrdreg s6  }
0x35: {  	s18 =	simm.s32 $0x2180;
	s19 =	sadd.s32 $0xBC00, s4;
	[dreg:$0x12] =	wrdreg s7  }
0x36: {  	s9 =	simm.s32 $0x2800;
	s4 =	simm.s32 $0x480;
	[dreg:$0x7] =	wrdreg s19  }
0x37: {  	s20 =	simm.s32 $0x2280;
	s5 =	simm.s32 $0x500;
	[dreg:$0xf] =	wrdreg s4  }
0x38: {  	s21 =	simm.s32 $0x2300;
	s6 =	simm.s32 $0x1080;
	[dreg:$0x10] =	wrdreg s5  }
0x39: {  	s22 =	simm.s32 $0x2380;
	s7 =	simm.s32 $0x1100;
	[smem:$0x7E3] =	sst s6  }
0x3a: {  	s23 =	simm.s32 $0x2400;
	s25 =	simm.s32 $0x2500;
	[smem:$0x7E4] =	sst s7  }
0x3b: {  	s26 =	simm.s32 $0x2580;
	s19 =	simm.s32 $0xB80;
	s1 =	rddreg [dreg:$0x5]  }
0x3c: {  	s4 =	simm.s32 $0xF80;
	s5 =	simm.s32 $0x1000;
	[dreg:$0x1d] =	wrdreg s19  }
0x3d: {  	s6 =	simm.s32 $0x1A80;
	s7 =	simm.s32 $0x1B00;
	[smem:$0x7E1] =	sst s4  }
0x3e: {  	[smem:$0x7E2] =	sst s5;
	s19 =	simm.s32 $0x1680;
	s4 =	ssub.s32 s3, s24  }
0x3f: {  	s3 =	simm.s32 $0x1A00;
	[smem:$0x7F7] =	sst s6;
	s8 =	smax.u32 s4, $0x1  }
0x40: {  	s5 =	sshll.u32 s10, $0x6;
	[smem:$0x7F8] =	sst s7;
	p1 =	sne.s32 s8, $0x1  }
.Ltmp0:
0x41: {  	s24 =	simm.s32 $0x1C80;
	s10 =	simm.s32 $0x80;
	(pc) =	sbr.rel @!p1 .LBB2_3-.Ltmp0, $4  }
0x42: {  	s6 =	simm.s32 $0x1;
	s7 =	simm.s32 $0x20;
	[smem:$0x7EF] =	sst s19  }
0x43: {  	[smem:$0x7F6] =	sst s3;
	s3 =	sor.u32 $0x1C02, s5;
	s4 =	sshrl.u32 s0, $0x3  }
0x44: {  	s5 =	simm.s32 $0x2;
	[smem:$0x7FB] =	sst s24;
	s19 =	simm.s32 $0x2200  }
0x45: {  	s24 =	simm.s32 $0x2480;
	s0 =	sadd.s32 $0xFFFFFFFF, s8;
	s8 =	simm.s32 $0x10  }
0x46: {  	[spmem:s4], [sflag:s3] =	dma.local [hbm:s1], $0x50  }
0x47: {  	_ =	swait.ge [sflag:s5], $0x50  }
0x48: {  	[sflag:s5] =	ssyncset.done $0x0  }
0x49: {  	s1 =	rddreg [dreg:$0x6];
	[sflag:s5] =	ssyncadd.s32 $0xFFFFFFB0  }
0x4a: {  	[tilespmem:s31], [sflag:$0x2] =	stream.linear.gather [hbm4b:s1+s31], $0x2780, $0x38;
	[tilespmem:$0x2B00] =	vst v63  }
0x4b: {  	_ =	swait.ge [sflag:s5], $0x2780  }
0x4c: {  	[sflag:s5] =	ssyncset.done $0x0  }
0x4d: {  	s1 =	rddreg [dreg:$0x4];
	[sflag:s5] =	ssyncadd.s32 $0xFFFFD880  }
0x4e: {  	[tilespmem:s9], [sflag:$0x2] =	stream.linear.gather [hbm4b:s1+s31], $0x80, $0x38;
	[tilespmem:$0x2B00] =	vst v63  }
0x4f: {  	_ =	swait.ge [sflag:s5], $0x80  }
0x50: {  	[sflag:s5] =	ssyncset.done $0x0  }
0x51: {  	[sflag:s5] =	ssyncadd.s32 $0xFFFFFF80  }
0x52: {  	[bflag:$0x0] =	sbarrier.arrive $0xFFFF  }
0x53: {  	[spmem:s2] =	stream.indirect.scatter.add.f32 [tilespmem:s9], [sflag:$0x1], $0x1, s31, s10, $0xb8;
	[tilespmem:$0x2B00] =	vst v63  }
0x54: {  	s1 =	rddreg [dreg:$0x8]  }
0x55: {  	[spmem:s2] =	stream.indirect.scatter.add.f32 [tilespmem:s9], [sflag:$0x1], $0x1, s10, s10, $0xb8;
	[tilespmem:$0x2B00] =	vst v63  }
0x56: {  	[smem:$0x7DB] =	sst s0  }
0x57: {  	[spmem:s2] =	stream.indirect.scatter.add.f32 [tilespmem:s9], [sflag:$0x1], $0x1, s1, s10, $0xb8;
	[tilespmem:$0x2B00] =	vst v63  }
0x58: {  	s0 =	rddreg [dreg:$0x9]  }
0x59: {  	[spmem:s2] =	stream.indirect.scatter.add.f32 [tilespmem:s9], [sflag:$0x1], $0x1, s0, s10, $0xb8;
	[tilespmem:$0x2B00] =	vst v63  }
0x5a: {  	s1 =	rddreg [dreg:$0xa]  }
0x5b: {  	[spmem:s2] =	stream.indirect.scatter.add.f32 [tilespmem:s9], [sflag:$0x1], $0x1, s1, s10, $0xb8;
	[tilespmem:$0x2B00] =	vst v63  }
0x5c: {  	s0 =	rddreg [dreg:$0xb]  }
0x5d: {  	[spmem:s2] =	stream.indirect.scatter.add.f32 [tilespmem:s9], [sflag:$0x1], $0x1, s0, s10, $0xb8;
	[tilespmem:$0x2B00] =	vst v63  }
0x5e: {  	s1 =	rddreg [dreg:$0xc]  }
0x5f: {  	[spmem:s2] =	stream.indirect.scatter.add.f32 [tilespmem:s9], [sflag:$0x1], $0x1, s1, s10, $0xb8;
	[tilespmem:$0x2B00] =	vst v63  }
0x60: {  	s0 =	rddreg [dreg:$0xd]  }
0x61: {  	[spmem:s2] =	stream.indirect.scatter.add.f32 [tilespmem:s9], [sflag:$0x1], $0x1, s0, s10, $0xb8;
	[tilespmem:$0x2B00] =	vst v63  }
0x62: {  	s1 =	rddreg [dreg:$0xe]  }
0x63: {  	[spmem:s2] =	stream.indirect.scatter.add.f32 [tilespmem:s9], [sflag:$0x1], $0x1, s1, s10, $0xb8;
	[tilespmem:$0x2B00] =	vst v63  }
0x64: {  	s0 =	rddreg [dreg:$0xf]  }
0x65: {  	[spmem:s2] =	stream.indirect.scatter.add.f32 [tilespmem:s9], [sflag:$0x1], $0x1, s0, s10, $0xb8;
	[tilespmem:$0x2B00] =	vst v63  }
0x66: {  	s1 =	rddreg [dreg:$0x10]  }
0x67: {  	[spmem:s2] =	stream.indirect.scatter.add.f32 [tilespmem:s9], [sflag:$0x1], $0x1, s1, s10, $0xb8;
	[tilespmem:$0x2B00] =	vst v63  }
0x68: {  	s0 =	rddreg [dreg:$0x11]  }
0x69: {  	[spmem:s2] =	stream.indirect.scatter.add.f32 [tilespmem:s9], [sflag:$0x1], $0x1, s0, s10, $0xb8;
	[tilespmem:$0x2B00] =	vst v63  }
0x6a: {  	s1 =	rddreg [dreg:$0x12]  }
0x6b: {  	[spmem:s2] =	stream.indirect.scatter.add.f32 [tilespmem:s9], [sflag:$0x1], $0x1, s1, s10, $0xb8;
	[tilespmem:$0x2B00] =	vst v63  }
0x6c: {  	s0 =	rddreg [dreg:$0x13]  }
0x6d: {  	[spmem:s2] =	stream.indirect.scatter.add.f32 [tilespmem:s9], [sflag:$0x1], $0x1, s0, s10, $0xb8;
	[tilespmem:$0x2B00] =	vst v63  }
0x6e: {  	s1 =	rddreg [dreg:$0x14]  }
0x6f: {  	[spmem:s2] =	stream.indirect.scatter.add.f32 [tilespmem:s9], [sflag:$0x1], $0x1, s1, s10, $0xb8;
	[tilespmem:$0x2B00] =	vst v63  }
0x70: {  	s0 =	rddreg [dreg:$0x15]  }
0x71: {  	[spmem:s2] =	stream.indirect.scatter.add.f32 [tilespmem:s9], [sflag:$0x1], $0x1, s0, s10, $0xb8;
	[tilespmem:$0x2B00] =	vst v63  }
0x72: {  	s1 =	rddreg [dreg:$0x16]  }
0x73: {  	[spmem:s2] =	stream.indirect.scatter.add.f32 [tilespmem:s9], [sflag:$0x1], $0x1, s1, s10, $0xb8;
	[tilespmem:$0x2B00] =	vst v63  }
0x74: {  	s0 =	rddreg [dreg:$0x17]  }
0x75: {  	[spmem:s2] =	stream.indirect.scatter.add.f32 [tilespmem:s9], [sflag:$0x1], $0x1, s0, s10, $0xb8;
	[tilespmem:$0x2B00] =	vst v63  }
0x76: {  	s1 =	rddreg [dreg:$0x18]  }
0x77: {  	[spmem:s2] =	stream.indirect.scatter.add.f32 [tilespmem:s9], [sflag:$0x1], $0x1, s1, s10, $0xb8;
	[tilespmem:$0x2B00] =	vst v63  }
0x78: {  	s0 =	rddreg [dreg:$0x19]  }
0x79: {  	[spmem:s2] =	stream.indirect.scatter.add.f32 [tilespmem:s9], [sflag:$0x1], $0x1, s0, s10, $0xb8;
	[tilespmem:$0x2B00] =	vst v63  }
0x7a: {  	s1 =	rddreg [dreg:$0x1a]  }
0x7b: {  	[spmem:s2] =	stream.indirect.scatter.add.f32 [tilespmem:s9], [sflag:$0x1], $0x1, s1, s10, $0xb8;
	[tilespmem:$0x2B00] =	vst v63  }
0x7c: {  	s0 =	rddreg [dreg:$0x1b]  }
0x7d: {  	[spmem:s2] =	stream.indirect.scatter.add.f32 [tilespmem:s9], [sflag:$0x1], $0x1, s0, s10, $0xb8;
	[tilespmem:$0x2B00] =	vst v63  }
0x7e: {  	s1 =	rddreg [dreg:$0x1c]  }
0x7f: {  	[spmem:s2] =	stream.indirect.scatter.add.f32 [tilespmem:s9], [sflag:$0x1], $0x1, s1, s10, $0xb8;
	[tilespmem:$0x2B00] =	vst v63  }
0x80: {  	s0 =	rddreg [dreg:$0x1d]  }
0x81: {  	[spmem:s2] =	stream.indirect.scatter.add.f32 [tilespmem:s9], [sflag:$0x1], $0x1, s0, s10, $0xb8;
	[tilespmem:$0x2B00] =	vst v63  }
0x82: {  	s1 =	rddreg [dreg:$0x1e]  }
0x83: {  	[spmem:s2] =	stream.indirect.scatter.add.f32 [tilespmem:s9], [sflag:$0x1], $0x1, s1, s10, $0xb8;
	[tilespmem:$0x2B00] =	vst v63  }
0x84: {  	s0 =	rddreg [dreg:$0x1f]  }
0x85: {  	[spmem:s2] =	stream.indirect.scatter.add.f32 [tilespmem:s9], [sflag:$0x1], $0x1, s0, s10, $0xb8;
	[tilespmem:$0x2B00] =	vst v63  }
0x86: {  	_ =	swait.ge [sflag:s6], $0x80  }
0x87: {  	[sflag:s6] =	ssyncset.done $0x0  }
0x88: {  	[sflag:s6] =	ssyncadd.s32 $0xFFFFFF80  }
0x89: {  	_ =	swait.ge [sflag:s6], $0x80  }
0x8a: {  	[sflag:s6] =	ssyncset.done $0x0  }
0x8b: {  	[sflag:s6] =	ssyncadd.s32 $0xFFFFFF80  }
0x8c: {  	_ =	swait.ge [sflag:s6], $0x80  }
0x8d: {  	[sflag:s6] =	ssyncset.done $0x0  }
0x8e: {  	[sflag:s6] =	ssyncadd.s32 $0xFFFFFF80  }
0x8f: {  	_ =	swait.ge [sflag:s6], $0x80  }
0x90: {  	[sflag:s6] =	ssyncset.done $0x0  }
0x91: {  	[sflag:s6] =	ssyncadd.s32 $0xFFFFFF80  }
0x92: {  	_ =	swait.ge [sflag:s6], $0x80  }
0x93: {  	[sflag:s6] =	ssyncset.done $0x0  }
0x94: {  	[sflag:s6] =	ssyncadd.s32 $0xFFFFFF80  }
0x95: {  	_ =	swait.ge [sflag:s6], $0x80  }
0x96: {  	[sflag:s6] =	ssyncset.done $0x0  }
0x97: {  	[sflag:s6] =	ssyncadd.s32 $0xFFFFFF80  }
0x98: {  	_ =	swait.ge [sflag:s6], $0x80  }
0x99: {  	[sflag:s6] =	ssyncset.done $0x0  }
0x9a: {  	[sflag:s6] =	ssyncadd.s32 $0xFFFFFF80  }
0x9b: {  	_ =	swait.ge [sflag:s6], $0x80  }
0x9c: {  	[sflag:s6] =	ssyncset.done $0x0  }
0x9d: {  	[sflag:s6] =	ssyncadd.s32 $0xFFFFFF80  }
0x9e: {  	_ =	swait.ge [sflag:s6], $0x80  }
0x9f: {  	[sflag:s6] =	ssyncset.done $0x0  }
0xa0: {  	[sflag:s6] =	ssyncadd.s32 $0xFFFFFF80  }
0xa1: {  	_ =	swait.ge [sflag:s6], $0x80  }
0xa2: {  	[sflag:s6] =	ssyncset.done $0x0  }
0xa3: {  	[sflag:s6] =	ssyncadd.s32 $0xFFFFFF80  }
0xa4: {  	_ =	swait.ge [sflag:s6], $0x80  }
0xa5: {  	[sflag:s6] =	ssyncset.done $0x0  }
0xa6: {  	[sflag:s6] =	ssyncadd.s32 $0xFFFFFF80  }
0xa7: {  	_ =	swait.ge [sflag:s6], $0x80  }
0xa8: {  	[sflag:s6] =	ssyncset.done $0x0  }
0xa9: {  	[sflag:s6] =	ssyncadd.s32 $0xFFFFFF80  }
0xaa: {  	_ =	swait.ge [sflag:s6], $0x80  }
0xab: {  	[sflag:s6] =	ssyncset.done $0x0  }
0xac: {  	[sflag:s6] =	ssyncadd.s32 $0xFFFFFF80  }
0xad: {  	_ =	swait.ge [sflag:s6], $0x80  }
0xae: {  	[sflag:s6] =	ssyncset.done $0x0  }
0xaf: {  	[sflag:s6] =	ssyncadd.s32 $0xFFFFFF80  }
0xb0: {  	_ =	swait.ge [sflag:s6], $0x80  }
0xb1: {  	[sflag:s6] =	ssyncset.done $0x0  }
0xb2: {  	[sflag:s6] =	ssyncadd.s32 $0xFFFFFF80  }
0xb3: {  	_ =	swait.ge [sflag:s6], $0x80  }
0xb4: {  	[sflag:s6] =	ssyncset.done $0x0  }
0xb5: {  	[sflag:s6] =	ssyncadd.s32 $0xFFFFFF80  }
0xb6: {  	_ =	swait.ge [sflag:s6], $0x80  }
0xb7: {  	[sflag:s6] =	ssyncset.done $0x0  }
0xb8: {  	[sflag:s6] =	ssyncadd.s32 $0xFFFFFF80  }
0xb9: {  	_ =	swait.ge [sflag:s6], $0x80  }
0xba: {  	[sflag:s6] =	ssyncset.done $0x0  }
0xbb: {  	[sflag:s6] =	ssyncadd.s32 $0xFFFFFF80  }
0xbc: {  	_ =	swait.ge [sflag:s6], $0x80  }
0xbd: {  	[sflag:s6] =	ssyncset.done $0x0  }
0xbe: {  	[sflag:s6] =	ssyncadd.s32 $0xFFFFFF80  }
0xbf: {  	_ =	swait.ge [sflag:s6], $0x80  }
0xc0: {  	[sflag:s6] =	ssyncset.done $0x0  }
0xc1: {  	[sflag:s6] =	ssyncadd.s32 $0xFFFFFF80  }
0xc2: {  	_ =	swait.ge [sflag:s6], $0x80  }
0xc3: {  	[sflag:s6] =	ssyncset.done $0x0  }
0xc4: {  	[sflag:s6] =	ssyncadd.s32 $0xFFFFFF80  }
0xc5: {  	_ =	swait.ge [sflag:s6], $0x80  }
0xc6: {  	[sflag:s6] =	ssyncset.done $0x0  }
0xc7: {  	[sflag:s6] =	ssyncadd.s32 $0xFFFFFF80  }
0xc8: {  	_ =	swait.ge [sflag:s6], $0x80  }
0xc9: {  	[sflag:s6] =	ssyncset.done $0x0  }
0xca: {  	[sflag:s6] =	ssyncadd.s32 $0xFFFFFF80  }
0xcb: {  	_ =	swait.ge [sflag:s6], $0x80  }
0xcc: {  	[sflag:s6] =	ssyncset.done $0x0  }
0xcd: {  	[sflag:s6] =	ssyncadd.s32 $0xFFFFFF80  }
0xce: {  	_ =	swait.ge [sflag:s6], $0x80  }
0xcf: {  	[sflag:s6] =	ssyncset.done $0x0  }
0xd0: {  	[sflag:s6] =	ssyncadd.s32 $0xFFFFFF80  }
0xd1: {  	_ =	swait.ge [sflag:s6], $0x80  }
0xd2: {  	s0 =	sld [smem:$0x7DC]  }
0xd3: {  	[sflag:s6] =	ssyncset.done $0x0  }
0xd4: {  	s1 =	sld [smem:$0x7DD];
	[sflag:s6] =	ssyncadd.s32 $0xFFFFFF80  }
0xd5: {  	[spmem:s2] =	stream.indirect.scatter.add.f32 [tilespmem:s9], [sflag:$0x1], $0x1, s0, s10, $0xb8;
	[tilespmem:$0x2B00] =	vst v63  }
0xd6: {  	s0 =	sld [smem:$0x7DE]  }
0xd7: {  	[spmem:s2] =	stream.indirect.scatter.add.f32 [tilespmem:s9], [sflag:$0x1], $0x1, s1, s10, $0xb8;
	[tilespmem:$0x2B00] =	vst v63  }
0xd8: {  	s1 =	sld [smem:$0x7DF]  }
0xd9: {  	[spmem:s2] =	stream.indirect.scatter.add.f32 [tilespmem:s9], [sflag:$0x1], $0x1, s0, s10, $0xb8;
	[tilespmem:$0x2B00] =	vst v63  }
0xda: {  	s0 =	sld [smem:$0x7E0]  }
0xdb: {  	[spmem:s2] =	stream.indirect.scatter.add.f32 [tilespmem:s9], [sflag:$0x1], $0x1, s1, s10, $0xb8;
	[tilespmem:$0x2B00] =	vst v63  }
0xdc: {  	s1 =	sld [smem:$0x7E1]  }
0xdd: {  	[spmem:s2] =	stream.indirect.scatter.add.f32 [tilespmem:s9], [sflag:$0x1], $0x1, s0, s10, $0xb8;
	[tilespmem:$0x2B00] =	vst v63  }
0xde: {  	s0 =	sld [smem:$0x7E2]  }
0xdf: {  	[spmem:s2] =	stream.indirect.scatter.add.f32 [tilespmem:s9], [sflag:$0x1], $0x1, s1, s10, $0xb8;
	[tilespmem:$0x2B00] =	vst v63  }
0xe0: {  	s1 =	sld [smem:$0x7E3]  }
0xe1: {  	[spmem:s2] =	stream.indirect.scatter.add.f32 [tilespmem:s9], [sflag:$0x1], $0x1, s0, s10, $0xb8;
	[tilespmem:$0x2B00] =	vst v63  }
0xe2: {  	s0 =	sld [smem:$0x7E4]  }
0xe3: {  	[spmem:s2] =	stream.indirect.scatter.add.f32 [tilespmem:s9], [sflag:$0x1], $0x1, s1, s10, $0xb8;
	[tilespmem:$0x2B00] =	vst v63  }
0xe4: {  	s1 =	sld [smem:$0x7E5]  }
0xe5: {  	[spmem:s2] =	stream.indirect.scatter.add.f32 [tilespmem:s9], [sflag:$0x1], $0x1, s0, s10, $0xb8;
	[tilespmem:$0x2B00] =	vst v63  }
0xe6: {  	s0 =	sld [smem:$0x7E6]  }
0xe7: {  	[spmem:s2] =	stream.indirect.scatter.add.f32 [tilespmem:s9], [sflag:$0x1], $0x1, s1, s10, $0xb8;
	[tilespmem:$0x2B00] =	vst v63  }
0xe8: {  	s1 =	sld [smem:$0x7E7]  }
0xe9: {  	[spmem:s2] =	stream.indirect.scatter.add.f32 [tilespmem:s9], [sflag:$0x1], $0x1, s0, s10, $0xb8;
	[tilespmem:$0x2B00] =	vst v63  }
0xea: {  	s0 =	sld [smem:$0x7E8]  }
0xeb: {  	[spmem:s2] =	stream.indirect.scatter.add.f32 [tilespmem:s9], [sflag:$0x1], $0x1, s1, s10, $0xb8;
	[tilespmem:$0x2B00] =	vst v63  }
0xec: {  	s1 =	sld [smem:$0x7E9]  }
0xed: {  	[spmem:s2] =	stream.indirect.scatter.add.f32 [tilespmem:s9], [sflag:$0x1], $0x1, s0, s10, $0xb8;
	[tilespmem:$0x2B00] =	vst v63  }
0xee: {  	s0 =	sld [smem:$0x7EA]  }
0xef: {  	[spmem:s2] =	stream.indirect.scatter.add.f32 [tilespmem:s9], [sflag:$0x1], $0x1, s1, s10, $0xb8;
	[tilespmem:$0x2B00] =	vst v63  }
0xf0: {  	s1 =	sld [smem:$0x7EB]  }
0xf1: {  	[spmem:s2] =	stream.indirect.scatter.add.f32 [tilespmem:s9], [sflag:$0x1], $0x1, s0, s10, $0xb8;
	[tilespmem:$0x2B00] =	vst v63  }
0xf2: {  	s0 =	sld [smem:$0x7EC]  }
0xf3: {  	[spmem:s2] =	stream.indirect.scatter.add.f32 [tilespmem:s9], [sflag:$0x1], $0x1, s1, s10, $0xb8;
	[tilespmem:$0x2B00] =	vst v63  }
0xf4: {  	s1 =	sld [smem:$0x7ED]  }
0xf5: {  	[spmem:s2] =	stream.indirect.scatter.add.f32 [tilespmem:s9], [sflag:$0x1], $0x1, s0, s10, $0xb8;
	[tilespmem:$0x2B00] =	vst v63  }
0xf6: {  	s0 =	sld [smem:$0x7EE]  }
0xf7: {  	[spmem:s2] =	stream.indirect.scatter.add.f32 [tilespmem:s9], [sflag:$0x1], $0x1, s1, s10, $0xb8;
	[tilespmem:$0x2B00] =	vst v63  }
0xf8: {  	s1 =	sld [smem:$0x7EF]  }
0xf9: {  	[spmem:s2] =	stream.indirect.scatter.add.f32 [tilespmem:s9], [sflag:$0x1], $0x1, s0, s10, $0xb8;
	[tilespmem:$0x2B00] =	vst v63  }
0xfa: {  	s0 =	sld [smem:$0x7F0]  }
0xfb: {  	[spmem:s2] =	stream.indirect.scatter.add.f32 [tilespmem:s9], [sflag:$0x1], $0x1, s1, s10, $0xb8;
	[tilespmem:$0x2B00] =	vst v63  }
0xfc: {  	s1 =	sld [smem:$0x7F1]  }
0xfd: {  	[spmem:s2] =	stream.indirect.scatter.add.f32 [tilespmem:s9], [sflag:$0x1], $0x1, s0, s10, $0xb8;
	[tilespmem:$0x2B00] =	vst v63  }
0xfe: {  	s0 =	sld [smem:$0x7F2]  }
0xff: {  	[spmem:s2] =	stream.indirect.scatter.add.f32 [tilespmem:s9], [sflag:$0x1], $0x1, s1, s10, $0xb8;
	[tilespmem:$0x2B00] =	vst v63  }
0x100: {  	s1 =	sld [smem:$0x7F3]  }
0x101: {  	[spmem:s2] =	stream.indirect.scatter.add.f32 [tilespmem:s9], [sflag:$0x1], $0x1, s0, s10, $0xb8;
	[tilespmem:$0x2B00] =	vst v63  }
0x102: {  	s0 =	sld [smem:$0x7F4]  }
0x103: {  	[spmem:s2] =	stream.indirect.scatter.add.f32 [tilespmem:s9], [sflag:$0x1], $0x1, s1, s10, $0xb8;
	[tilespmem:$0x2B00] =	vst v63  }
0x104: {  	s1 =	sld [smem:$0x7F5]  }
0x105: {  	[spmem:s2] =	stream.indirect.scatter.add.f32 [tilespmem:s9], [sflag:$0x1], $0x1, s0, s10, $0xb8;
	[tilespmem:$0x2B00] =	vst v63  }
0x106: {  	_ = 	snop  }
0x107: {  	[spmem:s2] =	stream.indirect.scatter.add.f32 [tilespmem:s9], [sflag:$0x1], $0x1, s1, s10, $0xb8;
	[tilespmem:$0x2B00] =	vst v63  }
0x108: {  	_ =	swait.ge [sflag:s6], $0x80  }
0x109: {  	[sflag:s6] =	ssyncset.done $0x0  }
0x10a: {  	[sflag:s6] =	ssyncadd.s32 $0xFFFFFF80  }
0x10b: {  	_ =	swait.ge [sflag:s6], $0x80  }
0x10c: {  	[sflag:s6] =	ssyncset.done $0x0  }
0x10d: {  	[sflag:s6] =	ssyncadd.s32 $0xFFFFFF80  }
0x10e: {  	_ =	swait.ge [sflag:s6], $0x80  }
0x10f: {  	[sflag:s6] =	ssyncset.done $0x0  }
0x110: {  	[sflag:s6] =	ssyncadd.s32 $0xFFFFFF80  }
0x111: {  	_ =	swait.ge [sflag:s6], $0x80  }
0x112: {  	[sflag:s6] =	ssyncset.done $0x0  }
0x113: {  	[sflag:s6] =	ssyncadd.s32 $0xFFFFFF80  }
0x114: {  	_ =	swait.ge [sflag:s6], $0x80  }
0x115: {  	[sflag:s6] =	ssyncset.done $0x0  }
0x116: {  	[sflag:s6] =	ssyncadd.s32 $0xFFFFFF80  }
0x117: {  	_ =	swait.ge [sflag:s6], $0x80  }
0x118: {  	[sflag:s6] =	ssyncset.done $0x0  }
0x119: {  	[sflag:s6] =	ssyncadd.s32 $0xFFFFFF80  }
0x11a: {  	_ =	swait.ge [sflag:s6], $0x80  }
0x11b: {  	[sflag:s6] =	ssyncset.done $0x0  }
0x11c: {  	[sflag:s6] =	ssyncadd.s32 $0xFFFFFF80  }
0x11d: {  	_ =	swait.ge [sflag:s6], $0x80  }
0x11e: {  	[sflag:s6] =	ssyncset.done $0x0  }
0x11f: {  	[sflag:s6] =	ssyncadd.s32 $0xFFFFFF80  }
0x120: {  	_ =	swait.ge [sflag:s6], $0x80  }
0x121: {  	[sflag:s6] =	ssyncset.done $0x0  }
0x122: {  	[sflag:s6] =	ssyncadd.s32 $0xFFFFFF80  }
0x123: {  	_ =	swait.ge [sflag:s6], $0x80  }
0x124: {  	[sflag:s6] =	ssyncset.done $0x0  }
0x125: {  	[sflag:s6] =	ssyncadd.s32 $0xFFFFFF80  }
0x126: {  	_ =	swait.ge [sflag:s6], $0x80  }
0x127: {  	[sflag:s6] =	ssyncset.done $0x0  }
0x128: {  	[sflag:s6] =	ssyncadd.s32 $0xFFFFFF80  }
0x129: {  	_ =	swait.ge [sflag:s6], $0x80  }
0x12a: {  	[sflag:s6] =	ssyncset.done $0x0  }
0x12b: {  	[sflag:s6] =	ssyncadd.s32 $0xFFFFFF80  }
0x12c: {  	_ =	swait.ge [sflag:s6], $0x80  }
0x12d: {  	[sflag:s6] =	ssyncset.done $0x0  }
0x12e: {  	[sflag:s6] =	ssyncadd.s32 $0xFFFFFF80  }
0x12f: {  	_ =	swait.ge [sflag:s6], $0x80  }
0x130: {  	[sflag:s6] =	ssyncset.done $0x0  }
0x131: {  	[sflag:s6] =	ssyncadd.s32 $0xFFFFFF80  }
0x132: {  	_ =	swait.ge [sflag:s6], $0x80  }
0x133: {  	[sflag:s6] =	ssyncset.done $0x0  }
0x134: {  	[sflag:s6] =	ssyncadd.s32 $0xFFFFFF80  }
0x135: {  	_ =	swait.ge [sflag:s6], $0x80  }
0x136: {  	[sflag:s6] =	ssyncset.done $0x0  }
0x137: {  	[sflag:s6] =	ssyncadd.s32 $0xFFFFFF80  }
0x138: {  	_ =	swait.ge [sflag:s6], $0x80  }
0x139: {  	[sflag:s6] =	ssyncset.done $0x0  }
0x13a: {  	[sflag:s6] =	ssyncadd.s32 $0xFFFFFF80  }
0x13b: {  	_ =	swait.ge [sflag:s6], $0x80  }
0x13c: {  	[sflag:s6] =	ssyncset.done $0x0  }
0x13d: {  	[sflag:s6] =	ssyncadd.s32 $0xFFFFFF80  }
0x13e: {  	_ =	swait.ge [sflag:s6], $0x80  }
0x13f: {  	[sflag:s6] =	ssyncset.done $0x0  }
0x140: {  	[sflag:s6] =	ssyncadd.s32 $0xFFFFFF80  }
0x141: {  	_ =	swait.ge [sflag:s6], $0x80  }
0x142: {  	[sflag:s6] =	ssyncset.done $0x0  }
0x143: {  	[sflag:s6] =	ssyncadd.s32 $0xFFFFFF80  }
0x144: {  	_ =	swait.ge [sflag:s6], $0x80  }
0x145: {  	[sflag:s6] =	ssyncset.done $0x0  }
0x146: {  	[sflag:s6] =	ssyncadd.s32 $0xFFFFFF80  }
0x147: {  	_ =	swait.ge [sflag:s6], $0x80  }
0x148: {  	[sflag:s6] =	ssyncset.done $0x0  }
0x149: {  	[sflag:s6] =	ssyncadd.s32 $0xFFFFFF80  }
0x14a: {  	_ =	swait.ge [sflag:s6], $0x80  }
0x14b: {  	[sflag:s6] =	ssyncset.done $0x0  }
0x14c: {  	[sflag:s6] =	ssyncadd.s32 $0xFFFFFF80  }
0x14d: {  	_ =	swait.ge [sflag:s6], $0x80  }
0x14e: {  	[sflag:s6] =	ssyncset.done $0x0  }
0x14f: {  	[sflag:s6] =	ssyncadd.s32 $0xFFFFFF80  }
0x150: {  	_ =	swait.ge [sflag:s6], $0x80  }
0x151: {  	[sflag:s6] =	ssyncset.done $0x0  }
0x152: {  	[sflag:s6] =	ssyncadd.s32 $0xFFFFFF80  }
0x153: {  	_ =	swait.ge [sflag:s6], $0x80  }
0x154: {  	s0 =	sld [smem:$0x7F6]  }
0x155: {  	[sflag:s6] =	ssyncset.done $0x0  }
0x156: {  	s1 =	sld [smem:$0x7F7];
	[sflag:s6] =	ssyncadd.s32 $0xFFFFFF80  }
0x157: {  	[spmem:s2] =	stream.indirect.scatter.add.f32 [tilespmem:s9], [sflag:$0x1], $0x1, s0, s10, $0xb8;
	[tilespmem:$0x2B00] =	vst v63  }
0x158: {  	s0 =	sld [smem:$0x7F8]  }
0x159: {  	[spmem:s2] =	stream.indirect.scatter.add.f32 [tilespmem:s9], [sflag:$0x1], $0x1, s1, s10, $0xb8;
	[tilespmem:$0x2B00] =	vst v63  }
0x15a: {  	s1 =	sld [smem:$0x7F9]  }
0x15b: {  	[spmem:s2] =	stream.indirect.scatter.add.f32 [tilespmem:s9], [sflag:$0x1], $0x1, s0, s10, $0xb8;
	[tilespmem:$0x2B00] =	vst v63  }
0x15c: {  	s0 =	sld [smem:$0x7FA]  }
0x15d: {  	[spmem:s2] =	stream.indirect.scatter.add.f32 [tilespmem:s9], [sflag:$0x1], $0x1, s1, s10, $0xb8;
	[tilespmem:$0x2B00] =	vst v63  }
0x15e: {  	s1 =	sld [smem:$0x7FB]  }
0x15f: {  	[spmem:s2] =	stream.indirect.scatter.add.f32 [tilespmem:s9], [sflag:$0x1], $0x1, s0, s10, $0xb8;
	[tilespmem:$0x2B00] =	vst v63  }
0x160: {  	s0 =	sld [smem:$0x7FC]  }
0x161: {  	[spmem:s2] =	stream.indirect.scatter.add.f32 [tilespmem:s9], [sflag:$0x1], $0x1, s1, s10, $0xb8;
	[tilespmem:$0x2B00] =	vst v63  }
0x162: {  	s1 =	sld [smem:$0x7FD]  }
0x163: {  	[spmem:s2] =	stream.indirect.scatter.add.f32 [tilespmem:s9], [sflag:$0x1], $0x1, s0, s10, $0xb8;
	[tilespmem:$0x2B00] =	vst v63  }
0x164: {  	_ = 	snop  }
0x165: {  	[spmem:s2] =	stream.indirect.scatter.add.f32 [tilespmem:s9], [sflag:$0x1], $0x1, s1, s10, $0xb8;
	[tilespmem:$0x2B00] =	vst v63  }
0x166: {  	_ = 	snop  }
0x167: {  	[spmem:s2] =	stream.indirect.scatter.add.f32 [tilespmem:s9], [sflag:$0x1], $0x1, s11, s10, $0xb8;
	[tilespmem:$0x2B00] =	vst v63  }
0x168: {  	_ = 	snop  }
0x169: {  	[spmem:s2] =	stream.indirect.scatter.add.f32 [tilespmem:s9], [sflag:$0x1], $0x1, s12, s10, $0xb8;
	[tilespmem:$0x2B00] =	vst v63  }
0x16a: {  	_ = 	snop  }
0x16b: {  	[spmem:s2] =	stream.indirect.scatter.add.f32 [tilespmem:s9], [sflag:$0x1], $0x1, s13, s10, $0xb8;
	[tilespmem:$0x2B00] =	vst v63  }
0x16c: {  	_ = 	snop  }
0x16d: {  	[spmem:s2] =	stream.indirect.scatter.add.f32 [tilespmem:s9], [sflag:$0x1], $0x1, s14, s10, $0xb8;
	[tilespmem:$0x2B00] =	vst v63  }
0x16e: {  	_ = 	snop  }
0x16f: {  	[spmem:s2] =	stream.indirect.scatter.add.f32 [tilespmem:s9], [sflag:$0x1], $0x1, s15, s10, $0xb8;
	[tilespmem:$0x2B00] =	vst v63  }
0x170: {  	_ = 	snop  }
0x171: {  	[spmem:s2] =	stream.indirect.scatter.add.f32 [tilespmem:s9], [sflag:$0x1], $0x1, s16, s10, $0xb8;
	[tilespmem:$0x2B00] =	vst v63  }
0x172: {  	_ = 	snop  }
0x173: {  	[spmem:s2] =	stream.indirect.scatter.add.f32 [tilespmem:s9], [sflag:$0x1], $0x1, s17, s10, $0xb8;
	[tilespmem:$0x2B00] =	vst v63  }
0x174: {  	_ = 	snop  }
0x175: {  	[spmem:s2] =	stream.indirect.scatter.add.f32 [tilespmem:s9], [sflag:$0x1], $0x1, s18, s10, $0xb8;
	[tilespmem:$0x2B00] =	vst v63  }
0x176: {  	_ = 	snop  }
0x177: {  	[spmem:s2] =	stream.indirect.scatter.add.f32 [tilespmem:s9], [sflag:$0x1], $0x1, s19, s10, $0xb8;
	[tilespmem:$0x2B00] =	vst v63  }
0x178: {  	_ = 	snop  }
0x179: {  	[spmem:s2] =	stream.indirect.scatter.add.f32 [tilespmem:s9], [sflag:$0x1], $0x1, s20, s10, $0xb8;
	[tilespmem:$0x2B00] =	vst v63  }
0x17a: {  	_ = 	snop  }
0x17b: {  	[spmem:s2] =	stream.indirect.scatter.add.f32 [tilespmem:s9], [sflag:$0x1], $0x1, s21, s10, $0xb8;
	[tilespmem:$0x2B00] =	vst v63  }
0x17c: {  	_ = 	snop  }
0x17d: {  	[spmem:s2] =	stream.indirect.scatter.add.f32 [tilespmem:s9], [sflag:$0x1], $0x1, s22, s10, $0xb8;
	[tilespmem:$0x2B00] =	vst v63  }
0x17e: {  	_ = 	snop  }
0x17f: {  	[spmem:s2] =	stream.indirect.scatter.add.f32 [tilespmem:s9], [sflag:$0x1], $0x1, s23, s10, $0xb8;
	[tilespmem:$0x2B00] =	vst v63  }
0x180: {  	_ = 	snop  }
0x181: {  	[spmem:s2] =	stream.indirect.scatter.add.f32 [tilespmem:s9], [sflag:$0x1], $0x1, s24, s10, $0xb8;
	[tilespmem:$0x2B00] =	vst v63  }
0x182: {  	_ = 	snop  }
0x183: {  	[spmem:s2] =	stream.indirect.scatter.add.f32 [tilespmem:s9], [sflag:$0x1], $0x1, s25, s10, $0xb8;
	[tilespmem:$0x2B00] =	vst v63  }
0x184: {  	_ = 	snop  }
0x185: {  	[spmem:s2] =	stream.indirect.scatter.add.f32 [tilespmem:s9], [sflag:$0x1], $0x1, s26, s10, $0xb8;
	[tilespmem:$0x2B00] =	vst v63  }
0x186: {  	_ = 	snop  }
0x187: {  	[spmem:s2] =	stream.indirect.scatter.add.f32 [tilespmem:s9], [sflag:$0x1], $0x1, s28, s10, $0xb8;
	[tilespmem:$0x2B00] =	vst v63  }
0x188: {  	_ = 	snop  }
0x189: {  	[spmem:s2] =	stream.indirect.scatter.add.f32 [tilespmem:s9], [sflag:$0x1], $0x1, s29, s10, $0xb8;
	[tilespmem:$0x2B00] =	vst v63  }
0x18a: {  	_ = 	snop  }
0x18b: {  	[spmem:s2] =	stream.indirect.scatter.add.f32 [tilespmem:s9], [sflag:$0x1], $0x1, s30, s10, $0xb8;
	[tilespmem:$0x2B00] =	vst v63  }
0x18c: {  	_ =	swait.ge [sflag:s6], $0x80  }
0x18d: {  	[sflag:s6] =	ssyncset.done $0x0  }
0x18e: {  	[sflag:s6] =	ssyncadd.s32 $0xFFFFFF80  }
0x18f: {  	_ =	swait.ge [sflag:s6], $0x80  }
0x190: {  	[sflag:s6] =	ssyncset.done $0x0  }
0x191: {  	[sflag:s6] =	ssyncadd.s32 $0xFFFFFF80  }
0x192: {  	_ =	swait.ge [sflag:s6], $0x80  }
0x193: {  	[sflag:s6] =	ssyncset.done $0x0  }
0x194: {  	[sflag:s6] =	ssyncadd.s32 $0xFFFFFF80  }
0x195: {  	_ =	swait.ge [sflag:s6], $0x80  }
0x196: {  	[sflag:s6] =	ssyncset.done $0x0  }
0x197: {  	[sflag:s6] =	ssyncadd.s32 $0xFFFFFF80  }
0x198: {  	_ =	swait.ge [sflag:s6], $0x80  }
0x199: {  	[sflag:s6] =	ssyncset.done $0x0  }
0x19a: {  	[sflag:s6] =	ssyncadd.s32 $0xFFFFFF80  }
0x19b: {  	_ =	swait.ge [sflag:s6], $0x80  }
0x19c: {  	[sflag:s6] =	ssyncset.done $0x0  }
0x19d: {  	[sflag:s6] =	ssyncadd.s32 $0xFFFFFF80  }
0x19e: {  	_ =	swait.ge [sflag:s6], $0x80  }
0x19f: {  	[sflag:s6] =	ssyncset.done $0x0  }
0x1a0: {  	[sflag:s6] =	ssyncadd.s32 $0xFFFFFF80  }
0x1a1: {  	_ =	swait.ge [sflag:s6], $0x80  }
0x1a2: {  	[sflag:s6] =	ssyncset.done $0x0  }
0x1a3: {  	[sflag:s6] =	ssyncadd.s32 $0xFFFFFF80  }
0x1a4: {  	_ =	swait.ge [sflag:s6], $0x80  }
0x1a5: {  	[sflag:s6] =	ssyncset.done $0x0  }
0x1a6: {  	[sflag:s6] =	ssyncadd.s32 $0xFFFFFF80  }
0x1a7: {  	_ =	swait.ge [sflag:s6], $0x80  }
0x1a8: {  	[sflag:s6] =	ssyncset.done $0x0  }
0x1a9: {  	[sflag:s6] =	ssyncadd.s32 $0xFFFFFF80  }
0x1aa: {  	_ =	swait.ge [sflag:s6], $0x80  }
0x1ab: {  	[sflag:s6] =	ssyncset.done $0x0  }
0x1ac: {  	[sflag:s6] =	ssyncadd.s32 $0xFFFFFF80  }
0x1ad: {  	_ =	swait.ge [sflag:s6], $0x80  }
0x1ae: {  	[sflag:s6] =	ssyncset.done $0x0  }
0x1af: {  	[sflag:s6] =	ssyncadd.s32 $0xFFFFFF80  }
0x1b0: {  	_ =	swait.ge [sflag:s6], $0x80  }
0x1b1: {  	[sflag:s6] =	ssyncset.done $0x0  }
0x1b2: {  	[sflag:s6] =	ssyncadd.s32 $0xFFFFFF80  }
0x1b3: {  	_ =	swait.ge [sflag:s6], $0x80  }
0x1b4: {  	[sflag:s6] =	ssyncset.done $0x0  }
0x1b5: {  	[sflag:s6] =	ssyncadd.s32 $0xFFFFFF80  }
0x1b6: {  	_ =	swait.ge [sflag:s6], $0x80  }
0x1b7: {  	[sflag:s6] =	ssyncset.done $0x0  }
0x1b8: {  	[sflag:s6] =	ssyncadd.s32 $0xFFFFFF80  }
0x1b9: {  	_ =	swait.ge [sflag:s6], $0x80  }
0x1ba: {  	[sflag:s6] =	ssyncset.done $0x0  }
0x1bb: {  	[sflag:s6] =	ssyncadd.s32 $0xFFFFFF80  }
0x1bc: {  	_ =	swait.ge [sflag:s6], $0x80  }
0x1bd: {  	[sflag:s6] =	ssyncset.done $0x0  }
0x1be: {  	[sflag:s6] =	ssyncadd.s32 $0xFFFFFF80  }
0x1bf: {  	_ =	swait.ge [sflag:s6], $0x80  }
0x1c0: {  	[sflag:s6] =	ssyncset.done $0x0  }
0x1c1: {  	[sflag:s6] =	ssyncadd.s32 $0xFFFFFF80  }
0x1c2: {  	_ =	swait.ge [sflag:s6], $0x80  }
0x1c3: {  	[sflag:s6] =	ssyncset.done $0x0  }
0x1c4: {  	[sflag:s6] =	ssyncadd.s32 $0xFFFFFF80  }
0x1c5: {  	_ =	swait.ge [sflag:s6], $0x80  }
0x1c6: {  	[sflag:s6] =	ssyncset.done $0x0  }
0x1c7: {  	[sflag:s6] =	ssyncadd.s32 $0xFFFFFF80  }
0x1c8: {  	_ =	swait.ge [sflag:s6], $0x80  }
0x1c9: {  	[sflag:s6] =	ssyncset.done $0x0  }
0x1ca: {  	[sflag:s6] =	ssyncadd.s32 $0xFFFFFF80  }
0x1cb: {  	_ =	swait.ge [sflag:s6], $0x80  }
0x1cc: {  	[sflag:s6] =	ssyncset.done $0x0  }
0x1cd: {  	[sflag:s6] =	ssyncadd.s32 $0xFFFFFF80  }
0x1ce: {  	_ =	swait.ge [sflag:s6], $0x80  }
0x1cf: {  	[sflag:s6] =	ssyncset.done $0x0  }
0x1d0: {  	[sflag:s6] =	ssyncadd.s32 $0xFFFFFF80  }
0x1d1: {  	_ =	swait.ge [sflag:s6], $0x80  }
0x1d2: {  	[sflag:s6] =	ssyncset.done $0x0  }
0x1d3: {  	[sflag:s6] =	ssyncadd.s32 $0xFFFFFF80  }
0x1d4: {  	_ =	swait.ge [sflag:s6], $0x80  }
0x1d5: {  	[sflag:s6] =	ssyncset.done $0x0  }
0x1d6: {  	[sflag:s6] =	ssyncadd.s32 $0xFFFFFF80  }
0x1d7: {  	_ =	swait.ge [sflag:s6], $0x80  }
0x1d8: {  	[sflag:s6] =	ssyncset.done $0x0  }
0x1d9: {  	[sflag:s6] =	ssyncadd.s32 $0xFFFFFF80  }
0x1da: {  	_ =	swait.ge [sflag:s6], $0x80  }
0x1db: {  	[sflag:s6] =	ssyncset.done $0x0  }
0x1dc: {  	[sflag:s6] =	ssyncadd.s32 $0xFFFFFF80  }
0x1dd: {  	[bflag:$0x0] =	sbarrier.arrive $0xFFFF  }
0x1de: {  	s1 =	rddreg [dreg:$0x7]  }
0x1df: {  	[hbm:s1@s7], [sflag:s3] =	dma.strided [spmem:s4@s8], $0x50, s6, $0x10   }
0x1e0: {  	s0 =	sld [smem:$0x7DB];
	_ =	sdelay $0x2  }
0x1e1: {  	p1 =	sne.s32 s0, $0x1  }
.Ltmp1:
0x1e2: {  	_ = 	snop;
	(pc) =	sbr.rel @!p1 .LBB2_3-.Ltmp1, $3  }
0x1e3: {  	_ =	sdelay $0x1  }
0x1e4: {  	p0 =	por $0x1, $0x1;
	_ =	swait.ge [sflag:s5], $0x50  }
0x1e5: {  	s1 =	rddreg [dreg:$0x5];
	[sflag:s5] =	ssyncset.done $0x0;
	s0 =	sadd.s32 $0xFFFFFFFF, s0  }
.LBB2_2:
0x1e6: {  	[sflag:s5] =	ssyncadd.s32 $0xFFFFFFB0  }
0x1e7: {  	[spmem:s4], [sflag:s3] =	dma.local [hbm:s1], $0x50  }
0x1e8: {  	_ =	swait.ge [sflag:s5], $0x50  }
0x1e9: {  	[sflag:s5] =	ssyncset.done $0x0  }
0x1ea: {  	s7 =	rddreg [dreg:$0x6];
	[sflag:s5] =	ssyncadd.s32 $0xFFFFFFB0  }
0x1eb: {  	[tilespmem:s31], [sflag:$0x2] =	stream.linear.gather [hbm4b:s7+s31], $0x2780, $0x38;
	[tilespmem:$0x2B00] =	vst v63  }
0x1ec: {  	_ =	swait.ge [sflag:s5], $0x2780  }
0x1ed: {  	[sflag:s5] =	ssyncset.done $0x0  }
0x1ee: {  	s7 =	rddreg [dreg:$0x4];
	[sflag:s5] =	ssyncadd.s32 $0xFFFFD880  }
0x1ef: {  	[tilespmem:s9], [sflag:$0x2] =	stream.linear.gather [hbm4b:s7+s31], $0x80, $0x38;
	[tilespmem:$0x2B00] =	vst v63  }
0x1f0: {  	_ =	swait.ge [sflag:s5], $0x80  }
0x1f1: {  	[sflag:s5] =	ssyncset.done $0x0  }
0x1f2: {  	[sflag:s5] =	ssyncadd.s32 $0xFFFFFF80  }
0x1f3: {  	[bflag:$0x0] =	sbarrier.arrive $0xFFFF  }
0x1f4: {  	[spmem:s2] =	stream.indirect.scatter.add.f32 [tilespmem:s9], [sflag:$0x1], $0x1, s31, s10, $0xb8;
	[tilespmem:$0x2B00] =	vst v63  }
0x1f5: {  	_ = 	snop  }
0x1f6: {  	[spmem:s2] =	stream.indirect.scatter.add.f32 [tilespmem:s9], [sflag:$0x1], $0x1, s10, s10, $0xb8;
	[tilespmem:$0x2B00] =	vst v63  }
0x1f7: {  	s1 =	rddreg [dreg:$0x8]  }
0x1f8: {  	[spmem:s2] =	stream.indirect.scatter.add.f32 [tilespmem:s9], [sflag:$0x1], $0x1, s1, s10, $0xb8;
	[tilespmem:$0x2B00] =	vst v63  }
0x1f9: {  	s7 =	rddreg [dreg:$0x9]  }
0x1fa: {  	[spmem:s2] =	stream.indirect.scatter.add.f32 [tilespmem:s9], [sflag:$0x1], $0x1, s7, s10, $0xb8;
	[tilespmem:$0x2B00] =	vst v63  }
0x1fb: {  	s1 =	rddreg [dreg:$0xa]  }
0x1fc: {  	[spmem:s2] =	stream.indirect.scatter.add.f32 [tilespmem:s9], [sflag:$0x1], $0x1, s1, s10, $0xb8;
	[tilespmem:$0x2B00] =	vst v63  }
0x1fd: {  	s7 =	rddreg [dreg:$0xb]  }
0x1fe: {  	[spmem:s2] =	stream.indirect.scatter.add.f32 [tilespmem:s9], [sflag:$0x1], $0x1, s7, s10, $0xb8;
	[tilespmem:$0x2B00] =	vst v63  }
0x1ff: {  	s1 =	rddreg [dreg:$0xc]  }
0x200: {  	[spmem:s2] =	stream.indirect.scatter.add.f32 [tilespmem:s9], [sflag:$0x1], $0x1, s1, s10, $0xb8;
	[tilespmem:$0x2B00] =	vst v63  }
0x201: {  	s7 =	rddreg [dreg:$0xd]  }
0x202: {  	[spmem:s2] =	stream.indirect.scatter.add.f32 [tilespmem:s9], [sflag:$0x1], $0x1, s7, s10, $0xb8;
	[tilespmem:$0x2B00] =	vst v63  }
0x203: {  	s1 =	rddreg [dreg:$0xe]  }
0x204: {  	[spmem:s2] =	stream.indirect.scatter.add.f32 [tilespmem:s9], [sflag:$0x1], $0x1, s1, s10, $0xb8;
	[tilespmem:$0x2B00] =	vst v63  }
0x205: {  	s7 =	rddreg [dreg:$0xf]  }
0x206: {  	[spmem:s2] =	stream.indirect.scatter.add.f32 [tilespmem:s9], [sflag:$0x1], $0x1, s7, s10, $0xb8;
	[tilespmem:$0x2B00] =	vst v63  }
0x207: {  	s1 =	rddreg [dreg:$0x10]  }
0x208: {  	[spmem:s2] =	stream.indirect.scatter.add.f32 [tilespmem:s9], [sflag:$0x1], $0x1, s1, s10, $0xb8;
	[tilespmem:$0x2B00] =	vst v63  }
0x209: {  	s7 =	rddreg [dreg:$0x11]  }
0x20a: {  	[spmem:s2] =	stream.indirect.scatter.add.f32 [tilespmem:s9], [sflag:$0x1], $0x1, s7, s10, $0xb8;
	[tilespmem:$0x2B00] =	vst v63  }
0x20b: {  	s1 =	rddreg [dreg:$0x12]  }
0x20c: {  	[spmem:s2] =	stream.indirect.scatter.add.f32 [tilespmem:s9], [sflag:$0x1], $0x1, s1, s10, $0xb8;
	[tilespmem:$0x2B00] =	vst v63  }
0x20d: {  	s7 =	rddreg [dreg:$0x13]  }
0x20e: {  	[spmem:s2] =	stream.indirect.scatter.add.f32 [tilespmem:s9], [sflag:$0x1], $0x1, s7, s10, $0xb8;
	[tilespmem:$0x2B00] =	vst v63  }
0x20f: {  	s1 =	rddreg [dreg:$0x14]  }
0x210: {  	[spmem:s2] =	stream.indirect.scatter.add.f32 [tilespmem:s9], [sflag:$0x1], $0x1, s1, s10, $0xb8;
	[tilespmem:$0x2B00] =	vst v63  }
0x211: {  	s7 =	rddreg [dreg:$0x15]  }
0x212: {  	[spmem:s2] =	stream.indirect.scatter.add.f32 [tilespmem:s9], [sflag:$0x1], $0x1, s7, s10, $0xb8;
	[tilespmem:$0x2B00] =	vst v63  }
0x213: {  	s1 =	rddreg [dreg:$0x16]  }
0x214: {  	[spmem:s2] =	stream.indirect.scatter.add.f32 [tilespmem:s9], [sflag:$0x1], $0x1, s1, s10, $0xb8;
	[tilespmem:$0x2B00] =	vst v63  }
0x215: {  	s7 =	rddreg [dreg:$0x17]  }
0x216: {  	[spmem:s2] =	stream.indirect.scatter.add.f32 [tilespmem:s9], [sflag:$0x1], $0x1, s7, s10, $0xb8;
	[tilespmem:$0x2B00] =	vst v63  }
0x217: {  	s1 =	rddreg [dreg:$0x18]  }
0x218: {  	[spmem:s2] =	stream.indirect.scatter.add.f32 [tilespmem:s9], [sflag:$0x1], $0x1, s1, s10, $0xb8;
	[tilespmem:$0x2B00] =	vst v63  }
0x219: {  	s7 =	rddreg [dreg:$0x19]  }
0x21a: {  	[spmem:s2] =	stream.indirect.scatter.add.f32 [tilespmem:s9], [sflag:$0x1], $0x1, s7, s10, $0xb8;
	[tilespmem:$0x2B00] =	vst v63  }
0x21b: {  	s1 =	rddreg [dreg:$0x1a]  }
0x21c: {  	[spmem:s2] =	stream.indirect.scatter.add.f32 [tilespmem:s9], [sflag:$0x1], $0x1, s1, s10, $0xb8;
	[tilespmem:$0x2B00] =	vst v63  }
0x21d: {  	s7 =	rddreg [dreg:$0x1b]  }
0x21e: {  	[spmem:s2] =	stream.indirect.scatter.add.f32 [tilespmem:s9], [sflag:$0x1], $0x1, s7, s10, $0xb8;
	[tilespmem:$0x2B00] =	vst v63  }
0x21f: {  	s1 =	rddreg [dreg:$0x1c]  }
0x220: {  	[spmem:s2] =	stream.indirect.scatter.add.f32 [tilespmem:s9], [sflag:$0x1], $0x1, s1, s10, $0xb8;
	[tilespmem:$0x2B00] =	vst v63  }
0x221: {  	s7 =	rddreg [dreg:$0x1d]  }
0x222: {  	[spmem:s2] =	stream.indirect.scatter.add.f32 [tilespmem:s9], [sflag:$0x1], $0x1, s7, s10, $0xb8;
	[tilespmem:$0x2B00] =	vst v63  }
0x223: {  	s1 =	rddreg [dreg:$0x1e]  }
0x224: {  	[spmem:s2] =	stream.indirect.scatter.add.f32 [tilespmem:s9], [sflag:$0x1], $0x1, s1, s10, $0xb8;
	[tilespmem:$0x2B00] =	vst v63  }
0x225: {  	s7 =	rddreg [dreg:$0x1f]  }
0x226: {  	[spmem:s2] =	stream.indirect.scatter.add.f32 [tilespmem:s9], [sflag:$0x1], $0x1, s7, s10, $0xb8;
	[tilespmem:$0x2B00] =	vst v63  }
0x227: {  	_ =	swait.ge [sflag:s6], $0x80  }
0x228: {  	[sflag:s6] =	ssyncset.done $0x0  }
0x229: {  	[sflag:s6] =	ssyncadd.s32 $0xFFFFFF80  }
0x22a: {  	_ =	swait.ge [sflag:s6], $0x80  }
0x22b: {  	[sflag:s6] =	ssyncset.done $0x0  }
0x22c: {  	[sflag:s6] =	ssyncadd.s32 $0xFFFFFF80  }
0x22d: {  	_ =	swait.ge [sflag:s6], $0x80  }
0x22e: {  	[sflag:s6] =	ssyncset.done $0x0  }
0x22f: {  	[sflag:s6] =	ssyncadd.s32 $0xFFFFFF80  }
0x230: {  	_ =	swait.ge [sflag:s6], $0x80  }
0x231: {  	[sflag:s6] =	ssyncset.done $0x0  }
0x232: {  	[sflag:s6] =	ssyncadd.s32 $0xFFFFFF80  }
0x233: {  	_ =	swait.ge [sflag:s6], $0x80  }
0x234: {  	[sflag:s6] =	ssyncset.done $0x0  }
0x235: {  	[sflag:s6] =	ssyncadd.s32 $0xFFFFFF80  }
0x236: {  	_ =	swait.ge [sflag:s6], $0x80  }
0x237: {  	[sflag:s6] =	ssyncset.done $0x0  }
0x238: {  	[sflag:s6] =	ssyncadd.s32 $0xFFFFFF80  }
0x239: {  	_ =	swait.ge [sflag:s6], $0x80  }
0x23a: {  	[sflag:s6] =	ssyncset.done $0x0  }
0x23b: {  	[sflag:s6] =	ssyncadd.s32 $0xFFFFFF80  }
0x23c: {  	_ =	swait.ge [sflag:s6], $0x80  }
0x23d: {  	[sflag:s6] =	ssyncset.done $0x0  }
0x23e: {  	[sflag:s6] =	ssyncadd.s32 $0xFFFFFF80  }
0x23f: {  	_ =	swait.ge [sflag:s6], $0x80  }
0x240: {  	[sflag:s6] =	ssyncset.done $0x0  }
0x241: {  	[sflag:s6] =	ssyncadd.s32 $0xFFFFFF80  }
0x242: {  	_ =	swait.ge [sflag:s6], $0x80  }
0x243: {  	[sflag:s6] =	ssyncset.done $0x0  }
0x244: {  	[sflag:s6] =	ssyncadd.s32 $0xFFFFFF80  }
0x245: {  	_ =	swait.ge [sflag:s6], $0x80  }
0x246: {  	[sflag:s6] =	ssyncset.done $0x0  }
0x247: {  	[sflag:s6] =	ssyncadd.s32 $0xFFFFFF80  }
0x248: {  	_ =	swait.ge [sflag:s6], $0x80  }
0x249: {  	[sflag:s6] =	ssyncset.done $0x0  }
0x24a: {  	[sflag:s6] =	ssyncadd.s32 $0xFFFFFF80  }
0x24b: {  	_ =	swait.ge [sflag:s6], $0x80  }
0x24c: {  	[sflag:s6] =	ssyncset.done $0x0  }
0x24d: {  	[sflag:s6] =	ssyncadd.s32 $0xFFFFFF80  }
0x24e: {  	_ =	swait.ge [sflag:s6], $0x80  }
0x24f: {  	[sflag:s6] =	ssyncset.done $0x0  }
0x250: {  	[sflag:s6] =	ssyncadd.s32 $0xFFFFFF80  }
0x251: {  	_ =	swait.ge [sflag:s6], $0x80  }
0x252: {  	[sflag:s6] =	ssyncset.done $0x0  }
0x253: {  	[sflag:s6] =	ssyncadd.s32 $0xFFFFFF80  }
0x254: {  	_ =	swait.ge [sflag:s6], $0x80  }
0x255: {  	[sflag:s6] =	ssyncset.done $0x0  }
0x256: {  	[sflag:s6] =	ssyncadd.s32 $0xFFFFFF80  }
0x257: {  	_ =	swait.ge [sflag:s6], $0x80  }
0x258: {  	[sflag:s6] =	ssyncset.done $0x0  }
0x259: {  	[sflag:s6] =	ssyncadd.s32 $0xFFFFFF80  }
0x25a: {  	_ =	swait.ge [sflag:s6], $0x80  }
0x25b: {  	[sflag:s6] =	ssyncset.done $0x0  }
0x25c: {  	[sflag:s6] =	ssyncadd.s32 $0xFFFFFF80  }
0x25d: {  	_ =	swait.ge [sflag:s6], $0x80  }
0x25e: {  	[sflag:s6] =	ssyncset.done $0x0  }
0x25f: {  	[sflag:s6] =	ssyncadd.s32 $0xFFFFFF80  }
0x260: {  	_ =	swait.ge [sflag:s6], $0x80  }
0x261: {  	[sflag:s6] =	ssyncset.done $0x0  }
0x262: {  	[sflag:s6] =	ssyncadd.s32 $0xFFFFFF80  }
0x263: {  	_ =	swait.ge [sflag:s6], $0x80  }
0x264: {  	[sflag:s6] =	ssyncset.done $0x0  }
0x265: {  	[sflag:s6] =	ssyncadd.s32 $0xFFFFFF80  }
0x266: {  	_ =	swait.ge [sflag:s6], $0x80  }
0x267: {  	[sflag:s6] =	ssyncset.done $0x0  }
0x268: {  	[sflag:s6] =	ssyncadd.s32 $0xFFFFFF80  }
0x269: {  	_ =	swait.ge [sflag:s6], $0x80  }
0x26a: {  	[sflag:s6] =	ssyncset.done $0x0  }
0x26b: {  	[sflag:s6] =	ssyncadd.s32 $0xFFFFFF80  }
0x26c: {  	_ =	swait.ge [sflag:s6], $0x80  }
0x26d: {  	[sflag:s6] =	ssyncset.done $0x0  }
0x26e: {  	[sflag:s6] =	ssyncadd.s32 $0xFFFFFF80  }
0x26f: {  	_ =	swait.ge [sflag:s6], $0x80  }
0x270: {  	[sflag:s6] =	ssyncset.done $0x0  }
0x271: {  	[sflag:s6] =	ssyncadd.s32 $0xFFFFFF80  }
0x272: {  	_ =	swait.ge [sflag:s6], $0x80  }
0x273: {  	s1 =	sld [smem:$0x7DC]  }
0x274: {  	[sflag:s6] =	ssyncset.done $0x0  }
0x275: {  	s7 =	sld [smem:$0x7DD];
	[sflag:s6] =	ssyncadd.s32 $0xFFFFFF80  }
0x276: {  	[spmem:s2] =	stream.indirect.scatter.add.f32 [tilespmem:s9], [sflag:$0x1], $0x1, s1, s10, $0xb8;
	[tilespmem:$0x2B00] =	vst v63  }
0x277: {  	s1 =	sld [smem:$0x7DE]  }
0x278: {  	[spmem:s2] =	stream.indirect.scatter.add.f32 [tilespmem:s9], [sflag:$0x1], $0x1, s7, s10, $0xb8;
	[tilespmem:$0x2B00] =	vst v63  }
0x279: {  	s7 =	sld [smem:$0x7DF]  }
0x27a: {  	[spmem:s2] =	stream.indirect.scatter.add.f32 [tilespmem:s9], [sflag:$0x1], $0x1, s1, s10, $0xb8;
	[tilespmem:$0x2B00] =	vst v63  }
0x27b: {  	s1 =	sld [smem:$0x7E0]  }
0x27c: {  	[spmem:s2] =	stream.indirect.scatter.add.f32 [tilespmem:s9], [sflag:$0x1], $0x1, s7, s10, $0xb8;
	[tilespmem:$0x2B00] =	vst v63  }
0x27d: {  	s7 =	sld [smem:$0x7E1]  }
0x27e: {  	[spmem:s2] =	stream.indirect.scatter.add.f32 [tilespmem:s9], [sflag:$0x1], $0x1, s1, s10, $0xb8;
	[tilespmem:$0x2B00] =	vst v63  }
0x27f: {  	s1 =	sld [smem:$0x7E2]  }
0x280: {  	[spmem:s2] =	stream.indirect.scatter.add.f32 [tilespmem:s9], [sflag:$0x1], $0x1, s7, s10, $0xb8;
	[tilespmem:$0x2B00] =	vst v63  }
0x281: {  	s7 =	sld [smem:$0x7E3]  }
0x282: {  	[spmem:s2] =	stream.indirect.scatter.add.f32 [tilespmem:s9], [sflag:$0x1], $0x1, s1, s10, $0xb8;
	[tilespmem:$0x2B00] =	vst v63  }
0x283: {  	s1 =	sld [smem:$0x7E4]  }
0x284: {  	[spmem:s2] =	stream.indirect.scatter.add.f32 [tilespmem:s9], [sflag:$0x1], $0x1, s7, s10, $0xb8;
	[tilespmem:$0x2B00] =	vst v63  }
0x285: {  	s7 =	sld [smem:$0x7E5]  }
0x286: {  	[spmem:s2] =	stream.indirect.scatter.add.f32 [tilespmem:s9], [sflag:$0x1], $0x1, s1, s10, $0xb8;
	[tilespmem:$0x2B00] =	vst v63  }
0x287: {  	s1 =	sld [smem:$0x7E6]  }
0x288: {  	[spmem:s2] =	stream.indirect.scatter.add.f32 [tilespmem:s9], [sflag:$0x1], $0x1, s7, s10, $0xb8;
	[tilespmem:$0x2B00] =	vst v63  }
0x289: {  	s7 =	sld [smem:$0x7E7]  }
0x28a: {  	[spmem:s2] =	stream.indirect.scatter.add.f32 [tilespmem:s9], [sflag:$0x1], $0x1, s1, s10, $0xb8;
	[tilespmem:$0x2B00] =	vst v63  }
0x28b: {  	s1 =	sld [smem:$0x7E8]  }
0x28c: {  	[spmem:s2] =	stream.indirect.scatter.add.f32 [tilespmem:s9], [sflag:$0x1], $0x1, s7, s10, $0xb8;
	[tilespmem:$0x2B00] =	vst v63  }
0x28d: {  	s7 =	sld [smem:$0x7E9]  }
0x28e: {  	[spmem:s2] =	stream.indirect.scatter.add.f32 [tilespmem:s9], [sflag:$0x1], $0x1, s1, s10, $0xb8;
	[tilespmem:$0x2B00] =	vst v63  }
0x28f: {  	s1 =	sld [smem:$0x7EA]  }
0x290: {  	[spmem:s2] =	stream.indirect.scatter.add.f32 [tilespmem:s9], [sflag:$0x1], $0x1, s7, s10, $0xb8;
	[tilespmem:$0x2B00] =	vst v63  }
0x291: {  	s7 =	sld [smem:$0x7EB]  }
0x292: {  	[spmem:s2] =	stream.indirect.scatter.add.f32 [tilespmem:s9], [sflag:$0x1], $0x1, s1, s10, $0xb8;
	[tilespmem:$0x2B00] =	vst v63  }
0x293: {  	s1 =	sld [smem:$0x7EC]  }
0x294: {  	[spmem:s2] =	stream.indirect.scatter.add.f32 [tilespmem:s9], [sflag:$0x1], $0x1, s7, s10, $0xb8;
	[tilespmem:$0x2B00] =	vst v63  }
0x295: {  	s7 =	sld [smem:$0x7ED]  }
0x296: {  	[spmem:s2] =	stream.indirect.scatter.add.f32 [tilespmem:s9], [sflag:$0x1], $0x1, s1, s10, $0xb8;
	[tilespmem:$0x2B00] =	vst v63  }
0x297: {  	s1 =	sld [smem:$0x7EE]  }
0x298: {  	[spmem:s2] =	stream.indirect.scatter.add.f32 [tilespmem:s9], [sflag:$0x1], $0x1, s7, s10, $0xb8;
	[tilespmem:$0x2B00] =	vst v63  }
0x299: {  	s7 =	sld [smem:$0x7EF]  }
0x29a: {  	[spmem:s2] =	stream.indirect.scatter.add.f32 [tilespmem:s9], [sflag:$0x1], $0x1, s1, s10, $0xb8;
	[tilespmem:$0x2B00] =	vst v63  }
0x29b: {  	s1 =	sld [smem:$0x7F0]  }
0x29c: {  	[spmem:s2] =	stream.indirect.scatter.add.f32 [tilespmem:s9], [sflag:$0x1], $0x1, s7, s10, $0xb8;
	[tilespmem:$0x2B00] =	vst v63  }
0x29d: {  	s7 =	sld [smem:$0x7F1]  }
0x29e: {  	[spmem:s2] =	stream.indirect.scatter.add.f32 [tilespmem:s9], [sflag:$0x1], $0x1, s1, s10, $0xb8;
	[tilespmem:$0x2B00] =	vst v63  }
0x29f: {  	s1 =	sld [smem:$0x7F2]  }
0x2a0: {  	[spmem:s2] =	stream.indirect.scatter.add.f32 [tilespmem:s9], [sflag:$0x1], $0x1, s7, s10, $0xb8;
	[tilespmem:$0x2B00] =	vst v63  }
0x2a1: {  	s7 =	sld [smem:$0x7F3]  }
0x2a2: {  	[spmem:s2] =	stream.indirect.scatter.add.f32 [tilespmem:s9], [sflag:$0x1], $0x1, s1, s10, $0xb8;
	[tilespmem:$0x2B00] =	vst v63  }
0x2a3: {  	s1 =	sld [smem:$0x7F4]  }
0x2a4: {  	[spmem:s2] =	stream.indirect.scatter.add.f32 [tilespmem:s9], [sflag:$0x1], $0x1, s7, s10, $0xb8;
	[tilespmem:$0x2B00] =	vst v63  }
0x2a5: {  	s7 =	sld [smem:$0x7F5]  }
0x2a6: {  	[spmem:s2] =	stream.indirect.scatter.add.f32 [tilespmem:s9], [sflag:$0x1], $0x1, s1, s10, $0xb8;
	[tilespmem:$0x2B00] =	vst v63  }
0x2a7: {  	_ = 	snop  }
0x2a8: {  	[spmem:s2] =	stream.indirect.scatter.add.f32 [tilespmem:s9], [sflag:$0x1], $0x1, s7, s10, $0xb8;
	[tilespmem:$0x2B00] =	vst v63  }
0x2a9: {  	_ =	swait.ge [sflag:s6], $0x80  }
0x2aa: {  	[sflag:s6] =	ssyncset.done $0x0  }
0x2ab: {  	[sflag:s6] =	ssyncadd.s32 $0xFFFFFF80  }
0x2ac: {  	_ =	swait.ge [sflag:s6], $0x80  }
0x2ad: {  	[sflag:s6] =	ssyncset.done $0x0  }
0x2ae: {  	[sflag:s6] =	ssyncadd.s32 $0xFFFFFF80  }
0x2af: {  	_ =	swait.ge [sflag:s6], $0x80  }
0x2b0: {  	[sflag:s6] =	ssyncset.done $0x0  }
0x2b1: {  	[sflag:s6] =	ssyncadd.s32 $0xFFFFFF80  }
0x2b2: {  	_ =	swait.ge [sflag:s6], $0x80  }
0x2b3: {  	[sflag:s6] =	ssyncset.done $0x0  }
0x2b4: {  	[sflag:s6] =	ssyncadd.s32 $0xFFFFFF80  }
0x2b5: {  	_ =	swait.ge [sflag:s6], $0x80  }
0x2b6: {  	[sflag:s6] =	ssyncset.done $0x0  }
0x2b7: {  	[sflag:s6] =	ssyncadd.s32 $0xFFFFFF80  }
0x2b8: {  	_ =	swait.ge [sflag:s6], $0x80  }
0x2b9: {  	[sflag:s6] =	ssyncset.done $0x0  }
0x2ba: {  	[sflag:s6] =	ssyncadd.s32 $0xFFFFFF80  }
0x2bb: {  	_ =	swait.ge [sflag:s6], $0x80  }
0x2bc: {  	[sflag:s6] =	ssyncset.done $0x0  }
0x2bd: {  	[sflag:s6] =	ssyncadd.s32 $0xFFFFFF80  }
0x2be: {  	_ =	swait.ge [sflag:s6], $0x80  }
0x2bf: {  	[sflag:s6] =	ssyncset.done $0x0  }
0x2c0: {  	[sflag:s6] =	ssyncadd.s32 $0xFFFFFF80  }
0x2c1: {  	_ =	swait.ge [sflag:s6], $0x80  }
0x2c2: {  	[sflag:s6] =	ssyncset.done $0x0  }
0x2c3: {  	[sflag:s6] =	ssyncadd.s32 $0xFFFFFF80  }
0x2c4: {  	_ =	swait.ge [sflag:s6], $0x80  }
0x2c5: {  	[sflag:s6] =	ssyncset.done $0x0  }
0x2c6: {  	[sflag:s6] =	ssyncadd.s32 $0xFFFFFF80  }
0x2c7: {  	_ =	swait.ge [sflag:s6], $0x80  }
0x2c8: {  	[sflag:s6] =	ssyncset.done $0x0  }
0x2c9: {  	[sflag:s6] =	ssyncadd.s32 $0xFFFFFF80  }
0x2ca: {  	_ =	swait.ge [sflag:s6], $0x80  }
0x2cb: {  	[sflag:s6] =	ssyncset.done $0x0  }
0x2cc: {  	[sflag:s6] =	ssyncadd.s32 $0xFFFFFF80  }
0x2cd: {  	_ =	swait.ge [sflag:s6], $0x80  }
0x2ce: {  	[sflag:s6] =	ssyncset.done $0x0  }
0x2cf: {  	[sflag:s6] =	ssyncadd.s32 $0xFFFFFF80  }
0x2d0: {  	_ =	swait.ge [sflag:s6], $0x80  }
0x2d1: {  	[sflag:s6] =	ssyncset.done $0x0  }
0x2d2: {  	[sflag:s6] =	ssyncadd.s32 $0xFFFFFF80  }
0x2d3: {  	_ =	swait.ge [sflag:s6], $0x80  }
0x2d4: {  	[sflag:s6] =	ssyncset.done $0x0  }
0x2d5: {  	[sflag:s6] =	ssyncadd.s32 $0xFFFFFF80  }
0x2d6: {  	_ =	swait.ge [sflag:s6], $0x80  }
0x2d7: {  	[sflag:s6] =	ssyncset.done $0x0  }
0x2d8: {  	[sflag:s6] =	ssyncadd.s32 $0xFFFFFF80  }
0x2d9: {  	_ =	swait.ge [sflag:s6], $0x80  }
0x2da: {  	[sflag:s6] =	ssyncset.done $0x0  }
0x2db: {  	[sflag:s6] =	ssyncadd.s32 $0xFFFFFF80  }
0x2dc: {  	_ =	swait.ge [sflag:s6], $0x80  }
0x2dd: {  	[sflag:s6] =	ssyncset.done $0x0  }
0x2de: {  	[sflag:s6] =	ssyncadd.s32 $0xFFFFFF80  }
0x2df: {  	_ =	swait.ge [sflag:s6], $0x80  }
0x2e0: {  	[sflag:s6] =	ssyncset.done $0x0  }
0x2e1: {  	[sflag:s6] =	ssyncadd.s32 $0xFFFFFF80  }
0x2e2: {  	_ =	swait.ge [sflag:s6], $0x80  }
0x2e3: {  	[sflag:s6] =	ssyncset.done $0x0  }
0x2e4: {  	[sflag:s6] =	ssyncadd.s32 $0xFFFFFF80  }
0x2e5: {  	_ =	swait.ge [sflag:s6], $0x80  }
0x2e6: {  	[sflag:s6] =	ssyncset.done $0x0  }
0x2e7: {  	[sflag:s6] =	ssyncadd.s32 $0xFFFFFF80  }
0x2e8: {  	_ =	swait.ge [sflag:s6], $0x80  }
0x2e9: {  	[sflag:s6] =	ssyncset.done $0x0  }
0x2ea: {  	[sflag:s6] =	ssyncadd.s32 $0xFFFFFF80  }
0x2eb: {  	_ =	swait.ge [sflag:s6], $0x80  }
0x2ec: {  	[sflag:s6] =	ssyncset.done $0x0  }
0x2ed: {  	[sflag:s6] =	ssyncadd.s32 $0xFFFFFF80  }
0x2ee: {  	_ =	swait.ge [sflag:s6], $0x80  }
0x2ef: {  	[sflag:s6] =	ssyncset.done $0x0  }
0x2f0: {  	[sflag:s6] =	ssyncadd.s32 $0xFFFFFF80  }
0x2f1: {  	_ =	swait.ge [sflag:s6], $0x80  }
0x2f2: {  	[sflag:s6] =	ssyncset.done $0x0  }
0x2f3: {  	[sflag:s6] =	ssyncadd.s32 $0xFFFFFF80  }
0x2f4: {  	_ =	swait.ge [sflag:s6], $0x80  }
0x2f5: {  	s1 =	sld [smem:$0x7F6]  }
0x2f6: {  	[sflag:s6] =	ssyncset.done $0x0  }
0x2f7: {  	s7 =	sld [smem:$0x7F7];
	[sflag:s6] =	ssyncadd.s32 $0xFFFFFF80  }
0x2f8: {  	[spmem:s2] =	stream.indirect.scatter.add.f32 [tilespmem:s9], [sflag:$0x1], $0x1, s1, s10, $0xb8;
	[tilespmem:$0x2B00] =	vst v63  }
0x2f9: {  	s1 =	sld [smem:$0x7F8]  }
0x2fa: {  	[spmem:s2] =	stream.indirect.scatter.add.f32 [tilespmem:s9], [sflag:$0x1], $0x1, s7, s10, $0xb8;
	[tilespmem:$0x2B00] =	vst v63  }
0x2fb: {  	s7 =	sld [smem:$0x7F9]  }
0x2fc: {  	[spmem:s2] =	stream.indirect.scatter.add.f32 [tilespmem:s9], [sflag:$0x1], $0x1, s1, s10, $0xb8;
	[tilespmem:$0x2B00] =	vst v63  }
0x2fd: {  	s1 =	sld [smem:$0x7FA]  }
0x2fe: {  	[spmem:s2] =	stream.indirect.scatter.add.f32 [tilespmem:s9], [sflag:$0x1], $0x1, s7, s10, $0xb8;
	[tilespmem:$0x2B00] =	vst v63  }
0x2ff: {  	s7 =	sld [smem:$0x7FB]  }
0x300: {  	[spmem:s2] =	stream.indirect.scatter.add.f32 [tilespmem:s9], [sflag:$0x1], $0x1, s1, s10, $0xb8;
	[tilespmem:$0x2B00] =	vst v63  }
0x301: {  	s1 =	sld [smem:$0x7FC]  }
0x302: {  	[spmem:s2] =	stream.indirect.scatter.add.f32 [tilespmem:s9], [sflag:$0x1], $0x1, s7, s10, $0xb8;
	[tilespmem:$0x2B00] =	vst v63  }
0x303: {  	s7 =	sld [smem:$0x7FD]  }
0x304: {  	[spmem:s2] =	stream.indirect.scatter.add.f32 [tilespmem:s9], [sflag:$0x1], $0x1, s1, s10, $0xb8;
	[tilespmem:$0x2B00] =	vst v63  }
0x305: {  	_ = 	snop  }
0x306: {  	[spmem:s2] =	stream.indirect.scatter.add.f32 [tilespmem:s9], [sflag:$0x1], $0x1, s7, s10, $0xb8;
	[tilespmem:$0x2B00] =	vst v63  }
0x307: {  	_ = 	snop  }
0x308: {  	[spmem:s2] =	stream.indirect.scatter.add.f32 [tilespmem:s9], [sflag:$0x1], $0x1, s11, s10, $0xb8;
	[tilespmem:$0x2B00] =	vst v63  }
0x309: {  	_ = 	snop  }
0x30a: {  	[spmem:s2] =	stream.indirect.scatter.add.f32 [tilespmem:s9], [sflag:$0x1], $0x1, s12, s10, $0xb8;
	[tilespmem:$0x2B00] =	vst v63  }
0x30b: {  	_ = 	snop  }
0x30c: {  	[spmem:s2] =	stream.indirect.scatter.add.f32 [tilespmem:s9], [sflag:$0x1], $0x1, s13, s10, $0xb8;
	[tilespmem:$0x2B00] =	vst v63  }
0x30d: {  	_ = 	snop  }
0x30e: {  	[spmem:s2] =	stream.indirect.scatter.add.f32 [tilespmem:s9], [sflag:$0x1], $0x1, s14, s10, $0xb8;
	[tilespmem:$0x2B00] =	vst v63  }
0x30f: {  	_ = 	snop  }
0x310: {  	[spmem:s2] =	stream.indirect.scatter.add.f32 [tilespmem:s9], [sflag:$0x1], $0x1, s15, s10, $0xb8;
	[tilespmem:$0x2B00] =	vst v63  }
0x311: {  	_ = 	snop  }
0x312: {  	[spmem:s2] =	stream.indirect.scatter.add.f32 [tilespmem:s9], [sflag:$0x1], $0x1, s16, s10, $0xb8;
	[tilespmem:$0x2B00] =	vst v63  }
0x313: {  	_ = 	snop  }
0x314: {  	[spmem:s2] =	stream.indirect.scatter.add.f32 [tilespmem:s9], [sflag:$0x1], $0x1, s17, s10, $0xb8;
	[tilespmem:$0x2B00] =	vst v63  }
0x315: {  	_ = 	snop  }
0x316: {  	[spmem:s2] =	stream.indirect.scatter.add.f32 [tilespmem:s9], [sflag:$0x1], $0x1, s18, s10, $0xb8;
	[tilespmem:$0x2B00] =	vst v63  }
0x317: {  	_ = 	snop  }
0x318: {  	[spmem:s2] =	stream.indirect.scatter.add.f32 [tilespmem:s9], [sflag:$0x1], $0x1, s19, s10, $0xb8;
	[tilespmem:$0x2B00] =	vst v63  }
0x319: {  	_ = 	snop  }
0x31a: {  	[spmem:s2] =	stream.indirect.scatter.add.f32 [tilespmem:s9], [sflag:$0x1], $0x1, s20, s10, $0xb8;
	[tilespmem:$0x2B00] =	vst v63  }
0x31b: {  	_ = 	snop  }
0x31c: {  	[spmem:s2] =	stream.indirect.scatter.add.f32 [tilespmem:s9], [sflag:$0x1], $0x1, s21, s10, $0xb8;
	[tilespmem:$0x2B00] =	vst v63  }
0x31d: {  	_ = 	snop  }
0x31e: {  	[spmem:s2] =	stream.indirect.scatter.add.f32 [tilespmem:s9], [sflag:$0x1], $0x1, s22, s10, $0xb8;
	[tilespmem:$0x2B00] =	vst v63  }
0x31f: {  	_ = 	snop  }
0x320: {  	[spmem:s2] =	stream.indirect.scatter.add.f32 [tilespmem:s9], [sflag:$0x1], $0x1, s23, s10, $0xb8;
	[tilespmem:$0x2B00] =	vst v63  }
0x321: {  	_ = 	snop  }
0x322: {  	[spmem:s2] =	stream.indirect.scatter.add.f32 [tilespmem:s9], [sflag:$0x1], $0x1, s24, s10, $0xb8;
	[tilespmem:$0x2B00] =	vst v63  }
0x323: {  	_ = 	snop  }
0x324: {  	[spmem:s2] =	stream.indirect.scatter.add.f32 [tilespmem:s9], [sflag:$0x1], $0x1, s25, s10, $0xb8;
	[tilespmem:$0x2B00] =	vst v63  }
0x325: {  	_ = 	snop  }
0x326: {  	[spmem:s2] =	stream.indirect.scatter.add.f32 [tilespmem:s9], [sflag:$0x1], $0x1, s26, s10, $0xb8;
	[tilespmem:$0x2B00] =	vst v63  }
0x327: {  	_ = 	snop  }
0x328: {  	[spmem:s2] =	stream.indirect.scatter.add.f32 [tilespmem:s9], [sflag:$0x1], $0x1, s28, s10, $0xb8;
	[tilespmem:$0x2B00] =	vst v63  }
0x329: {  	_ = 	snop  }
0x32a: {  	[spmem:s2] =	stream.indirect.scatter.add.f32 [tilespmem:s9], [sflag:$0x1], $0x1, s29, s10, $0xb8;
	[tilespmem:$0x2B00] =	vst v63  }
0x32b: {  	_ = 	snop  }
0x32c: {  	[spmem:s2] =	stream.indirect.scatter.add.f32 [tilespmem:s9], [sflag:$0x1], $0x1, s30, s10, $0xb8;
	[tilespmem:$0x2B00] =	vst v63  }
0x32d: {  	_ =	swait.ge [sflag:s6], $0x80  }
0x32e: {  	[sflag:s6] =	ssyncset.done $0x0  }
0x32f: {  	[sflag:s6] =	ssyncadd.s32 $0xFFFFFF80  }
0x330: {  	_ =	swait.ge [sflag:s6], $0x80  }
0x331: {  	[sflag:s6] =	ssyncset.done $0x0  }
0x332: {  	[sflag:s6] =	ssyncadd.s32 $0xFFFFFF80  }
0x333: {  	_ =	swait.ge [sflag:s6], $0x80  }
0x334: {  	[sflag:s6] =	ssyncset.done $0x0  }
0x335: {  	[sflag:s6] =	ssyncadd.s32 $0xFFFFFF80  }
0x336: {  	_ =	swait.ge [sflag:s6], $0x80  }
0x337: {  	[sflag:s6] =	ssyncset.done $0x0  }
0x338: {  	[sflag:s6] =	ssyncadd.s32 $0xFFFFFF80  }
0x339: {  	_ =	swait.ge [sflag:s6], $0x80  }
0x33a: {  	[sflag:s6] =	ssyncset.done $0x0  }
0x33b: {  	[sflag:s6] =	ssyncadd.s32 $0xFFFFFF80  }
0x33c: {  	_ =	swait.ge [sflag:s6], $0x80  }
0x33d: {  	[sflag:s6] =	ssyncset.done $0x0  }
0x33e: {  	[sflag:s6] =	ssyncadd.s32 $0xFFFFFF80  }
0x33f: {  	_ =	swait.ge [sflag:s6], $0x80  }
0x340: {  	[sflag:s6] =	ssyncset.done $0x0  }
0x341: {  	[sflag:s6] =	ssyncadd.s32 $0xFFFFFF80  }
0x342: {  	_ =	swait.ge [sflag:s6], $0x80  }
0x343: {  	[sflag:s6] =	ssyncset.done $0x0  }
0x344: {  	[sflag:s6] =	ssyncadd.s32 $0xFFFFFF80  }
0x345: {  	_ =	swait.ge [sflag:s6], $0x80  }
0x346: {  	[sflag:s6] =	ssyncset.done $0x0  }
0x347: {  	[sflag:s6] =	ssyncadd.s32 $0xFFFFFF80  }
0x348: {  	_ =	swait.ge [sflag:s6], $0x80  }
0x349: {  	[sflag:s6] =	ssyncset.done $0x0  }
0x34a: {  	[sflag:s6] =	ssyncadd.s32 $0xFFFFFF80  }
0x34b: {  	_ =	swait.ge [sflag:s6], $0x80  }
0x34c: {  	[sflag:s6] =	ssyncset.done $0x0  }
0x34d: {  	[sflag:s6] =	ssyncadd.s32 $0xFFFFFF80  }
0x34e: {  	_ =	swait.ge [sflag:s6], $0x80  }
0x34f: {  	[sflag:s6] =	ssyncset.done $0x0  }
0x350: {  	[sflag:s6] =	ssyncadd.s32 $0xFFFFFF80  }
0x351: {  	_ =	swait.ge [sflag:s6], $0x80  }
0x352: {  	[sflag:s6] =	ssyncset.done $0x0  }
0x353: {  	[sflag:s6] =	ssyncadd.s32 $0xFFFFFF80  }
0x354: {  	_ =	swait.ge [sflag:s6], $0x80  }
0x355: {  	[sflag:s6] =	ssyncset.done $0x0  }
0x356: {  	[sflag:s6] =	ssyncadd.s32 $0xFFFFFF80  }
0x357: {  	_ =	swait.ge [sflag:s6], $0x80  }
0x358: {  	[sflag:s6] =	ssyncset.done $0x0  }
0x359: {  	[sflag:s6] =	ssyncadd.s32 $0xFFFFFF80  }
0x35a: {  	_ =	swait.ge [sflag:s6], $0x80  }
0x35b: {  	[sflag:s6] =	ssyncset.done $0x0  }
0x35c: {  	[sflag:s6] =	ssyncadd.s32 $0xFFFFFF80  }
0x35d: {  	_ =	swait.ge [sflag:s6], $0x80  }
0x35e: {  	[sflag:s6] =	ssyncset.done $0x0  }
0x35f: {  	[sflag:s6] =	ssyncadd.s32 $0xFFFFFF80  }
0x360: {  	_ =	swait.ge [sflag:s6], $0x80  }
0x361: {  	[sflag:s6] =	ssyncset.done $0x0  }
0x362: {  	[sflag:s6] =	ssyncadd.s32 $0xFFFFFF80  }
0x363: {  	_ =	swait.ge [sflag:s6], $0x80  }
0x364: {  	[sflag:s6] =	ssyncset.done $0x0  }
0x365: {  	[sflag:s6] =	ssyncadd.s32 $0xFFFFFF80  }
0x366: {  	_ =	swait.ge [sflag:s6], $0x80  }
0x367: {  	[sflag:s6] =	ssyncset.done $0x0  }
0x368: {  	[sflag:s6] =	ssyncadd.s32 $0xFFFFFF80  }
0x369: {  	_ =	swait.ge [sflag:s6], $0x80  }
0x36a: {  	[sflag:s6] =	ssyncset.done $0x0  }
0x36b: {  	[sflag:s6] =	ssyncadd.s32 $0xFFFFFF80  }
0x36c: {  	_ =	swait.ge [sflag:s6], $0x80  }
0x36d: {  	[sflag:s6] =	ssyncset.done $0x0  }
0x36e: {  	[sflag:s6] =	ssyncadd.s32 $0xFFFFFF80  }
0x36f: {  	_ =	swait.ge [sflag:s6], $0x80  }
0x370: {  	[sflag:s6] =	ssyncset.done $0x0  }
0x371: {  	[sflag:s6] =	ssyncadd.s32 $0xFFFFFF80  }
0x372: {  	_ =	swait.ge [sflag:s6], $0x80  }
0x373: {  	[sflag:s6] =	ssyncset.done $0x0  }
0x374: {  	[sflag:s6] =	ssyncadd.s32 $0xFFFFFF80  }
0x375: {  	_ =	swait.ge [sflag:s6], $0x80  }
0x376: {  	[sflag:s6] =	ssyncset.done $0x0  }
0x377: {  	[sflag:s6] =	ssyncadd.s32 $0xFFFFFF80  }
0x378: {  	_ =	swait.ge [sflag:s6], $0x80  }
0x379: {  	[sflag:s6] =	ssyncset.done $0x0  }
0x37a: {  	[sflag:s6] =	ssyncadd.s32 $0xFFFFFF80  }
0x37b: {  	_ =	swait.ge [sflag:s6], $0x80  }
0x37c: {  	[sflag:s6] =	ssyncset.done $0x0  }
0x37d: {  	p1 =	sne.s32 s0, $0x1;
	[sflag:s6] =	ssyncadd.s32 $0xFFFFFF80  }
.Ltmp2:
0x37e: {  	[bflag:$0x0] =	sbarrier.arrive $0xFFFF;
	(pc) =	sbr.rel @p1 .LBB2_2-.Ltmp2, $4  }
0x37f: {  	s7 =	simm.s32 $0x20;
	s1 =	rddreg [dreg:$0x7]  }
0x380: {  	[hbm:s1@s7], [sflag:s3] =	dma.strided [spmem:s4@s8], $0x50, s6, $0x10   }
0x381: {  	_ =	swait.ge [sflag:s5], $0x50  }
0x382: {  	s0 =	sadd.s32 $0xFFFFFFFF, s0;
	s1 =	rddreg [dreg:$0x5];
	[sflag:s5] =	ssyncset.done $0x0  }
.LBB2_3:
0x383: {  	[sflag:s5] =	ssyncadd.s32 @p0 $0xFFFFFFB0  }
0x384: {  	[spmem:s4], [sflag:s3] =	dma.local [hbm:s1], $0x50  }
0x385: {  	_ =	swait.ge [sflag:s5], $0x50  }
0x386: {  	[sflag:s5] =	ssyncset.done $0x0  }
0x387: {  	s0 =	rddreg [dreg:$0x6];
	[sflag:s5] =	ssyncadd.s32 $0xFFFFFFB0  }
0x388: {  	[tilespmem:s31], [sflag:$0x2] =	stream.linear.gather [hbm4b:s0+s31], $0x2780, $0x38;
	[tilespmem:$0x2B00] =	vst v63  }
0x389: {  	_ =	swait.ge [sflag:s5], $0x2780  }
0x38a: {  	[sflag:s5] =	ssyncset.done $0x0  }
0x38b: {  	s1 =	rddreg [dreg:$0x4];
	[sflag:s5] =	ssyncadd.s32 $0xFFFFD880  }
0x38c: {  	[tilespmem:s9], [sflag:$0x2] =	stream.linear.gather [hbm4b:s1+s31], $0x80, $0x38;
	[tilespmem:$0x2B00] =	vst v63  }
0x38d: {  	_ =	swait.ge [sflag:s5], $0x80  }
0x38e: {  	[sflag:s5] =	ssyncset.done $0x0  }
0x38f: {  	[sflag:s5] =	ssyncadd.s32 $0xFFFFFF80  }
0x390: {  	[bflag:$0x0] =	sbarrier.arrive $0xFFFF  }
0x391: {  	[spmem:s2] =	stream.indirect.scatter.add.f32 [tilespmem:s9], [sflag:$0x1], $0x1, s31, s10, $0xb8;
	[tilespmem:$0x2B00] =	vst v63  }
0x392: {  	_ = 	snop  }
0x393: {  	[spmem:s2] =	stream.indirect.scatter.add.f32 [tilespmem:s9], [sflag:$0x1], $0x1, s10, s10, $0xb8;
	[tilespmem:$0x2B00] =	vst v63  }
0x394: {  	s1 =	rddreg [dreg:$0x8]  }
0x395: {  	[spmem:s2] =	stream.indirect.scatter.add.f32 [tilespmem:s9], [sflag:$0x1], $0x1, s1, s10, $0xb8;
	[tilespmem:$0x2B00] =	vst v63  }
0x396: {  	s31 =	rddreg [dreg:$0x9]  }
0x397: {  	[spmem:s2] =	stream.indirect.scatter.add.f32 [tilespmem:s9], [sflag:$0x1], $0x1, s31, s10, $0xb8;
	[tilespmem:$0x2B00] =	vst v63  }
0x398: {  	s0 =	rddreg [dreg:$0xa]  }
0x399: {  	[spmem:s2] =	stream.indirect.scatter.add.f32 [tilespmem:s9], [sflag:$0x1], $0x1, s0, s10, $0xb8;
	[tilespmem:$0x2B00] =	vst v63  }
0x39a: {  	s31 =	rddreg [dreg:$0xb]  }
0x39b: {  	[spmem:s2] =	stream.indirect.scatter.add.f32 [tilespmem:s9], [sflag:$0x1], $0x1, s31, s10, $0xb8;
	[tilespmem:$0x2B00] =	vst v63  }
0x39c: {  	s0 =	rddreg [dreg:$0xc]  }
0x39d: {  	[spmem:s2] =	stream.indirect.scatter.add.f32 [tilespmem:s9], [sflag:$0x1], $0x1, s0, s10, $0xb8;
	[tilespmem:$0x2B00] =	vst v63  }
0x39e: {  	s31 =	rddreg [dreg:$0xd]  }
0x39f: {  	[spmem:s2] =	stream.indirect.scatter.add.f32 [tilespmem:s9], [sflag:$0x1], $0x1, s31, s10, $0xb8;
	[tilespmem:$0x2B00] =	vst v63  }
0x3a0: {  	s0 =	rddreg [dreg:$0xe]  }
0x3a1: {  	[spmem:s2] =	stream.indirect.scatter.add.f32 [tilespmem:s9], [sflag:$0x1], $0x1, s0, s10, $0xb8;
	[tilespmem:$0x2B00] =	vst v63  }
0x3a2: {  	s31 =	rddreg [dreg:$0xf]  }
0x3a3: {  	[spmem:s2] =	stream.indirect.scatter.add.f32 [tilespmem:s9], [sflag:$0x1], $0x1, s31, s10, $0xb8;
	[tilespmem:$0x2B00] =	vst v63  }
0x3a4: {  	s0 =	rddreg [dreg:$0x10]  }
0x3a5: {  	[spmem:s2] =	stream.indirect.scatter.add.f32 [tilespmem:s9], [sflag:$0x1], $0x1, s0, s10, $0xb8;
	[tilespmem:$0x2B00] =	vst v63  }
0x3a6: {  	s31 =	rddreg [dreg:$0x11]  }
0x3a7: {  	[spmem:s2] =	stream.indirect.scatter.add.f32 [tilespmem:s9], [sflag:$0x1], $0x1, s31, s10, $0xb8;
	[tilespmem:$0x2B00] =	vst v63  }
0x3a8: {  	s0 =	rddreg [dreg:$0x12]  }
0x3a9: {  	[spmem:s2] =	stream.indirect.scatter.add.f32 [tilespmem:s9], [sflag:$0x1], $0x1, s0, s10, $0xb8;
	[tilespmem:$0x2B00] =	vst v63  }
0x3aa: {  	s31 =	rddreg [dreg:$0x13]  }
0x3ab: {  	[spmem:s2] =	stream.indirect.scatter.add.f32 [tilespmem:s9], [sflag:$0x1], $0x1, s31, s10, $0xb8;
	[tilespmem:$0x2B00] =	vst v63  }
0x3ac: {  	s0 =	rddreg [dreg:$0x14]  }
0x3ad: {  	[spmem:s2] =	stream.indirect.scatter.add.f32 [tilespmem:s9], [sflag:$0x1], $0x1, s0, s10, $0xb8;
	[tilespmem:$0x2B00] =	vst v63  }
0x3ae: {  	s31 =	rddreg [dreg:$0x15]  }
0x3af: {  	[spmem:s2] =	stream.indirect.scatter.add.f32 [tilespmem:s9], [sflag:$0x1], $0x1, s31, s10, $0xb8;
	[tilespmem:$0x2B00] =	vst v63  }
0x3b0: {  	s0 =	rddreg [dreg:$0x16]  }
0x3b1: {  	[spmem:s2] =	stream.indirect.scatter.add.f32 [tilespmem:s9], [sflag:$0x1], $0x1, s0, s10, $0xb8;
	[tilespmem:$0x2B00] =	vst v63  }
0x3b2: {  	s31 =	rddreg [dreg:$0x17]  }
0x3b3: {  	[spmem:s2] =	stream.indirect.scatter.add.f32 [tilespmem:s9], [sflag:$0x1], $0x1, s31, s10, $0xb8;
	[tilespmem:$0x2B00] =	vst v63  }
0x3b4: {  	s0 =	rddreg [dreg:$0x18]  }
0x3b5: {  	[spmem:s2] =	stream.indirect.scatter.add.f32 [tilespmem:s9], [sflag:$0x1], $0x1, s0, s10, $0xb8;
	[tilespmem:$0x2B00] =	vst v63  }
0x3b6: {  	s31 =	rddreg [dreg:$0x19]  }
0x3b7: {  	[spmem:s2] =	stream.indirect.scatter.add.f32 [tilespmem:s9], [sflag:$0x1], $0x1, s31, s10, $0xb8;
	[tilespmem:$0x2B00] =	vst v63  }
0x3b8: {  	s0 =	rddreg [dreg:$0x1a]  }
0x3b9: {  	[spmem:s2] =	stream.indirect.scatter.add.f32 [tilespmem:s9], [sflag:$0x1], $0x1, s0, s10, $0xb8;
	[tilespmem:$0x2B00] =	vst v63  }
0x3ba: {  	s31 =	rddreg [dreg:$0x1b]  }
0x3bb: {  	[spmem:s2] =	stream.indirect.scatter.add.f32 [tilespmem:s9], [sflag:$0x1], $0x1, s31, s10, $0xb8;
	[tilespmem:$0x2B00] =	vst v63  }
0x3bc: {  	s0 =	rddreg [dreg:$0x1c]  }
0x3bd: {  	[spmem:s2] =	stream.indirect.scatter.add.f32 [tilespmem:s9], [sflag:$0x1], $0x1, s0, s10, $0xb8;
	[tilespmem:$0x2B00] =	vst v63  }
0x3be: {  	s31 =	rddreg [dreg:$0x1d]  }
0x3bf: {  	[spmem:s2] =	stream.indirect.scatter.add.f32 [tilespmem:s9], [sflag:$0x1], $0x1, s31, s10, $0xb8;
	[tilespmem:$0x2B00] =	vst v63  }
0x3c0: {  	s0 =	rddreg [dreg:$0x1e]  }
0x3c1: {  	[spmem:s2] =	stream.indirect.scatter.add.f32 [tilespmem:s9], [sflag:$0x1], $0x1, s0, s10, $0xb8;
	[tilespmem:$0x2B00] =	vst v63  }
0x3c2: {  	s31 =	rddreg [dreg:$0x1f]  }
0x3c3: {  	[spmem:s2] =	stream.indirect.scatter.add.f32 [tilespmem:s9], [sflag:$0x1], $0x1, s31, s10, $0xb8;
	[tilespmem:$0x2B00] =	vst v63  }
0x3c4: {  	_ =	swait.ge [sflag:s6], $0x80  }
0x3c5: {  	[sflag:s6] =	ssyncset.done $0x0  }
0x3c6: {  	[sflag:s6] =	ssyncadd.s32 $0xFFFFFF80  }
0x3c7: {  	_ =	swait.ge [sflag:s6], $0x80  }
0x3c8: {  	[sflag:s6] =	ssyncset.done $0x0  }
0x3c9: {  	[sflag:s6] =	ssyncadd.s32 $0xFFFFFF80  }
0x3ca: {  	_ =	swait.ge [sflag:s6], $0x80  }
0x3cb: {  	[sflag:s6] =	ssyncset.done $0x0  }
0x3cc: {  	[sflag:s6] =	ssyncadd.s32 $0xFFFFFF80  }
0x3cd: {  	_ =	swait.ge [sflag:s6], $0x80  }
0x3ce: {  	[sflag:s6] =	ssyncset.done $0x0  }
0x3cf: {  	[sflag:s6] =	ssyncadd.s32 $0xFFFFFF80  }
0x3d0: {  	_ =	swait.ge [sflag:s6], $0x80  }
0x3d1: {  	[sflag:s6] =	ssyncset.done $0x0  }
0x3d2: {  	[sflag:s6] =	ssyncadd.s32 $0xFFFFFF80  }
0x3d3: {  	_ =	swait.ge [sflag:s6], $0x80  }
0x3d4: {  	[sflag:s6] =	ssyncset.done $0x0  }
0x3d5: {  	[sflag:s6] =	ssyncadd.s32 $0xFFFFFF80  }
0x3d6: {  	_ =	swait.ge [sflag:s6], $0x80  }
0x3d7: {  	[sflag:s6] =	ssyncset.done $0x0  }
0x3d8: {  	[sflag:s6] =	ssyncadd.s32 $0xFFFFFF80  }
0x3d9: {  	_ =	swait.ge [sflag:s6], $0x80  }
0x3da: {  	[sflag:s6] =	ssyncset.done $0x0  }
0x3db: {  	[sflag:s6] =	ssyncadd.s32 $0xFFFFFF80  }
0x3dc: {  	_ =	swait.ge [sflag:s6], $0x80  }
0x3dd: {  	[sflag:s6] =	ssyncset.done $0x0  }
0x3de: {  	[sflag:s6] =	ssyncadd.s32 $0xFFFFFF80  }
0x3df: {  	_ =	swait.ge [sflag:s6], $0x80  }
0x3e0: {  	[sflag:s6] =	ssyncset.done $0x0  }
0x3e1: {  	[sflag:s6] =	ssyncadd.s32 $0xFFFFFF80  }
0x3e2: {  	_ =	swait.ge [sflag:s6], $0x80  }
0x3e3: {  	[sflag:s6] =	ssyncset.done $0x0  }
0x3e4: {  	[sflag:s6] =	ssyncadd.s32 $0xFFFFFF80  }
0x3e5: {  	_ =	swait.ge [sflag:s6], $0x80  }
0x3e6: {  	[sflag:s6] =	ssyncset.done $0x0  }
0x3e7: {  	[sflag:s6] =	ssyncadd.s32 $0xFFFFFF80  }
0x3e8: {  	_ =	swait.ge [sflag:s6], $0x80  }
0x3e9: {  	[sflag:s6] =	ssyncset.done $0x0  }
0x3ea: {  	[sflag:s6] =	ssyncadd.s32 $0xFFFFFF80  }
0x3eb: {  	_ =	swait.ge [sflag:s6], $0x80  }
0x3ec: {  	[sflag:s6] =	ssyncset.done $0x0  }
0x3ed: {  	[sflag:s6] =	ssyncadd.s32 $0xFFFFFF80  }
0x3ee: {  	_ =	swait.ge [sflag:s6], $0x80  }
0x3ef: {  	[sflag:s6] =	ssyncset.done $0x0  }
0x3f0: {  	[sflag:s6] =	ssyncadd.s32 $0xFFFFFF80  }
0x3f1: {  	_ =	swait.ge [sflag:s6], $0x80  }
0x3f2: {  	[sflag:s6] =	ssyncset.done $0x0  }
0x3f3: {  	[sflag:s6] =	ssyncadd.s32 $0xFFFFFF80  }
0x3f4: {  	_ =	swait.ge [sflag:s6], $0x80  }
0x3f5: {  	[sflag:s6] =	ssyncset.done $0x0  }
0x3f6: {  	[sflag:s6] =	ssyncadd.s32 $0xFFFFFF80  }
0x3f7: {  	_ =	swait.ge [sflag:s6], $0x80  }
0x3f8: {  	[sflag:s6] =	ssyncset.done $0x0  }
0x3f9: {  	[sflag:s6] =	ssyncadd.s32 $0xFFFFFF80  }
0x3fa: {  	_ =	swait.ge [sflag:s6], $0x80  }
0x3fb: {  	[sflag:s6] =	ssyncset.done $0x0  }
0x3fc: {  	[sflag:s6] =	ssyncadd.s32 $0xFFFFFF80  }
0x3fd: {  	_ =	swait.ge [sflag:s6], $0x80  }
0x3fe: {  	[sflag:s6] =	ssyncset.done $0x0  }
0x3ff: {  	[sflag:s6] =	ssyncadd.s32 $0xFFFFFF80  }
0x400: {  	_ =	swait.ge [sflag:s6], $0x80  }
0x401: {  	[sflag:s6] =	ssyncset.done $0x0  }
0x402: {  	[sflag:s6] =	ssyncadd.s32 $0xFFFFFF80  }
0x403: {  	_ =	swait.ge [sflag:s6], $0x80  }
0x404: {  	[sflag:s6] =	ssyncset.done $0x0  }
0x405: {  	[sflag:s6] =	ssyncadd.s32 $0xFFFFFF80  }
0x406: {  	_ =	swait.ge [sflag:s6], $0x80  }
0x407: {  	[sflag:s6] =	ssyncset.done $0x0  }
0x408: {  	[sflag:s6] =	ssyncadd.s32 $0xFFFFFF80  }
0x409: {  	_ =	swait.ge [sflag:s6], $0x80  }
0x40a: {  	[sflag:s6] =	ssyncset.done $0x0  }
0x40b: {  	[sflag:s6] =	ssyncadd.s32 $0xFFFFFF80  }
0x40c: {  	_ =	swait.ge [sflag:s6], $0x80  }
0x40d: {  	[sflag:s6] =	ssyncset.done $0x0  }
0x40e: {  	[sflag:s6] =	ssyncadd.s32 $0xFFFFFF80  }
0x40f: {  	_ =	swait.ge [sflag:s6], $0x80  }
0x410: {  	s1 =	sld [smem:$0x7DC]  }
0x411: {  	[sflag:s6] =	ssyncset.done $0x0  }
0x412: {  	s31 =	sld [smem:$0x7DD];
	[sflag:s6] =	ssyncadd.s32 $0xFFFFFF80  }
0x413: {  	[spmem:s2] =	stream.indirect.scatter.add.f32 [tilespmem:s9], [sflag:$0x1], $0x1, s1, s10, $0xb8;
	[tilespmem:$0x2B00] =	vst v63  }
0x414: {  	s0 =	sld [smem:$0x7DE]  }
0x415: {  	[spmem:s2] =	stream.indirect.scatter.add.f32 [tilespmem:s9], [sflag:$0x1], $0x1, s31, s10, $0xb8;
	[tilespmem:$0x2B00] =	vst v63  }
0x416: {  	s31 =	sld [smem:$0x7DF]  }
0x417: {  	[spmem:s2] =	stream.indirect.scatter.add.f32 [tilespmem:s9], [sflag:$0x1], $0x1, s0, s10, $0xb8;
	[tilespmem:$0x2B00] =	vst v63  }
0x418: {  	s0 =	sld [smem:$0x7E0]  }
0x419: {  	[spmem:s2] =	stream.indirect.scatter.add.f32 [tilespmem:s9], [sflag:$0x1], $0x1, s31, s10, $0xb8;
	[tilespmem:$0x2B00] =	vst v63  }
0x41a: {  	s31 =	sld [smem:$0x7E1]  }
0x41b: {  	[spmem:s2] =	stream.indirect.scatter.add.f32 [tilespmem:s9], [sflag:$0x1], $0x1, s0, s10, $0xb8;
	[tilespmem:$0x2B00] =	vst v63  }
0x41c: {  	s0 =	sld [smem:$0x7E2]  }
0x41d: {  	[spmem:s2] =	stream.indirect.scatter.add.f32 [tilespmem:s9], [sflag:$0x1], $0x1, s31, s10, $0xb8;
	[tilespmem:$0x2B00] =	vst v63  }
0x41e: {  	s31 =	sld [smem:$0x7E3]  }
0x41f: {  	[spmem:s2] =	stream.indirect.scatter.add.f32 [tilespmem:s9], [sflag:$0x1], $0x1, s0, s10, $0xb8;
	[tilespmem:$0x2B00] =	vst v63  }
0x420: {  	s0 =	sld [smem:$0x7E4]  }
0x421: {  	[spmem:s2] =	stream.indirect.scatter.add.f32 [tilespmem:s9], [sflag:$0x1], $0x1, s31, s10, $0xb8;
	[tilespmem:$0x2B00] =	vst v63  }
0x422: {  	s31 =	sld [smem:$0x7E5]  }
0x423: {  	[spmem:s2] =	stream.indirect.scatter.add.f32 [tilespmem:s9], [sflag:$0x1], $0x1, s0, s10, $0xb8;
	[tilespmem:$0x2B00] =	vst v63  }
0x424: {  	s0 =	sld [smem:$0x7E6]  }
0x425: {  	[spmem:s2] =	stream.indirect.scatter.add.f32 [tilespmem:s9], [sflag:$0x1], $0x1, s31, s10, $0xb8;
	[tilespmem:$0x2B00] =	vst v63  }
0x426: {  	s31 =	sld [smem:$0x7E7]  }
0x427: {  	[spmem:s2] =	stream.indirect.scatter.add.f32 [tilespmem:s9], [sflag:$0x1], $0x1, s0, s10, $0xb8;
	[tilespmem:$0x2B00] =	vst v63  }
0x428: {  	s0 =	sld [smem:$0x7E8]  }
0x429: {  	[spmem:s2] =	stream.indirect.scatter.add.f32 [tilespmem:s9], [sflag:$0x1], $0x1, s31, s10, $0xb8;
	[tilespmem:$0x2B00] =	vst v63  }
0x42a: {  	s31 =	sld [smem:$0x7E9]  }
0x42b: {  	[spmem:s2] =	stream.indirect.scatter.add.f32 [tilespmem:s9], [sflag:$0x1], $0x1, s0, s10, $0xb8;
	[tilespmem:$0x2B00] =	vst v63  }
0x42c: {  	s0 =	sld [smem:$0x7EA]  }
0x42d: {  	[spmem:s2] =	stream.indirect.scatter.add.f32 [tilespmem:s9], [sflag:$0x1], $0x1, s31, s10, $0xb8;
	[tilespmem:$0x2B00] =	vst v63  }
0x42e: {  	s31 =	sld [smem:$0x7EB]  }
0x42f: {  	[spmem:s2] =	stream.indirect.scatter.add.f32 [tilespmem:s9], [sflag:$0x1], $0x1, s0, s10, $0xb8;
	[tilespmem:$0x2B00] =	vst v63  }
0x430: {  	s0 =	sld [smem:$0x7EC]  }
0x431: {  	[spmem:s2] =	stream.indirect.scatter.add.f32 [tilespmem:s9], [sflag:$0x1], $0x1, s31, s10, $0xb8;
	[tilespmem:$0x2B00] =	vst v63  }
0x432: {  	s31 =	sld [smem:$0x7ED]  }
0x433: {  	[spmem:s2] =	stream.indirect.scatter.add.f32 [tilespmem:s9], [sflag:$0x1], $0x1, s0, s10, $0xb8;
	[tilespmem:$0x2B00] =	vst v63  }
0x434: {  	s0 =	sld [smem:$0x7EE]  }
0x435: {  	[spmem:s2] =	stream.indirect.scatter.add.f32 [tilespmem:s9], [sflag:$0x1], $0x1, s31, s10, $0xb8;
	[tilespmem:$0x2B00] =	vst v63  }
0x436: {  	s31 =	sld [smem:$0x7EF]  }
0x437: {  	[spmem:s2] =	stream.indirect.scatter.add.f32 [tilespmem:s9], [sflag:$0x1], $0x1, s0, s10, $0xb8;
	[tilespmem:$0x2B00] =	vst v63  }
0x438: {  	s0 =	sld [smem:$0x7F0]  }
0x439: {  	[spmem:s2] =	stream.indirect.scatter.add.f32 [tilespmem:s9], [sflag:$0x1], $0x1, s31, s10, $0xb8;
	[tilespmem:$0x2B00] =	vst v63  }
0x43a: {  	s31 =	sld [smem:$0x7F1]  }
0x43b: {  	[spmem:s2] =	stream.indirect.scatter.add.f32 [tilespmem:s9], [sflag:$0x1], $0x1, s0, s10, $0xb8;
	[tilespmem:$0x2B00] =	vst v63  }
0x43c: {  	s0 =	sld [smem:$0x7F2]  }
0x43d: {  	[spmem:s2] =	stream.indirect.scatter.add.f32 [tilespmem:s9], [sflag:$0x1], $0x1, s31, s10, $0xb8;
	[tilespmem:$0x2B00] =	vst v63  }
0x43e: {  	s31 =	sld [smem:$0x7F3]  }
0x43f: {  	[spmem:s2] =	stream.indirect.scatter.add.f32 [tilespmem:s9], [sflag:$0x1], $0x1, s0, s10, $0xb8;
	[tilespmem:$0x2B00] =	vst v63  }
0x440: {  	s0 =	sld [smem:$0x7F4]  }
0x441: {  	[spmem:s2] =	stream.indirect.scatter.add.f32 [tilespmem:s9], [sflag:$0x1], $0x1, s31, s10, $0xb8;
	[tilespmem:$0x2B00] =	vst v63  }
0x442: {  	s31 =	sld [smem:$0x7F5]  }
0x443: {  	[spmem:s2] =	stream.indirect.scatter.add.f32 [tilespmem:s9], [sflag:$0x1], $0x1, s0, s10, $0xb8;
	[tilespmem:$0x2B00] =	vst v63  }
0x444: {  	_ = 	snop  }
0x445: {  	[spmem:s2] =	stream.indirect.scatter.add.f32 [tilespmem:s9], [sflag:$0x1], $0x1, s31, s10, $0xb8;
	[tilespmem:$0x2B00] =	vst v63  }
0x446: {  	_ =	swait.ge [sflag:s6], $0x80  }
0x447: {  	[sflag:s6] =	ssyncset.done $0x0  }
0x448: {  	[sflag:s6] =	ssyncadd.s32 $0xFFFFFF80  }
0x449: {  	_ =	swait.ge [sflag:s6], $0x80  }
0x44a: {  	[sflag:s6] =	ssyncset.done $0x0  }
0x44b: {  	[sflag:s6] =	ssyncadd.s32 $0xFFFFFF80  }
0x44c: {  	_ =	swait.ge [sflag:s6], $0x80  }
0x44d: {  	[sflag:s6] =	ssyncset.done $0x0  }
0x44e: {  	[sflag:s6] =	ssyncadd.s32 $0xFFFFFF80  }
0x44f: {  	_ =	swait.ge [sflag:s6], $0x80  }
0x450: {  	[sflag:s6] =	ssyncset.done $0x0  }
0x451: {  	[sflag:s6] =	ssyncadd.s32 $0xFFFFFF80  }
0x452: {  	_ =	swait.ge [sflag:s6], $0x80  }
0x453: {  	[sflag:s6] =	ssyncset.done $0x0  }
0x454: {  	[sflag:s6] =	ssyncadd.s32 $0xFFFFFF80  }
0x455: {  	_ =	swait.ge [sflag:s6], $0x80  }
0x456: {  	[sflag:s6] =	ssyncset.done $0x0  }
0x457: {  	[sflag:s6] =	ssyncadd.s32 $0xFFFFFF80  }
0x458: {  	_ =	swait.ge [sflag:s6], $0x80  }
0x459: {  	[sflag:s6] =	ssyncset.done $0x0  }
0x45a: {  	[sflag:s6] =	ssyncadd.s32 $0xFFFFFF80  }
0x45b: {  	_ =	swait.ge [sflag:s6], $0x80  }
0x45c: {  	[sflag:s6] =	ssyncset.done $0x0  }
0x45d: {  	[sflag:s6] =	ssyncadd.s32 $0xFFFFFF80  }
0x45e: {  	_ =	swait.ge [sflag:s6], $0x80  }
0x45f: {  	[sflag:s6] =	ssyncset.done $0x0  }
0x460: {  	[sflag:s6] =	ssyncadd.s32 $0xFFFFFF80  }
0x461: {  	_ =	swait.ge [sflag:s6], $0x80  }
0x462: {  	[sflag:s6] =	ssyncset.done $0x0  }
0x463: {  	[sflag:s6] =	ssyncadd.s32 $0xFFFFFF80  }
0x464: {  	_ =	swait.ge [sflag:s6], $0x80  }
0x465: {  	[sflag:s6] =	ssyncset.done $0x0  }
0x466: {  	[sflag:s6] =	ssyncadd.s32 $0xFFFFFF80  }
0x467: {  	_ =	swait.ge [sflag:s6], $0x80  }
0x468: {  	[sflag:s6] =	ssyncset.done $0x0  }
0x469: {  	[sflag:s6] =	ssyncadd.s32 $0xFFFFFF80  }
0x46a: {  	_ =	swait.ge [sflag:s6], $0x80  }
0x46b: {  	[sflag:s6] =	ssyncset.done $0x0  }
0x46c: {  	[sflag:s6] =	ssyncadd.s32 $0xFFFFFF80  }
0x46d: {  	_ =	swait.ge [sflag:s6], $0x80  }
0x46e: {  	[sflag:s6] =	ssyncset.done $0x0  }
0x46f: {  	[sflag:s6] =	ssyncadd.s32 $0xFFFFFF80  }
0x470: {  	_ =	swait.ge [sflag:s6], $0x80  }
0x471: {  	[sflag:s6] =	ssyncset.done $0x0  }
0x472: {  	[sflag:s6] =	ssyncadd.s32 $0xFFFFFF80  }
0x473: {  	_ =	swait.ge [sflag:s6], $0x80  }
0x474: {  	[sflag:s6] =	ssyncset.done $0x0  }
0x475: {  	[sflag:s6] =	ssyncadd.s32 $0xFFFFFF80  }
0x476: {  	_ =	swait.ge [sflag:s6], $0x80  }
0x477: {  	[sflag:s6] =	ssyncset.done $0x0  }
0x478: {  	[sflag:s6] =	ssyncadd.s32 $0xFFFFFF80  }
0x479: {  	_ =	swait.ge [sflag:s6], $0x80  }
0x47a: {  	[sflag:s6] =	ssyncset.done $0x0  }
0x47b: {  	[sflag:s6] =	ssyncadd.s32 $0xFFFFFF80  }
0x47c: {  	_ =	swait.ge [sflag:s6], $0x80  }
0x47d: {  	[sflag:s6] =	ssyncset.done $0x0  }
0x47e: {  	[sflag:s6] =	ssyncadd.s32 $0xFFFFFF80  }
0x47f: {  	_ =	swait.ge [sflag:s6], $0x80  }
0x480: {  	[sflag:s6] =	ssyncset.done $0x0  }
0x481: {  	[sflag:s6] =	ssyncadd.s32 $0xFFFFFF80  }
0x482: {  	_ =	swait.ge [sflag:s6], $0x80  }
0x483: {  	[sflag:s6] =	ssyncset.done $0x0  }
0x484: {  	[sflag:s6] =	ssyncadd.s32 $0xFFFFFF80  }
0x485: {  	_ =	swait.ge [sflag:s6], $0x80  }
0x486: {  	[sflag:s6] =	ssyncset.done $0x0  }
0x487: {  	[sflag:s6] =	ssyncadd.s32 $0xFFFFFF80  }
0x488: {  	_ =	swait.ge [sflag:s6], $0x80  }
0x489: {  	[sflag:s6] =	ssyncset.done $0x0  }
0x48a: {  	[sflag:s6] =	ssyncadd.s32 $0xFFFFFF80  }
0x48b: {  	_ =	swait.ge [sflag:s6], $0x80  }
0x48c: {  	[sflag:s6] =	ssyncset.done $0x0  }
0x48d: {  	[sflag:s6] =	ssyncadd.s32 $0xFFFFFF80  }
0x48e: {  	_ =	swait.ge [sflag:s6], $0x80  }
0x48f: {  	[sflag:s6] =	ssyncset.done $0x0  }
0x490: {  	[sflag:s6] =	ssyncadd.s32 $0xFFFFFF80  }
0x491: {  	_ =	swait.ge [sflag:s6], $0x80  }
0x492: {  	s1 =	sld [smem:$0x7F6]  }
0x493: {  	[sflag:s6] =	ssyncset.done $0x0  }
0x494: {  	s31 =	sld [smem:$0x7F7];
	[sflag:s6] =	ssyncadd.s32 $0xFFFFFF80  }
0x495: {  	[spmem:s2] =	stream.indirect.scatter.add.f32 [tilespmem:s9], [sflag:$0x1], $0x1, s1, s10, $0xb8;
	[tilespmem:$0x2B00] =	vst v63  }
0x496: {  	s0 =	sld [smem:$0x7F8]  }
0x497: {  	[spmem:s2] =	stream.indirect.scatter.add.f32 [tilespmem:s9], [sflag:$0x1], $0x1, s31, s10, $0xb8;
	[tilespmem:$0x2B00] =	vst v63  }
0x498: {  	s31 =	sld [smem:$0x7F9]  }
0x499: {  	[spmem:s2] =	stream.indirect.scatter.add.f32 [tilespmem:s9], [sflag:$0x1], $0x1, s0, s10, $0xb8;
	[tilespmem:$0x2B00] =	vst v63  }
0x49a: {  	s0 =	sld [smem:$0x7FA]  }
0x49b: {  	[spmem:s2] =	stream.indirect.scatter.add.f32 [tilespmem:s9], [sflag:$0x1], $0x1, s31, s10, $0xb8;
	[tilespmem:$0x2B00] =	vst v63  }
0x49c: {  	s31 =	sld [smem:$0x7FB]  }
0x49d: {  	[spmem:s2] =	stream.indirect.scatter.add.f32 [tilespmem:s9], [sflag:$0x1], $0x1, s0, s10, $0xb8;
	[tilespmem:$0x2B00] =	vst v63  }
0x49e: {  	s0 =	sld [smem:$0x7FC]  }
0x49f: {  	[spmem:s2] =	stream.indirect.scatter.add.f32 [tilespmem:s9], [sflag:$0x1], $0x1, s31, s10, $0xb8;
	[tilespmem:$0x2B00] =	vst v63  }
0x4a0: {  	s31 =	sld [smem:$0x7FD]  }
0x4a1: {  	[spmem:s2] =	stream.indirect.scatter.add.f32 [tilespmem:s9], [sflag:$0x1], $0x1, s0, s10, $0xb8;
	[tilespmem:$0x2B00] =	vst v63  }
0x4a2: {  	_ = 	snop  }
0x4a3: {  	[spmem:s2] =	stream.indirect.scatter.add.f32 [tilespmem:s9], [sflag:$0x1], $0x1, s31, s10, $0xb8;
	[tilespmem:$0x2B00] =	vst v63  }
0x4a4: {  	_ = 	snop  }
0x4a5: {  	[spmem:s2] =	stream.indirect.scatter.add.f32 [tilespmem:s9], [sflag:$0x1], $0x1, s11, s10, $0xb8;
	[tilespmem:$0x2B00] =	vst v63  }
0x4a6: {  	_ = 	snop  }
0x4a7: {  	[spmem:s2] =	stream.indirect.scatter.add.f32 [tilespmem:s9], [sflag:$0x1], $0x1, s12, s10, $0xb8;
	[tilespmem:$0x2B00] =	vst v63  }
0x4a8: {  	_ = 	snop  }
0x4a9: {  	[spmem:s2] =	stream.indirect.scatter.add.f32 [tilespmem:s9], [sflag:$0x1], $0x1, s13, s10, $0xb8;
	[tilespmem:$0x2B00] =	vst v63  }
0x4aa: {  	_ = 	snop  }
0x4ab: {  	[spmem:s2] =	stream.indirect.scatter.add.f32 [tilespmem:s9], [sflag:$0x1], $0x1, s14, s10, $0xb8;
	[tilespmem:$0x2B00] =	vst v63  }
0x4ac: {  	_ = 	snop  }
0x4ad: {  	[spmem:s2] =	stream.indirect.scatter.add.f32 [tilespmem:s9], [sflag:$0x1], $0x1, s15, s10, $0xb8;
	[tilespmem:$0x2B00] =	vst v63  }
0x4ae: {  	_ = 	snop  }
0x4af: {  	[spmem:s2] =	stream.indirect.scatter.add.f32 [tilespmem:s9], [sflag:$0x1], $0x1, s16, s10, $0xb8;
	[tilespmem:$0x2B00] =	vst v63  }
0x4b0: {  	_ = 	snop  }
0x4b1: {  	[spmem:s2] =	stream.indirect.scatter.add.f32 [tilespmem:s9], [sflag:$0x1], $0x1, s17, s10, $0xb8;
	[tilespmem:$0x2B00] =	vst v63  }
0x4b2: {  	_ = 	snop  }
0x4b3: {  	[spmem:s2] =	stream.indirect.scatter.add.f32 [tilespmem:s9], [sflag:$0x1], $0x1, s18, s10, $0xb8;
	[tilespmem:$0x2B00] =	vst v63  }
0x4b4: {  	_ = 	snop  }
0x4b5: {  	[spmem:s2] =	stream.indirect.scatter.add.f32 [tilespmem:s9], [sflag:$0x1], $0x1, s19, s10, $0xb8;
	[tilespmem:$0x2B00] =	vst v63  }
0x4b6: {  	_ = 	snop  }
0x4b7: {  	[spmem:s2] =	stream.indirect.scatter.add.f32 [tilespmem:s9], [sflag:$0x1], $0x1, s20, s10, $0xb8;
	[tilespmem:$0x2B00] =	vst v63  }
0x4b8: {  	_ = 	snop  }
0x4b9: {  	[spmem:s2] =	stream.indirect.scatter.add.f32 [tilespmem:s9], [sflag:$0x1], $0x1, s21, s10, $0xb8;
	[tilespmem:$0x2B00] =	vst v63  }
0x4ba: {  	_ = 	snop  }
0x4bb: {  	[spmem:s2] =	stream.indirect.scatter.add.f32 [tilespmem:s9], [sflag:$0x1], $0x1, s22, s10, $0xb8;
	[tilespmem:$0x2B00] =	vst v63  }
0x4bc: {  	_ = 	snop  }
0x4bd: {  	[spmem:s2] =	stream.indirect.scatter.add.f32 [tilespmem:s9], [sflag:$0x1], $0x1, s23, s10, $0xb8;
	[tilespmem:$0x2B00] =	vst v63  }
0x4be: {  	_ = 	snop  }
0x4bf: {  	[spmem:s2] =	stream.indirect.scatter.add.f32 [tilespmem:s9], [sflag:$0x1], $0x1, s24, s10, $0xb8;
	[tilespmem:$0x2B00] =	vst v63  }
0x4c0: {  	_ = 	snop  }
0x4c1: {  	[spmem:s2] =	stream.indirect.scatter.add.f32 [tilespmem:s9], [sflag:$0x1], $0x1, s25, s10, $0xb8;
	[tilespmem:$0x2B00] =	vst v63  }
0x4c2: {  	_ = 	snop  }
0x4c3: {  	[spmem:s2] =	stream.indirect.scatter.add.f32 [tilespmem:s9], [sflag:$0x1], $0x1, s26, s10, $0xb8;
	[tilespmem:$0x2B00] =	vst v63  }
0x4c4: {  	_ = 	snop  }
0x4c5: {  	[spmem:s2] =	stream.indirect.scatter.add.f32 [tilespmem:s9], [sflag:$0x1], $0x1, s28, s10, $0xb8;
	[tilespmem:$0x2B00] =	vst v63  }
0x4c6: {  	_ = 	snop  }
0x4c7: {  	[spmem:s2] =	stream.indirect.scatter.add.f32 [tilespmem:s9], [sflag:$0x1], $0x1, s29, s10, $0xb8;
	[tilespmem:$0x2B00] =	vst v63  }
0x4c8: {  	_ = 	snop  }
0x4c9: {  	[spmem:s2] =	stream.indirect.scatter.add.f32 [tilespmem:s9], [sflag:$0x1], $0x1, s30, s10, $0xb8;
	[tilespmem:$0x2B00] =	vst v63  }
0x4ca: {  	_ =	swait.ge [sflag:s6], $0x80  }
0x4cb: {  	[sflag:s6] =	ssyncset.done $0x0  }
0x4cc: {  	[sflag:s6] =	ssyncadd.s32 $0xFFFFFF80  }
0x4cd: {  	_ =	swait.ge [sflag:s6], $0x80  }
0x4ce: {  	[sflag:s6] =	ssyncset.done $0x0  }
0x4cf: {  	[sflag:s6] =	ssyncadd.s32 $0xFFFFFF80  }
0x4d0: {  	_ =	swait.ge [sflag:s6], $0x80  }
0x4d1: {  	[sflag:s6] =	ssyncset.done $0x0  }
0x4d2: {  	[sflag:s6] =	ssyncadd.s32 $0xFFFFFF80  }
0x4d3: {  	_ =	swait.ge [sflag:s6], $0x80  }
0x4d4: {  	[sflag:s6] =	ssyncset.done $0x0  }
0x4d5: {  	[sflag:s6] =	ssyncadd.s32 $0xFFFFFF80  }
0x4d6: {  	_ =	swait.ge [sflag:s6], $0x80  }
0x4d7: {  	[sflag:s6] =	ssyncset.done $0x0  }
0x4d8: {  	[sflag:s6] =	ssyncadd.s32 $0xFFFFFF80  }
0x4d9: {  	_ =	swait.ge [sflag:s6], $0x80  }
0x4da: {  	[sflag:s6] =	ssyncset.done $0x0  }
0x4db: {  	[sflag:s6] =	ssyncadd.s32 $0xFFFFFF80  }
0x4dc: {  	_ =	swait.ge [sflag:s6], $0x80  }
0x4dd: {  	[sflag:s6] =	ssyncset.done $0x0  }
0x4de: {  	[sflag:s6] =	ssyncadd.s32 $0xFFFFFF80  }
0x4df: {  	_ =	swait.ge [sflag:s6], $0x80  }
0x4e0: {  	[sflag:s6] =	ssyncset.done $0x0  }
0x4e1: {  	[sflag:s6] =	ssyncadd.s32 $0xFFFFFF80  }
0x4e2: {  	_ =	swait.ge [sflag:s6], $0x80  }
0x4e3: {  	[sflag:s6] =	ssyncset.done $0x0  }
0x4e4: {  	[sflag:s6] =	ssyncadd.s32 $0xFFFFFF80  }
0x4e5: {  	_ =	swait.ge [sflag:s6], $0x80  }
0x4e6: {  	[sflag:s6] =	ssyncset.done $0x0  }
0x4e7: {  	[sflag:s6] =	ssyncadd.s32 $0xFFFFFF80  }
0x4e8: {  	_ =	swait.ge [sflag:s6], $0x80  }
0x4e9: {  	[sflag:s6] =	ssyncset.done $0x0  }
0x4ea: {  	[sflag:s6] =	ssyncadd.s32 $0xFFFFFF80  }
0x4eb: {  	_ =	swait.ge [sflag:s6], $0x80  }
0x4ec: {  	[sflag:s6] =	ssyncset.done $0x0  }
0x4ed: {  	[sflag:s6] =	ssyncadd.s32 $0xFFFFFF80  }
0x4ee: {  	_ =	swait.ge [sflag:s6], $0x80  }
0x4ef: {  	[sflag:s6] =	ssyncset.done $0x0  }
0x4f0: {  	[sflag:s6] =	ssyncadd.s32 $0xFFFFFF80  }
0x4f1: {  	_ =	swait.ge [sflag:s6], $0x80  }
0x4f2: {  	[sflag:s6] =	ssyncset.done $0x0  }
0x4f3: {  	[sflag:s6] =	ssyncadd.s32 $0xFFFFFF80  }
0x4f4: {  	_ =	swait.ge [sflag:s6], $0x80  }
0x4f5: {  	[sflag:s6] =	ssyncset.done $0x0  }
0x4f6: {  	[sflag:s6] =	ssyncadd.s32 $0xFFFFFF80  }
0x4f7: {  	_ =	swait.ge [sflag:s6], $0x80  }
0x4f8: {  	[sflag:s6] =	ssyncset.done $0x0  }
0x4f9: {  	[sflag:s6] =	ssyncadd.s32 $0xFFFFFF80  }
0x4fa: {  	_ =	swait.ge [sflag:s6], $0x80  }
0x4fb: {  	[sflag:s6] =	ssyncset.done $0x0  }
0x4fc: {  	[sflag:s6] =	ssyncadd.s32 $0xFFFFFF80  }
0x4fd: {  	_ =	swait.ge [sflag:s6], $0x80  }
0x4fe: {  	[sflag:s6] =	ssyncset.done $0x0  }
0x4ff: {  	[sflag:s6] =	ssyncadd.s32 $0xFFFFFF80  }
0x500: {  	_ =	swait.ge [sflag:s6], $0x80  }
0x501: {  	[sflag:s6] =	ssyncset.done $0x0  }
0x502: {  	[sflag:s6] =	ssyncadd.s32 $0xFFFFFF80  }
0x503: {  	_ =	swait.ge [sflag:s6], $0x80  }
0x504: {  	[sflag:s6] =	ssyncset.done $0x0  }
0x505: {  	[sflag:s6] =	ssyncadd.s32 $0xFFFFFF80  }
0x506: {  	_ =	swait.ge [sflag:s6], $0x80  }
0x507: {  	[sflag:s6] =	ssyncset.done $0x0  }
0x508: {  	[sflag:s6] =	ssyncadd.s32 $0xFFFFFF80  }
0x509: {  	_ =	swait.ge [sflag:s6], $0x80  }
0x50a: {  	[sflag:s6] =	ssyncset.done $0x0  }
0x50b: {  	[sflag:s6] =	ssyncadd.s32 $0xFFFFFF80  }
0x50c: {  	_ =	swait.ge [sflag:s6], $0x80  }
0x50d: {  	[sflag:s6] =	ssyncset.done $0x0  }
0x50e: {  	[sflag:s6] =	ssyncadd.s32 $0xFFFFFF80  }
0x50f: {  	_ =	swait.ge [sflag:s6], $0x80  }
0x510: {  	[sflag:s6] =	ssyncset.done $0x0  }
0x511: {  	[sflag:s6] =	ssyncadd.s32 $0xFFFFFF80  }
0x512: {  	_ =	swait.ge [sflag:s6], $0x80  }
0x513: {  	[sflag:s6] =	ssyncset.done $0x0  }
0x514: {  	[sflag:s6] =	ssyncadd.s32 $0xFFFFFF80  }
0x515: {  	_ =	swait.ge [sflag:s6], $0x80  }
0x516: {  	[sflag:s6] =	ssyncset.done $0x0  }
0x517: {  	[sflag:s6] =	ssyncadd.s32 $0xFFFFFF80  }
0x518: {  	_ =	swait.ge [sflag:s6], $0x80  }
0x519: {  	[sflag:s6] =	ssyncset.done $0x0  }
0x51a: {  	[sflag:s6] =	ssyncadd.s32 $0xFFFFFF80  }
0x51b: {  	[bflag:$0x0] =	sbarrier.arrive $0xFFFF  }
0x51c: {  	s30 =	rddreg [dreg:$0x7]  }
0x51d: {  	[hbm:s30@s7], [sflag:s3] =	dma.strided [spmem:s4@s8], $0x50, s6, $0x10   }
0x51e: {  	_ =	swait.ge [sflag:s5], $0x50  }
0x51f: {  	[sflag:s5] =	ssyncset.done $0x0  }
0x520: {  	[sflag:s5] =	ssyncadd.s32 $0xFFFFFFB0  }
0x521: {  	_ =	sfence.sel $0x180000  }
0x522: {  	[bflag:$0x0] =	sbarrier.arrive $0xFFFF  }
0x523: {  	_ =	strace $0x90000047  }
0x524: {  	s31 =	stileid.u32;
	[bflag:$0x2] =	sbarrier.arrive $0xFFFF  }
0x525: {  	p0 =	sne.s32 s31, $0x0;
	s0 =	rddreg [dreg:$0x3]  }
0x526: {  	s0 =	sadd.s32 @!p0 $0x100000, s0  }
0x527: {  	[sflag:s0] =	ssyncadd.tile.s32 @!p0 $0x1;
	_ =	shalt  }
.Lfunc_end2:
_tile_overlayer_lowered:
.L_overlay_start_2:
0x528: {  	(tag) =	ssettag $0x2  }
0x529: {  	s0 =	rddreg [dreg:$0x0];
	s2 =	stileid.u32  }
0x52a: {  	s1 =	rddreg [dreg:$0x1];
	p0 =	sne.s32 s2, $0x0  }
0x52b: {  	s3 =	rddreg [dreg:$0x2];
	[bflag:$0x3] =	sbarrier.arrive $0xFFFF;
	s2 =	simm.s32 @!p0 $0x1C02  }
0x52c: {  	[timem:s3], [sflag:s2] =	dma.local @!p0 [hbm:s0], s1  }
0x52d: {  	s0 =	simm.s32 @!p0 $0x2  }
0x52e: {  	_ =	swait.ge @!p0 [sflag:s0], s1  }
0x52f: {  	s1 =	ssub.s32 @!p0 $0x0, s1;
	[sflag:s0] =	ssyncset.done @!p0 $0x0  }
0x530: {  	[sflag:s0] =	ssyncadd.s32 @!p0 s1  }
0x531: {  	[bflag:$0x3] =	sbarrier.arrive $0xFFFF  }
0x532: {  	_ =	shalt  }

// kernel: kernel.9.cloned.1.call-start
scs
__scs_entry_jumppad:
0x0: {  	(pc) =	sbr.rel $0x88, $3  }
0x1: {  	(tag) =	ssettag $0x0;
	lr =	simm.s32 $0x1  }
0x2: {  	[smem:$0x3F9D] =	sst lr;
	_ =	strace $0xD0000000  }
0x3: {  	_ = 	snop  }
0x4: {  	_ = 	snop  }
0x5: {  	_ = 	snop  }
0x6: {  	_ = 	snop  }
0x7: {  	_ = 	snop  }
__scs_overlays_trampoline_lowered:
0x8: {  	[smem:$0x3FAC] =	sst s0  }
0x9: {  	[smem:$0x3FAD] =	sst s1  }
0xa: {  	[smem:$0x3FAE] =	sst s2  }
0xb: {  	[smem:$0x3FAF] =	sst s3  }
0xc: {  	[smem:$0x3FB0] =	sst s4  }
0xd: {  	[smem:$0x3FB1] =	sst s5  }
0xe: {  	[smem:$0x3FB2] =	sst s6  }
0xf: {  	[smem:$0x3FB3] =	sst s7  }
0x10: {  	[smem:$0x3FB4] =	sst s8  }
0x11: {  	[smem:$0x3FB5] =	sst s9;
	s0 =	simm.s32 @!p0 $0x0  }
0x12: {  	s1 =	sld [smem:$0x3F9B];
	s0 =	simm.s32 @p0 $0x1  }
0x13: {  	[smem:$0x3FB6] =	sst s0;
	s0 =	simm.s32 @!p1 $0x0  }
0x14: {  	s2 =	sld [smem:$0x3F9A];
	s0 =	simm.s32 @p1 $0x1  }
0x15: {  	[smem:$0x3FB7] =	sst s0;
	s0 =	simm.s32 @!p2 $0x0  }
0x16: {  	s3 =	sld [smem:$0x3FDB];
	s0 =	simm.s32 @p2 $0x1  }
0x17: {  	s4 =	simm.s32 $0x1BF5;
	[smem:$0x3FB9] =	sst s0  }
0x18: {  	s0 =	sld [smem:$0x3F9C];
	_ =	swait.ge [sflag:s4], $0x0  }
0x19: {  	s7 =	sld [smem:$0x3F9D]  }
0x1a: {  	s8 =	sadd.s32 $0xFFFFE003, lr  }
0x1b: {  	s9 =	sadd.s32 $0xFFFFFEF7, lr;
	s5 =	simm.s32 $0xFFFFFFFF;
	p2 =	slt.u32 s8, $0xFFFFF086  }
0x1c: {  	p1 =	slt.u32 s9, $0xF7A;
	s5 =	simm.s32 @!p2 $0x0  }
0x1d: {  	s5 =	simm.s32 @p1 $0x1;
	p0 =	seq.s32 s7, s2  }
0x1e: {  	s7 =	smul.u32 @!p0 $0xF7A, s2;
	p2 =	seq.s32 @!p0 s5, $0x0  }
0x1f: {  	s9 =	smul.u32 $0xF7A, s1;
	s8 =	simm.s32 @!p0 $0x1BF5;
	p2 =	por !p2, p0  }
0x20: {  	[sflag:s8] =	ssyncset.s32 @!p0 $0xFFFFF086;
	s6 =	sadd.s32 @!p0 s3, s7;
	s7 =	simm.s32 @!p0 $0x108  }
0x21: {  	s3 =	sadd.s32 s3, s9;
	s6 =	sadd.s32 @!p0 $0x88, s6;
	s7 =	simm.s32 @p2 $0x1082  }
0x22: {  	[simem:s7], [sflag:s8] =	dma.local @!p0 [hbm:s6], $0xF7A  }
0x23: {  	s9 =	sor.u32 $0xD0000000, s2;
	s6 =	simm.s32 $0x108;
	_ =	swait.ge @!p0 [sflag:s8], $0x0  }
0x24: {  	s3 =	sadd.s32 $0x88, s3;
	s6 =	simm.s32 @!p1 $0x1082;
	[sflag:s4] =	ssyncset.s32 $0xFFFFF086  }
0x25: {  	[simem:s6], [sflag:s4] =	dma.local [hbm:s3], $0xF7A  }
0x26: {  	[smem:$0x3F9D] =	sst s1;
	(tag) =	ssettag s2;
	_ =	strace s9  }
0x27: {  	s1 =	sld [smem:$0x3FAD]  }
0x28: {  	s2 =	sld [smem:$0x3FAE]  }
0x29: {  	s4 =	sld [smem:$0x3FB0]  }
0x2a: {  	p0 =	seq.s32 s5, $0x0;
	s5 =	sld [smem:$0x3FB1]  }
0x2b: {  	s6 =	sld [smem:$0x3FB2]  }
0x2c: {  	s7 =	sld [smem:$0x3FB3]  }
0x2d: {  	s3 =	simm.s32 $0x108;
	s8 =	sld [smem:$0x3FB4]  }
0x2e: {  	s3 =	simm.s32 @!p0 $0x1082;
	s9 =	sld [smem:$0x3FB5]  }
0x2f: {  	lr =	sadd.s32 s0, s3;
	s0 =	sld [smem:$0x3FAC]  }
0x30: {  	s3 =	sld [smem:$0x3FAF]  }
0x31: {  	[smem:$0x3FB8] =	sst s10  }
0x32: {  	s10 =	sld [smem:$0x3FB6];
	_ =	sdelay $0x3  }
0x33: {  	p0 =	seq.s32 s10, $0x1;
	s10 =	sld [smem:$0x3FB8];
	_ =	sdelay $0x3  }
0x34: {  	[smem:$0x3FB8] =	sst s10  }
0x35: {  	s10 =	sld [smem:$0x3FB7];
	_ =	sdelay $0x3  }
0x36: {  	p1 =	seq.s32 s10, $0x1;
	s10 =	sld [smem:$0x3FB8];
	_ =	sdelay $0x3  }
0x37: {  	[smem:$0x3FB8] =	sst s10  }
0x38: {  	s10 =	sld [smem:$0x3FB9]  }
0x39: {  	_ = 	snop;
	(pc) =	sbr.ind lr, $3  }
0x3a: {  	_ = 	snop  }
0x3b: {  	_ = 	snop  }
0x3c: {  	p2 =	seq.s32 s10, $0x1;
	s10 =	sld [smem:$0x3FB8]  }
0x3d: {  	_ =	shalt  }
0x3e: {  	_ =	shalt  }
0x3f: {  	_ =	shalt  }
0x40: {  	_ =	shalt  }
0x41: {  	_ =	shalt  }
0x42: {  	_ =	shalt  }
0x43: {  	_ =	shalt  }
0x44: {  	_ =	shalt  }
0x45: {  	_ =	shalt  }
0x46: {  	_ =	shalt  }
0x47: {  	_ =	shalt  }
0x48: {  	_ =	shalt  }
0x49: {  	_ =	shalt  }
0x4a: {  	_ =	shalt  }
0x4b: {  	_ =	shalt  }
0x4c: {  	_ =	shalt  }
0x4d: {  	_ =	shalt  }
0x4e: {  	_ =	shalt  }
0x4f: {  	_ =	shalt  }
0x50: {  	_ =	shalt  }
0x51: {  	_ =	shalt  }
0x52: {  	_ =	shalt  }
0x53: {  	_ =	shalt  }
0x54: {  	_ =	shalt  }
0x55: {  	_ =	shalt  }
0x56: {  	_ =	shalt  }
0x57: {  	_ =	shalt  }
0x58: {  	_ =	shalt  }
0x59: {  	_ =	shalt  }
0x5a: {  	_ =	shalt  }
0x5b: {  	_ =	shalt  }
0x5c: {  	_ =	shalt  }
0x5d: {  	_ =	shalt  }
0x5e: {  	_ =	shalt  }
0x5f: {  	_ =	shalt  }
0x60: {  	_ =	shalt  }
0x61: {  	_ =	shalt  }
0x62: {  	_ =	shalt  }
0x63: {  	_ =	shalt  }
0x64: {  	_ =	shalt  }
0x65: {  	_ =	shalt  }
0x66: {  	_ =	shalt  }
0x67: {  	_ =	shalt  }
0x68: {  	_ =	shalt  }
0x69: {  	_ =	shalt  }
0x6a: {  	_ =	shalt  }
0x6b: {  	_ =	shalt  }
0x6c: {  	_ =	shalt  }
0x6d: {  	_ =	shalt  }
0x6e: {  	_ =	shalt  }
0x6f: {  	_ =	shalt  }
0x70: {  	_ =	shalt  }
0x71: {  	_ =	shalt  }
0x72: {  	_ =	shalt  }
0x73: {  	_ =	shalt  }
0x74: {  	_ =	shalt  }
0x75: {  	_ =	shalt  }
0x76: {  	_ =	shalt  }
0x77: {  	_ =	shalt  }
0x78: {  	_ =	shalt  }
0x79: {  	_ =	shalt  }
0x7a: {  	_ =	shalt  }
0x7b: {  	_ =	shalt  }
0x7c: {  	_ =	shalt  }
0x7d: {  	_ =	shalt  }
0x7e: {  	_ =	shalt  }
0x7f: {  	_ =	shalt  }
0x80: {  	_ =	shalt  }
0x81: {  	_ =	shalt  }
0x82: {  	_ =	shalt  }
0x83: {  	_ =	shalt  }
0x84: {  	_ =	shalt  }
0x85: {  	_ =	shalt  }
0x86: {  	_ =	shalt  }
0x87: {  	_ =	shalt  }
.Lfunc_end0:
.L_simem_size_0:
called_computation.1_lowered:
.L_overlay_start_0:
0x88: {  	s2 =	sld [smem:$0x3FD9]  }
0x89: {  	s3 =	sld [smem:$0x3FFE];
	_ =	sdelay $0x1  }
0x8a: {  	s1 =	srdreg.scid  }
0x8b: {  	s0 =	sand.u32 $0x1, s1  }
0x8c: {  	s16 =	sshll.u32 s0, $0xA;
	s2 =	sadd.s32 s3, s2  }
0x8d: {  	s2 =	sadd.s32 s2, s16  }
0x8e: {  	[smem:$0x3FC4] =	sst s2  }
0x8f: {  	_ = 	snop  }
0x90: {  	(tm) =	ssettm $0x1  }
0x91: {  	s17 =	sld [smem:$0x3FFB];
	_ =	sdelay $0x3  }
0x92: {  	_ =	strace s17  }
0x93: {  	s2 =	sld [smem:$0x3FFC];
	_ =	sdelay $0x3  }
0x94: {  	_ =	strace s2  }
0x95: {  	s2 =	sld [smem:$0x3FFD];
	_ =	sdelay $0x3  }
0x96: {  	_ =	strace s2  }
0x97: {  	_ =	strace $0x8FFFFFFF  }
0x98: {  	s18 =	sld [smem:$0x3FDB];
	_ =	sdelay $0x1  }
0x99: {  	s19 =	simm.s32 $_scs_section_size  }
0x9a: {  	s4 =	simm.s32 $_size__tile_overlayer_lowered;
	s5 =	simm.s32 $_tile_overlayer_lowered  }
0x9b: {  	s22 =	simm.s32 $0x1BFF;
	s21 =	sshll.u32 s5, $0x1;
	s2 =	sadd.s32 s19, s18  }
0x9c: {  	s6 =	simm.s32 $0x0;
	s20 =	sshll.u32 s4, $0x1;
	s4 =	sadd.s32 s21, s2  }
0x9d: {  	[timem:s6], [sflag:s22] =	dma.local [hbm:s4], s20  }
0x9e: {  	_ =	swait.ge [sflag:s22], s20  }
0x9f: {  	s3 =	ssub.s32 $0x0, s20;
	[sflag:s22] =	ssyncset.done $0x0  }
0xa0: {  	[sflag:s22] =	ssyncadd.s32 s3;
	_ =	sdelay $0x1  }
0xa1: {  	s23 =	simm.s32 $0x1B8B  }
0xa2: {  	_ =	swait.ge [sflag:s23], $0x1  }
0xa3: {  	[sflag:s23] =	ssyncset.done $0x0  }
0xa4: {  	s25 =	simm.s32 $0x1B8E;
	s24 =	sld [smem:$0x3FFE];
	[sflag:s23] =	ssyncadd.s32 $0xFFFFFFFF  }
0xa5: {  	s26 =	simm.s32 $execute0_lowered;
	[smem:$0x3FD2] =	sst s25  }
0xa6: {  	s4 =	sshll.u32 s26, $0x1;
	_ =	strace $0x80000049;
	[dreg:$0x1] =	wrdreg $0xFFFFFFFF  }
0xa7: {  	s28 =	simm.s32 $_size_execute0_lowered;
	s2 =	sadd.s32 s2, s4;
	[dreg:$0x0] =	wrdreg $0x0  }
0xa8: {  	s4 =	sshll.u32 s28, $0x1;
	[dreg:$0x2] =	wrdreg s2  }
0xa9: {  	[dreg:$0x3] =	wrdreg s4  }
0xaa: {  	[dreg:$0x4] =	wrdreg $0xC0  }
0xab: {  	_ =	task [dreg:s6], $0x5FFFF  }
0xac: {  	[dreg:$0x1] =	wrdreg $0xFFFFFFFF  }
0xad: {  	[dreg:$0x0] =	wrdreg $0x60  }
0xae: {  	[dreg:$0x2] =	wrdreg s24  }
0xaf: {  	[dreg:$0x3] =	wrdreg $0xA3800  }
0xb0: {  	[dreg:$0x4] =	wrdreg $0x9  }
0xb1: {  	_ =	task.clear_ibuf [dreg:s6], $0x5FFFF;
	_ =	strace $0x90000049  }
0xb2: {  	s29 =	simm.s32 $0x9;
	_ =	strace $0x8000004B  }
0xb3: {  	_ =	swait.ge [sflag:s29], $0x1  }
0xb4: {  	[sflag:s29] =	ssyncadd.s32 $0xFFFFFFFF  }
0xb5: {  	_ =	strace $0x9000004B  }
0xb6: {  	_ =	sfence  }
0xb7: {  	s30 =	sld [smem:$0x0];
	_ =	sdelay $0x2  }
0xb8: {  	s31 =	sshll.u32 s1, $0xD;
	s1 =	sshrl.u32 s1, $0x2  }
0xb9: {  	s3 =	sand.u32 $0x4000, s31;
	s1 =	sadd.s32 s1, s30  }
0xba: {  	s0 =	sor.u32 s3, s0;
	s1 =	sshll.u32 s1, $0x11  }
0xbb: {  	s0 =	sor.u32 s1, s0  }
0xbc: {  	s0 =	sadd.s32 $0x8F2B, s0  }
0xbd: {  	[sflag:s0] =	ssyncadd.remote.s32 $0x1  }
0xbe: {  	_ =	sfence.sel $0xFFFF  }
0xbf: {  	[dreg:$0x0] =	wrdreg $0xFFFFFFFF;
	(pc) =	sbr.abs _section_cstart, $3  }
0xc0: {  	[dreg:$0x1] =	wrdreg $0xFFFFFFFF  }
0xc1: {  	_ =	task.clear_ibuf [dreg:s6], $0x2FFFF;
	_ =	strace $0x9FFFFFFF  }
0xc2: {  	(tm) =	ssettm $0x7FFFFFFF  }
0xc3: {  	_ =	shalt  }
tec
execute0_lowered:
.L_overlay_start_1:
0x0: {  	(tag) =	ssettag $0x1  }
0x1: {  	s1 =	srdreg.scid  }
0x2: {  	s0 =	stileid.u32;
	s6 =	rddreg [dreg:$0x0]  }
0x3: {  	s2 =	rddreg [dreg:$0x1];
	s3 =	simm.s32 $0x0;
	s13 =	simm.s32 $0x2780  }
0x4: {  	s14 =	simm.s32 $0x2B80;
	s15 =	simm.s32 $0x2800;
	s16 =	simm.s32 $0x5380  }
0x5: {  	s17 =	simm.s32 $0x1;
	s18 =	simm.s32 $0x2980;
	s19 =	simm.s32 $0x2880  }
0x6: {  	s20 =	simm.s32 $0x7B80;
	s21 =	simm.s32 $0x2A00;
	s22 =	simm.s32 $0x2  }
0x7: {  	s23 =	simm.s32 $0x2A80;
	s24 =	simm.s32 $0x0;
	s5 =	sand.u32 $0x1, s1  }
0x8: {  	s26 =	sshll.u32 s0, $0x1;
	s8 =	smul.u32 $0x14000, s0;
	[smem:$0x7FF] =	sst s3  }
0x9: {  	s4 =	sadd.s32 $0xB400, s6;
	s28 =	smul.u32 $0x50000, s0;
	s31 =	sshll.u32 s0, $0x6  }
0xa: {  	s1 =	sor.u32 s5, s26;
	s9 =	smul.u32 $0x140000, s5;
	s5 =	ssub.s32 $0x2, s5  }
0xb: {  	s7 =	smul.u32 $0x4E2, s1;
	s1 =	rddreg [dreg:$0x2];
	_ =	strace $0x8000004A  }
0xc: {  	s10 =	sshrl.u32 s8, $0x3;
	s29 =	sshrl.u32 s5, $0x1;
	s30 =	sshrl.u32 s28, $0x2  }
0xd: {  	s8 =	sadd.s32 s8, s9;
	s10 =	sadd.s32 s10, s6;
	s11 =	ssub.s32 s5, s29  }
0xe: {  	s12 =	sadd.s32 s30, s2;
	s7 =	sadd.s32 s7, s6;
	s8 =	sshrl.u32 s8, $0x3  }
0xf: {  	s5 =	sadd.s32 $0x33400, s10;
	s9 =	smax.u32 s11, $0x1;
	s10 =	sshrl.u32 s12, $0x3  }
0x10: {  	s11 =	simm.s32 $0x3;
	s12 =	simm.s32 $0x50;
	s8 =	sadd.s32 s8, s6  }
0x11: {  	s6 =	sor.u32 $0x1C03, s31;
	s7 =	sadd.s32 $0x1600, s7;
	s8 =	sadd.s32 $0x5B400, s8  }
.LBB2_1:
0x12: {  	[spmem:s10], [sflag:s6] =	dma.local [hbm:s5], $0x2800  }
0x13: {  	_ =	swait.ge [sflag:s11], $0x2800  }
0x14: {  	[sflag:s11] =	ssyncset.done $0x0  }
0x15: {  	[sflag:s11] =	ssyncadd.s32 $0xFFFFD800  }
0x16: {  	[tilespmem:s3], [sflag:$0x3] =	stream.linear.gather [hbm4b:s7+s3], $0x2710, $0x38;
	[tilespmem:$0x1E380] =	vst v63  }
0x17: {  	_ =	swait.ge [sflag:s11], $0x2710  }
0x18: {  	[sflag:s11] =	ssyncset.done $0x0  }
0x19: {  	[sflag:s11] =	ssyncadd.s32 $0xFFFFD8F0  }
0x1a: {  	[bflag:$0x0] =	sbarrier.arrive $0xFFFF  }
0x1b: {  	v0 =	vld [tilespmem:$0x0];
	_ =	sdelay $0x1  }
0x1c: {  	v1 =	vld [tilespmem:$0x10];
	_ =	sdelay $0x1  }
0x1d: {  	v2 =	vld [tilespmem:$0x20]  }
0x1e: {  	v3 =	vand.u32 $0xFFFF, v0  }
0x1f: {  	v0 =	vshra.s32 v0, $0x10;
	[tilespmem:$0x2780] =	vst v3;
	v3 =	vld [tilespmem:$0x30]  }
0x20: {  	[tilespmem:$0x2980] =	vst v0;
	v0 =	vand.u32 $0xFFFF, v1  }
0x21: {  	[tilespmem:$0x2790] =	vst v0;
	v0 =	vshra.s32 v1, $0x10;
	v1 =	vld [tilespmem:$0x40]  }
0x22: {  	[tilespmem:$0x2990] =	vst v0;
	v0 =	vand.u32 $0xFFFF, v2  }
0x23: {  	[tilespmem:$0x27A0] =	vst v0;
	v0 =	vshra.s32 v2, $0x10  }
0x24: {  	[tilespmem:$0x29A0] =	vst v0;
	v0 =	vand.u32 $0xFFFF, v3  }
0x25: {  	[tilespmem:$0x27B0] =	vst v0;
	v0 =	vshra.s32 v3, $0x10  }
0x26: {  	[tilespmem:$0x29B0] =	vst v0;
	v0 =	vand.u32 $0xFFFF, v1  }
0x27: {  	[tilespmem:$0x27C0] =	vst v0;
	v0 =	vshra.s32 v1, $0x10  }
0x28: {  	[tilespmem:$0x29C0] =	vst v0  }
0x29: {  	[tilespmem:s14], [sflag:$0x1] =	stream.indirect.gather [hbm4b:s4+s12], $0x80, s13, s12, $0xb8;
	[tilespmem:$0x1E380] =	vst v63  }
0x2a: {  	v0 =	vld [tilespmem:$0x50];
	_ =	sdelay $0x1  }
0x2b: {  	v1 =	vld [tilespmem:$0x60];
	_ =	sdelay $0x1  }
0x2c: {  	v2 =	vld [tilespmem:$0x70]  }
0x2d: {  	v3 =	vand.u32 $0xFFFF, v0  }
0x2e: {  	v0 =	vshra.s32 v0, $0x10;
	[tilespmem:$0x2800] =	vst v3;
	v3 =	vld [tilespmem:$0x80]  }
0x2f: {  	[tilespmem:$0x2A00] =	vst v0;
	v0 =	vand.u32 $0xFFFF, v1  }
0x30: {  	[tilespmem:$0x2810] =	vst v0;
	v0 =	vshra.s32 v1, $0x10;
	v1 =	vld [tilespmem:$0x90]  }
0x31: {  	[tilespmem:$0x2A10] =	vst v0;
	v0 =	vand.u32 $0xFFFF, v2  }
0x32: {  	[tilespmem:$0x2820] =	vst v0;
	v0 =	vshra.s32 v2, $0x10  }
0x33: {  	[tilespmem:$0x2A20] =	vst v0;
	v0 =	vand.u32 $0xFFFF, v3  }
0x34: {  	[tilespmem:$0x2830] =	vst v0;
	v0 =	vshra.s32 v3, $0x10  }
0x35: {  	[tilespmem:$0x2A30] =	vst v0;
	v0 =	vand.u32 $0xFFFF, v1  }
0x36: {  	[tilespmem:$0x2840] =	vst v0;
	v0 =	vshra.s32 v1, $0x10  }
0x37: {  	[tilespmem:$0x2A40] =	vst v0  }
0x38: {  	[tilespmem:s16], [sflag:$0x1] =	stream.indirect.gather [hbm4b:s4+s12], $0x80, s15, s12, $0xb8;
	[tilespmem:$0x1E380] =	vst v63  }
0x39: {  	_ =	swait.ge [sflag:s17], $0x2800  }
0x3a: {  	[sflag:s17] =	ssyncset.done $0x0  }
0x3b: {  	[sflag:s17] =	ssyncadd.s32 $0xFFFFD800  }
0x3c: {  	[spmem:s2] =	stream.indirect.scatter.add.f32 [tilespmem:s14], [sflag:$0x2], $0x80, s18, s12, $0xb8;
	[tilespmem:$0x1E380] =	vst v63  }
0x3d: {  	v0 =	vld [tilespmem:$0xA0];
	_ =	sdelay $0x1  }
0x3e: {  	v1 =	vld [tilespmem:$0xB0];
	_ =	sdelay $0x1  }
0x3f: {  	v2 =	vld [tilespmem:$0xC0]  }
0x40: {  	v3 =	vand.u32 $0xFFFF, v0  }
0x41: {  	v0 =	vshra.s32 v0, $0x10;
	[tilespmem:$0x2880] =	vst v3;
	v3 =	vld [tilespmem:$0xD0]  }
0x42: {  	[tilespmem:$0x2A80] =	vst v0;
	v0 =	vand.u32 $0xFFFF, v1  }
0x43: {  	[tilespmem:$0x2890] =	vst v0;
	v0 =	vshra.s32 v1, $0x10;
	v1 =	vld [tilespmem:$0xE0]  }
0x44: {  	[tilespmem:$0x2A90] =	vst v0;
	v0 =	vand.u32 $0xFFFF, v2  }
0x45: {  	[tilespmem:$0x28A0] =	vst v0;
	v0 =	vshra.s32 v2, $0x10  }
0x46: {  	[tilespmem:$0x2AA0] =	vst v0;
	v0 =	vand.u32 $0xFFFF, v3  }
0x47: {  	[tilespmem:$0x28B0] =	vst v0;
	v0 =	vshra.s32 v3, $0x10  }
0x48: {  	[tilespmem:$0x2AB0] =	vst v0;
	v0 =	vand.u32 $0xFFFF, v1  }
0x49: {  	[tilespmem:$0x28C0] =	vst v0;
	v0 =	vshra.s32 v1, $0x10  }
0x4a: {  	[tilespmem:$0x2AC0] =	vst v0  }
0x4b: {  	[tilespmem:s20], [sflag:$0x1] =	stream.indirect.gather [hbm4b:s4+s12], $0x80, s19, s12, $0xb8;
	[tilespmem:$0x1E380] =	vst v63  }
0x4c: {  	_ =	swait.ge [sflag:s17], $0x2800  }
0x4d: {  	[sflag:s17] =	ssyncset.done $0x0  }
0x4e: {  	[sflag:s17] =	ssyncadd.s32 $0xFFFFD800  }
0x4f: {  	[spmem:s2] =	stream.indirect.scatter.add.f32 [tilespmem:s16], [sflag:$0x2], $0x80, s21, s12, $0xb8;
	[tilespmem:$0x1E380] =	vst v63  }
0x50: {  	_ =	swait.ge [sflag:s22], $0x2800  }
0x51: {  	[sflag:s22] =	ssyncset.done $0x0  }
0x52: {  	s25 =	simm.s32 $0x1D0;
	[sflag:s22] =	ssyncadd.s32 $0xFFFFD800  }
0x53: {  	v0 =	vld [tilespmem:s25+$0xFFFFFF20];
	_ =	sdelay $0x4  }
0x54: {  	v1 =	vand.u32 $0xFFFF, v0  }
0x55: {  	v0 =	vshra.s32 v0, $0x10;
	[tilespmem:$0x2780] =	vst v1  }
0x56: {  	s26 =	sand.u32 $0x3FF0, s3;
	[tilespmem:$0x2980] =	vst v0  }
0x57: {  	v0 =	vld [tilespmem:s26+$0x100];
	_ =	sdelay $0x4  }
0x58: {  	v1 =	vand.u32 $0xFFFF, v0  }
0x59: {  	v0 =	vshra.s32 v0, $0x10;
	[tilespmem:$0x2790] =	vst v1  }
0x5a: {  	[tilespmem:$0x2990] =	vst v0  }
0x5b: {  	v0 =	vld [tilespmem:s25+$0xFFFFFF40];
	_ =	sdelay $0x4  }
0x5c: {  	v1 =	vand.u32 $0xFFFF, v0  }
0x5d: {  	v0 =	vshra.s32 v0, $0x10;
	[tilespmem:$0x27A0] =	vst v1  }
0x5e: {  	[tilespmem:$0x29A0] =	vst v0  }
0x5f: {  	v0 =	vld [tilespmem:s25+$0xFFFFFF50];
	_ =	sdelay $0x4  }
0x60: {  	v1 =	vand.u32 $0xFFFF, v0  }
0x61: {  	v0 =	vshra.s32 v0, $0x10;
	[tilespmem:$0x27B0] =	vst v1  }
0x62: {  	[tilespmem:$0x29B0] =	vst v0  }
0x63: {  	v0 =	vld [tilespmem:s25+$0xFFFFFF60];
	_ =	sdelay $0x4  }
0x64: {  	v1 =	vand.u32 $0xFFFF, v0  }
0x65: {  	v0 =	vshra.s32 v0, $0x10;
	[tilespmem:$0x27C0] =	vst v1  }
0x66: {  	[tilespmem:$0x29C0] =	vst v0  }
0x67: {  	[tilespmem:s14], [sflag:$0x1] =	stream.indirect.gather [hbm4b:s4+s12], $0x80, s13, s12, $0xb8;
	[tilespmem:$0x1E380] =	vst v63  }
0x68: {  	_ =	swait.ge [sflag:s17], $0x2800  }
0x69: {  	[sflag:s17] =	ssyncset.done $0x0  }
0x6a: {  	[sflag:s17] =	ssyncadd.s32 $0xFFFFD800  }
0x6b: {  	[spmem:s2] =	stream.indirect.scatter.add.f32 [tilespmem:s20], [sflag:$0x2], $0x80, s23, s12, $0xb8;
	[tilespmem:$0x1E380] =	vst v63  }
0x6c: {  	_ =	swait.ge [sflag:s22], $0x2800  }
0x6d: {  	[sflag:s22] =	ssyncset.done $0x0  }
0x6e: {  	[sflag:s22] =	ssyncadd.s32 $0xFFFFD800  }
0x6f: {  	v0 =	vld [tilespmem:s25+$0xFFFFFF70];
	_ =	sdelay $0x4  }
0x70: {  	v1 =	vand.u32 $0xFFFF, v0  }
0x71: {  	v0 =	vshra.s32 v0, $0x10;
	[tilespmem:$0x2800] =	vst v1  }
0x72: {  	[tilespmem:$0x2A00] =	vst v0  }
0x73: {  	v0 =	vld [tilespmem:s25+$0xFFFFFF80];
	_ =	sdelay $0x4  }
0x74: {  	v1 =	vand.u32 $0xFFFF, v0  }
0x75: {  	v0 =	vshra.s32 v0, $0x10;
	[tilespmem:$0x2810] =	vst v1  }
0x76: {  	[tilespmem:$0x2A10] =	vst v0  }
0x77: {  	v0 =	vld [tilespmem:s25+$0xFFFFFF90];
	_ =	sdelay $0x4  }
0x78: {  	v1 =	vand.u32 $0xFFFF, v0  }
0x79: {  	v0 =	vshra.s32 v0, $0x10;
	[tilespmem:$0x2820] =	vst v1  }
0x7a: {  	[tilespmem:$0x2A20] =	vst v0  }
0x7b: {  	v0 =	vld [tilespmem:s25+$0xFFFFFFA0];
	_ =	sdelay $0x4  }
0x7c: {  	v1 =	vand.u32 $0xFFFF, v0  }
0x7d: {  	v0 =	vshra.s32 v0, $0x10;
	[tilespmem:$0x2830] =	vst v1  }
0x7e: {  	[tilespmem:$0x2A30] =	vst v0  }
0x7f: {  	v0 =	vld [tilespmem:s26+$0x180];
	_ =	sdelay $0x4  }
0x80: {  	v1 =	vand.u32 $0xFFFF, v0  }
0x81: {  	v0 =	vshra.s32 v0, $0x10;
	[tilespmem:$0x2840] =	vst v1  }
0x82: {  	[tilespmem:$0x2A40] =	vst v0  }
0x83: {  	[tilespmem:s16], [sflag:$0x1] =	stream.indirect.gather [hbm4b:s4+s12], $0x80, s15, s12, $0xb8;
	[tilespmem:$0x1E380] =	vst v63  }
0x84: {  	_ =	swait.ge [sflag:s17], $0x2800  }
0x85: {  	[sflag:s17] =	ssyncset.done $0x0  }
0x86: {  	[sflag:s17] =	ssyncadd.s32 $0xFFFFD800  }
0x87: {  	[spmem:s2] =	stream.indirect.scatter.add.f32 [tilespmem:s14], [sflag:$0x2], $0x80, s18, s12, $0xb8;
	[tilespmem:$0x1E380] =	vst v63  }
0x88: {  	_ =	swait.ge [sflag:s22], $0x2800  }
0x89: {  	[sflag:s22] =	ssyncset.done $0x0  }
0x8a: {  	[sflag:s22] =	ssyncadd.s32 $0xFFFFD800  }
0x8b: {  	v0 =	vld [tilespmem:s25+$0xFFFFFFC0];
	_ =	sdelay $0x4  }
0x8c: {  	v1 =	vand.u32 $0xFFFF, v0  }
0x8d: {  	v0 =	vshra.s32 v0, $0x10;
	[tilespmem:$0x2880] =	vst v1  }
0x8e: {  	[tilespmem:$0x2A80] =	vst v0  }
0x8f: {  	v0 =	vld [tilespmem:s25+$0xFFFFFFD0];
	_ =	sdelay $0x4  }
0x90: {  	v1 =	vand.u32 $0xFFFF, v0  }
0x91: {  	v0 =	vshra.s32 v0, $0x10;
	[tilespmem:$0x2890] =	vst v1  }
0x92: {  	[tilespmem:$0x2A90] =	vst v0  }
0x93: {  	v0 =	vld [tilespmem:s25+$0xFFFFFFE0];
	_ =	sdelay $0x4  }
0x94: {  	v1 =	vand.u32 $0xFFFF, v0  }
0x95: {  	v0 =	vshra.s32 v0, $0x10;
	[tilespmem:$0x28A0] =	vst v1  }
0x96: {  	[tilespmem:$0x2AA0] =	vst v0  }
0x97: {  	s28 =	simm.s32 $0xF0;
	s26 =	simm.s32 $0x1D0;
	v0 =	vld [tilespmem:s25+$0xFFFFFFF0]  }
.LBB2_2:
0x98: {  	_ =	sdelay $0x2  }
0x99: {  	p0 =	sne.s32 s28, $0x2490  }
0x9a: {  	s25 =	sadd.s32 $0xF0, s25;
	s29 =	smov.u32 s28;
	s28 =	sadd.s32 $0xF0, s28;
	v1 =	vand.u32 $0xFFFF, v0;
	v0 =	vshra.s32 v0, $0x10  }
0x9b: {  	[tilespmem:$0x28B0] =	vst v1  }
0x9c: {  	[tilespmem:$0x2AB0] =	vst v0  }
0x9d: {  	v0 =	vld [tilespmem:s26+$0x0];
	s26 =	smov.u32 s25;
	_ =	sdelay $0x4  }
0x9e: {  	v1 =	vand.u32 $0xFFFF, v0;
	v0 =	vshra.s32 v0, $0x10  }
0x9f: {  	[tilespmem:$0x28C0] =	vst v1  }
0xa0: {  	[tilespmem:$0x2AC0] =	vst v0  }
0xa1: {  	[tilespmem:s20], [sflag:$0x1] =	stream.indirect.gather [hbm4b:s4+s12], $0x80, s19, s12, $0xb8;
	[tilespmem:$0x1E380] =	vst v63  }
0xa2: {  	_ =	swait.ge [sflag:s17], $0x2800  }
0xa3: {  	[sflag:s17] =	ssyncset.done $0x0  }
0xa4: {  	[sflag:s17] =	ssyncadd.s32 $0xFFFFD800  }
0xa5: {  	[spmem:s2] =	stream.indirect.scatter.add.f32 [tilespmem:s16], [sflag:$0x2], $0x80, s21, s12, $0xb8;
	[tilespmem:$0x1E380] =	vst v63  }
0xa6: {  	_ =	swait.ge [sflag:s22], $0x2800  }
0xa7: {  	[sflag:s22] =	ssyncset.done $0x0  }
0xa8: {  	[sflag:s22] =	ssyncadd.s32 $0xFFFFD800  }
0xa9: {  	v0 =	vld [tilespmem:s25+$0xFFFFFF20];
	_ =	sdelay $0x4  }
0xaa: {  	v1 =	vand.u32 $0xFFFF, v0;
	v0 =	vshra.s32 v0, $0x10  }
0xab: {  	s29 =	sand.u32 $0x3FF0, s29;
	[tilespmem:$0x2780] =	vst v1  }
0xac: {  	[tilespmem:$0x2980] =	vst v0  }
0xad: {  	v0 =	vld [tilespmem:s29+$0x100];
	_ =	sdelay $0x4  }
0xae: {  	v1 =	vand.u32 $0xFFFF, v0;
	v0 =	vshra.s32 v0, $0x10  }
0xaf: {  	[tilespmem:$0x2790] =	vst v1  }
0xb0: {  	[tilespmem:$0x2990] =	vst v0  }
0xb1: {  	v0 =	vld [tilespmem:s25+$0xFFFFFF40];
	_ =	sdelay $0x4  }
0xb2: {  	v1 =	vand.u32 $0xFFFF, v0;
	v0 =	vshra.s32 v0, $0x10  }
0xb3: {  	[tilespmem:$0x27A0] =	vst v1  }
0xb4: {  	[tilespmem:$0x29A0] =	vst v0  }
0xb5: {  	v0 =	vld [tilespmem:s25+$0xFFFFFF50];
	_ =	sdelay $0x4  }
0xb6: {  	v1 =	vand.u32 $0xFFFF, v0;
	v0 =	vshra.s32 v0, $0x10  }
0xb7: {  	[tilespmem:$0x27B0] =	vst v1  }
0xb8: {  	[tilespmem:$0x29B0] =	vst v0  }
0xb9: {  	v0 =	vld [tilespmem:s25+$0xFFFFFF60];
	_ =	sdelay $0x4  }
0xba: {  	v1 =	vand.u32 $0xFFFF, v0;
	v0 =	vshra.s32 v0, $0x10  }
0xbb: {  	[tilespmem:$0x27C0] =	vst v1  }
0xbc: {  	[tilespmem:$0x29C0] =	vst v0  }
0xbd: {  	[tilespmem:s14], [sflag:$0x1] =	stream.indirect.gather [hbm4b:s4+s12], $0x80, s13, s12, $0xb8;
	[tilespmem:$0x1E380] =	vst v63  }
0xbe: {  	_ =	swait.ge [sflag:s17], $0x2800  }
0xbf: {  	[sflag:s17] =	ssyncset.done $0x0  }
0xc0: {  	[sflag:s17] =	ssyncadd.s32 $0xFFFFD800  }
0xc1: {  	[spmem:s2] =	stream.indirect.scatter.add.f32 [tilespmem:s20], [sflag:$0x2], $0x80, s23, s12, $0xb8;
	[tilespmem:$0x1E380] =	vst v63  }
0xc2: {  	_ =	swait.ge [sflag:s22], $0x2800  }
0xc3: {  	[sflag:s22] =	ssyncset.done $0x0  }
0xc4: {  	[sflag:s22] =	ssyncadd.s32 $0xFFFFD800  }
0xc5: {  	v0 =	vld [tilespmem:s25+$0xFFFFFF70];
	_ =	sdelay $0x4  }
0xc6: {  	v1 =	vand.u32 $0xFFFF, v0;
	v0 =	vshra.s32 v0, $0x10  }
0xc7: {  	[tilespmem:$0x2800] =	vst v1  }
0xc8: {  	[tilespmem:$0x2A00] =	vst v0  }
0xc9: {  	v0 =	vld [tilespmem:s25+$0xFFFFFF80];
	_ =	sdelay $0x4  }
0xca: {  	v1 =	vand.u32 $0xFFFF, v0;
	v0 =	vshra.s32 v0, $0x10  }
0xcb: {  	[tilespmem:$0x2810] =	vst v1  }
0xcc: {  	[tilespmem:$0x2A10] =	vst v0  }
0xcd: {  	v0 =	vld [tilespmem:s25+$0xFFFFFF90];
	_ =	sdelay $0x4  }
0xce: {  	v1 =	vand.u32 $0xFFFF, v0;
	v0 =	vshra.s32 v0, $0x10  }
0xcf: {  	[tilespmem:$0x2820] =	vst v1  }
0xd0: {  	[tilespmem:$0x2A20] =	vst v0  }
0xd1: {  	v0 =	vld [tilespmem:s25+$0xFFFFFFA0];
	_ =	sdelay $0x4  }
0xd2: {  	v1 =	vand.u32 $0xFFFF, v0;
	v0 =	vshra.s32 v0, $0x10  }
0xd3: {  	[tilespmem:$0x2830] =	vst v1  }
0xd4: {  	[tilespmem:$0x2A30] =	vst v0  }
0xd5: {  	v0 =	vld [tilespmem:s29+$0x180];
	_ =	sdelay $0x4  }
0xd6: {  	v1 =	vand.u32 $0xFFFF, v0;
	v0 =	vshra.s32 v0, $0x10  }
0xd7: {  	[tilespmem:$0x2840] =	vst v1  }
0xd8: {  	[tilespmem:$0x2A40] =	vst v0  }
0xd9: {  	[tilespmem:s16], [sflag:$0x1] =	stream.indirect.gather [hbm4b:s4+s12], $0x80, s15, s12, $0xb8;
	[tilespmem:$0x1E380] =	vst v63  }
0xda: {  	_ =	swait.ge [sflag:s17], $0x2800  }
0xdb: {  	[sflag:s17] =	ssyncset.done $0x0  }
0xdc: {  	[sflag:s17] =	ssyncadd.s32 $0xFFFFD800  }
0xdd: {  	[spmem:s2] =	stream.indirect.scatter.add.f32 [tilespmem:s14], [sflag:$0x2], $0x80, s18, s12, $0xb8;
	[tilespmem:$0x1E380] =	vst v63  }
0xde: {  	_ =	swait.ge [sflag:s22], $0x2800  }
0xdf: {  	[sflag:s22] =	ssyncset.done $0x0  }
0xe0: {  	[sflag:s22] =	ssyncadd.s32 $0xFFFFD800  }
0xe1: {  	v0 =	vld [tilespmem:s25+$0xFFFFFFC0];
	_ =	sdelay $0x4  }
0xe2: {  	v1 =	vand.u32 $0xFFFF, v0;
	v0 =	vshra.s32 v0, $0x10  }
0xe3: {  	[tilespmem:$0x2880] =	vst v1  }
0xe4: {  	[tilespmem:$0x2A80] =	vst v0  }
0xe5: {  	v0 =	vld [tilespmem:s25+$0xFFFFFFD0];
	_ =	sdelay $0x4  }
0xe6: {  	v1 =	vand.u32 $0xFFFF, v0;
	v0 =	vshra.s32 v0, $0x10  }
0xe7: {  	[tilespmem:$0x2890] =	vst v1  }
0xe8: {  	[tilespmem:$0x2A90] =	vst v0  }
0xe9: {  	v0 =	vld [tilespmem:s25+$0xFFFFFFE0];
	_ =	sdelay $0x3  }
.Ltmp0:
0xea: {  	(pc) =	sbr.rel @p0 .LBB2_2-.Ltmp0, $4  }
0xeb: {  	v1 =	vand.u32 $0xFFFF, v0;
	v0 =	vshra.s32 v0, $0x10  }
0xec: {  	[tilespmem:$0x28A0] =	vst v1  }
0xed: {  	[tilespmem:$0x2AA0] =	vst v0  }
0xee: {  	v0 =	vld [tilespmem:s25+$0xFFFFFFF0]  }
0xef: {  	_ =	sdelay $0x3  }
0xf0: {  	v1 =	vand.u32 $0xFFFF, v0  }
0xf1: {  	v36 =	vshra.s32 v0, $0x10;
	[tilespmem:$0x28B0] =	vst v1  }
0xf2: {  	[tilespmem:$0x2AB0] =	vst v36  }
0xf3: {  	v0 =	vld [tilespmem:s26+$0x0];
	_ =	sdelay $0x4  }
0xf4: {  	v37 =	vand.u32 $0xFFFF, v0  }
0xf5: {  	v0 =	vshra.s32 v0, $0x10;
	[tilespmem:$0x28C0] =	vst v37  }
0xf6: {  	[tilespmem:$0x2AC0] =	vst v0  }
0xf7: {  	[tilespmem:s20], [sflag:$0x1] =	stream.indirect.gather [hbm4b:s4+s12], $0x80, s19, s12, $0xb8;
	[tilespmem:$0x1E380] =	vst v63  }
0xf8: {  	_ =	swait.ge [sflag:s17], $0x2800  }
0xf9: {  	[sflag:s17] =	ssyncset.done $0x0  }
0xfa: {  	[sflag:s17] =	ssyncadd.s32 $0xFFFFD800  }
0xfb: {  	[spmem:s2] =	stream.indirect.scatter.add.f32 [tilespmem:s16], [sflag:$0x2], $0x80, s21, s12, $0xb8;
	[tilespmem:$0x1E380] =	vst v63  }
0xfc: {  	_ =	swait.ge [sflag:s22], $0x2800  }
0xfd: {  	[sflag:s22] =	ssyncset.done $0x0  }
0xfe: {  	[sflag:s22] =	ssyncadd.s32 $0xFFFFD800  }
0xff: {  	v38 =	vld [tilespmem:$0x2670];
	_ =	sdelay $0x1  }
0x100: {  	v39 =	vld [tilespmem:$0x2680];
	_ =	sdelay $0x1  }
0x101: {  	v2 =	vld [tilespmem:$0x2690]  }
0x102: {  	v3 =	vand.u32 $0xFFFF, v38  }
0x103: {  	v40 =	vld [tilespmem:$0x26A0];
	v0 =	vshra.s32 v38, $0x10;
	[tilespmem:$0x2780] =	vst v3  }
0x104: {  	v41 =	vand.u32 $0xFFFF, v39;
	[tilespmem:$0x2980] =	vst v0  }
0x105: {  	v43 =	vld [tilespmem:$0x26B0];
	v42 =	vshra.s32 v39, $0x10;
	[tilespmem:$0x2790] =	vst v41  }
0x106: {  	v44 =	vand.u32 $0xFFFF, v2;
	[tilespmem:$0x2990] =	vst v42  }
0x107: {  	v45 =	vshra.s32 v2, $0x10;
	[tilespmem:$0x27A0] =	vst v44  }
0x108: {  	v46 =	vand.u32 $0xFFFF, v40;
	[tilespmem:$0x29A0] =	vst v45  }
0x109: {  	v47 =	vshra.s32 v40, $0x10;
	[tilespmem:$0x27B0] =	vst v46  }
0x10a: {  	v48 =	vand.u32 $0xFFFF, v43;
	[tilespmem:$0x29B0] =	vst v47  }
0x10b: {  	v49 =	vshra.s32 v43, $0x10;
	[tilespmem:$0x27C0] =	vst v48  }
0x10c: {  	[tilespmem:$0x29C0] =	vst v49  }
0x10d: {  	[tilespmem:s14], [sflag:$0x1] =	stream.indirect.gather [hbm4b:s4+s12], $0x80, s13, s12, $0xb8;
	[tilespmem:$0x1E380] =	vst v63  }
0x10e: {  	_ =	swait.ge [sflag:s17], $0x2800  }
0x10f: {  	[sflag:s17] =	ssyncset.done $0x0  }
0x110: {  	[sflag:s17] =	ssyncadd.s32 $0xFFFFD800  }
0x111: {  	[spmem:s2] =	stream.indirect.scatter.add.f32 [tilespmem:s20], [sflag:$0x2], $0x80, s23, s12, $0xb8;
	[tilespmem:$0x1E380] =	vst v63  }
0x112: {  	_ =	swait.ge [sflag:s22], $0x2800  }
0x113: {  	[sflag:s22] =	ssyncset.done $0x0  }
0x114: {  	[sflag:s22] =	ssyncadd.s32 $0xFFFFD800  }
0x115: {  	v50 =	vld [tilespmem:$0x26C0];
	_ =	sdelay $0x1  }
0x116: {  	v51 =	vld [tilespmem:$0x26D0];
	_ =	sdelay $0x1  }
0x117: {  	v52 =	vld [tilespmem:$0x26E0]  }
0x118: {  	v53 =	vand.u32 $0xFFFF, v50  }
0x119: {  	v54 =	vld [tilespmem:$0x26F0];
	v0 =	vshra.s32 v50, $0x10;
	[tilespmem:$0x2800] =	vst v53  }
0x11a: {  	v55 =	vand.u32 $0xFFFF, v51;
	[tilespmem:$0x2A00] =	vst v0  }
0x11b: {  	v57 =	vld [tilespmem:$0x2700];
	v56 =	vshra.s32 v51, $0x10;
	[tilespmem:$0x2810] =	vst v55  }
0x11c: {  	v58 =	vand.u32 $0xFFFF, v52;
	[tilespmem:$0x2A10] =	vst v56  }
0x11d: {  	v59 =	vshra.s32 v52, $0x10;
	[tilespmem:$0x2820] =	vst v58  }
0x11e: {  	v60 =	vand.u32 $0xFFFF, v54;
	[tilespmem:$0x2A20] =	vst v59  }
0x11f: {  	v61 =	vshra.s32 v54, $0x10;
	[tilespmem:$0x2830] =	vst v60  }
0x120: {  	v62 =	vand.u32 $0xFFFF, v57;
	[tilespmem:$0x2A30] =	vst v61  }
0x121: {  	v63 =	vshra.s32 v57, $0x10;
	[tilespmem:$0x2840] =	vst v62  }
0x122: {  	[tilespmem:$0x2A40] =	vst v63  }
0x123: {  	[tilespmem:s16], [sflag:$0x1] =	stream.indirect.gather [hbm4b:s4+s12], $0x80, s15, s12, $0xb8;
	[tilespmem:$0x1E380] =	vst v63  }
0x124: {  	_ =	swait.ge [sflag:s17], $0x2800  }
0x125: {  	[sflag:s17] =	ssyncset.done $0x0  }
0x126: {  	[sflag:s17] =	ssyncadd.s32 $0xFFFFD800  }
0x127: {  	[spmem:s2] =	stream.indirect.scatter.add.f32 [tilespmem:s14], [sflag:$0x2], $0x80, s18, s12, $0xb8;
	[tilespmem:$0x1E380] =	vst v63  }
0x128: {  	_ =	swait.ge [sflag:s22], $0x2800  }
0x129: {  	[sflag:s22] =	ssyncset.done $0x0  }
0x12a: {  	[sflag:s22] =	ssyncadd.s32 $0xFFFFD800  }
0x12b: {  	_ =	swait.ge [sflag:s17], $0x2800  }
0x12c: {  	[sflag:s17] =	ssyncset.done $0x0  }
0x12d: {  	[sflag:s17] =	ssyncadd.s32 $0xFFFFD800  }
0x12e: {  	[spmem:s2] =	stream.indirect.scatter.add.f32 [tilespmem:s16], [sflag:$0x2], $0x80, s21, s12, $0xb8;
	[tilespmem:$0x1E380] =	vst v63  }
0x12f: {  	_ =	swait.ge [sflag:s22], $0x2800  }
0x130: {  	[sflag:s22] =	ssyncset.done $0x0  }
0x131: {  	[sflag:s22] =	ssyncadd.s32 $0xFFFFD800  }
0x132: {  	_ =	swait.ge [sflag:s22], $0x2800  }
0x133: {  	s24 =	sadd.s32 $0x1, s24;
	[sflag:s22] =	ssyncset.done $0x0  }
0x134: {  	p0 =	sne.s32 s24, s9;
	[sflag:s22] =	ssyncadd.s32 $0xFFFFD800  }
.Ltmp1:
0x135: {  	[bflag:$0x0] =	sbarrier.arrive $0xFFFF;
	(pc) =	sbr.rel @p0 .LBB2_1-.Ltmp1, $4  }
0x136: {  	[hbm:s8], [sflag:s6] =	dma.local [spmem:s10], $0x2800  }
0x137: {  	_ =	swait.ge [sflag:s11], $0x2800  }
0x138: {  	[sflag:s11] =	ssyncset.done $0x0  }
0x139: {  	[sflag:s11] =	ssyncadd.s32 $0xFFFFD800  }
0x13a: {  	_ =	sfence.sel $0x180000  }
0x13b: {  	[bflag:$0x0] =	sbarrier.arrive $0xFFFF  }
0x13c: {  	p0 =	sne.s32 s0, $0x0;
	_ =	strace $0x9000004A  }
0x13d: {  	s0 =	sadd.s32 @!p0 $0x100000, s1;
	[bflag:$0x2] =	sbarrier.arrive $0xFFFF  }
0x13e: {  	[sflag:s0] =	ssyncadd.tile.s32 @!p0 $0x1;
	_ =	shalt  }
.Lfunc_end2:
_tile_overlayer_lowered:
.L_overlay_start_2:
0x13f: {  	(tag) =	ssettag $0x2  }
0x140: {  	s0 =	rddreg [dreg:$0x0];
	s2 =	stileid.u32  }
0x141: {  	s1 =	rddreg [dreg:$0x1];
	p0 =	sne.s32 s2, $0x0  }
0x142: {  	s3 =	rddreg [dreg:$0x2];
	[bflag:$0x3] =	sbarrier.arrive $0xFFFF;
	s2 =	simm.s32 @!p0 $0x1C03  }
0x143: {  	[timem:s3], [sflag:s2] =	dma.local @!p0 [hbm:s0], s1  }
0x144: {  	s0 =	simm.s32 @!p0 $0x3  }
0x145: {  	_ =	swait.ge @!p0 [sflag:s0], s1  }
0x146: {  	s1 =	ssub.s32 @!p0 $0x0, s1;
	[sflag:s0] =	ssyncset.done @!p0 $0x0  }
0x147: {  	[sflag:s0] =	ssyncadd.s32 @!p0 s1  }
0x148: {  	[bflag:$0x3] =	sbarrier.arrive $0xFFFF  }
0x149: {  	_ =	shalt  }

</sc_bundles>
